<compile_context>
chip_gen: v7x
topology: tpu7x:2x2x1
jax: 0.10.2.dev20260603
libtpu: 0.0.44.dev20260713+nightly
codegen_flags: <defaults>
</compile_context>

<pallas_src>
import numpy as np
import jax
import jax.numpy as jnp
from jax import lax
from jax.experimental import pallas as pl
from jax.experimental.pallas import tpu as pltpu
from jax.experimental.pallas import tpu_sc as plsc

_N_FFT = 1024
_HOP = 256
_SR = 44100
_NFRAMES = 8193
_NBF = 513
_NBT = 8193
_FB = 256
_NBLK = 33
_FPAD = _NBLK * _FB
_LANES = 640

_CW = 64
_NCH = 130
_HSZ = _NBF * _CW
_CROWS = _CW + 4
_SWORDS = _CROWS * _LANES
_NWORK = 32

_T_HI = _NBT * _HOP / _SR
_WT = _T_HI / _NBT
_WF = 0.5 / _NBF
_WIN_DUR = _N_FFT / _SR
_F32 = np.float32


def _dft_mat(anchor):
    eye = jnp.eye(_N_FFT, dtype=jnp.float32) * (anchor * 0 + 1)
    tz = jnp.fft.rfft(eye, axis=1)
    pad = ((0, 0), (0, _LANES - _NBF))
    tr = jnp.pad(jnp.real(tz).astype(jnp.float32), pad)
    ti = jnp.pad(jnp.imag(tz).astype(jnp.float32), pad)
    return jnp.concatenate([tr, ti], axis=1)


def _tc_points_body(xp_ref, xs_ref, win_ref, cen_ref, cs_ref, out_ref):
    b = pl.program_id(0)

    def frames_of(ref):
        x = ref[pl.ds(b * _FB, _FB + 3), :]
        fr = jnp.concatenate(
            [x[0:_FB], x[1:_FB + 1], x[2:_FB + 2], x[3:_FB + 3]], axis=1)
        return fr * win_ref[...]

    both = jnp.concatenate([frames_of(xp_ref), frames_of(xs_ref)], axis=0)
    rei = lax.dot_general(
        both, cs_ref[...], (((1,), (0,)), ((), ())),
        precision=lax.Precision.HIGHEST,
        preferred_element_type=jnp.float32)
    re = rei[:_FB, :_LANES]
    im = rei[:_FB, _LANES:]
    rt = rei[_FB:, :_LANES]
    it = rei[_FB:, _LANES:]

    twopi = _F32(2.0 * np.pi)

    ct_re = re * rt + im * it
    ct_im = im * rt - re * it
    f = jnp.mod(jnp.arctan2(ct_im, ct_re) / twopi, _F32(1.0))

    rp = jnp.roll(re, 1, axis=1)
    ip = jnp.roll(im, 1, axis=1)
    cf_re = re * rp + im * ip
    cf_im = im * rp - re * ip
    af = jnp.mod(jnp.arctan2(cf_im, cf_re) / twopi, _F32(1.0))
    lane = lax.broadcasted_iota(jnp.int32, (_FB, _LANES), 1)
    af = jnp.where(lane == 0, _F32(0.0), af)
    delay = _F32(0.5) - af

    t = cen_ref[...] + delay * _F32(_WIN_DUR)

    w = jnp.sqrt(re * re + im * im) / _F32(_NBF)
    inb = (f >= _F32(0.0)) & (f <= _F32(0.5)) \
        & (t >= _F32(0.0)) & (t <= _F32(_T_HI))

    fi = jnp.clip(jnp.floor(f / _F32(_WF)).astype(jnp.int32), 0, _NBF - 1)
    ti = jnp.clip(jnp.floor(t / _F32(_WT)).astype(jnp.int32), 0, _NBT - 1)

    j = b * _FB + lax.broadcasted_iota(jnp.int32, (_FB, _LANES), 0)
    dtc = jnp.clip(ti - j + 1, 0, 7)
    wfin = jnp.where(inb & (j < _NFRAMES), w, _F32(0.0))

    wu = lax.bitcast_convert_type(wfin.astype(jnp.bfloat16), jnp.uint16)
    out_ref[...] = (wu.astype(jnp.int32) << 16) | (fi * 8 + dtc)


def _tc_points(xp2d, xs2d, win2d, cen2d, csmat):
    return pl.pallas_call(
        _tc_points_body,
        grid=(_NBLK,),
        in_specs=[
            pl.BlockSpec(xp2d.shape, lambda b: (0, 0)),
            pl.BlockSpec(xs2d.shape, lambda b: (0, 0)),
            pl.BlockSpec(win2d.shape, lambda b: (0, 0)),
            pl.BlockSpec((_FB, 1), lambda b: (b, 0)),
            pl.BlockSpec((_N_FFT, 2 * _LANES), lambda b: (0, 0)),
        ],
        out_specs=pl.BlockSpec((_FB, _LANES), lambda b: (b, 0)),
        out_shape=jax.ShapeDtypeStruct((_FPAD, _LANES), jnp.int32),
    )(xp2d, xs2d, win2d, cen2d, csmat)


def _sc_hist_kernel(points_hbm, zeros_hbm, out_hbm,
                    stg0, stg1, hist_v, sem0, sem1):
    wid = lax.axis_index("s") * 2 + lax.axis_index("c")
    stgs = (stg0, stg1)
    sems = (sem0, sem1)

    def stage(c, k):
        row0 = jnp.maximum(c * _CW - 4, 0)
        return pltpu.async_copy(
            points_hbm.at[pl.ds(row0 * _LANES, _SWORDS)],
            stgs[k % 2], sems[k % 2])

    def do_chunk(c, stg, nrows):
        row0 = jnp.maximum(c * _CW - 4, 0)
        colbase = row0 - c * _CW - 1

        @plsc.parallel_loop(0, nrows, unroll=2)
        def row_body(rr):
            rbase = rr * _LANES
            cb = colbase + rr

            @plsc.parallel_loop(0, 11, unroll=4)
            def _vecs(v):
                o = rbase + v * 48
                for u in range(3):
                    pv = stg[pl.ds(o + u * 16, 16)]
                    idxl = pv & 0xFFFF
                    wv = lax.bitcast_convert_type(
                        pv & jnp.int32(-65536), jnp.float32)
                    col = (idxl & 7) + cb
                    valid = (col >= 0) & (col < _CW)
                    lidx = (idxl >> 3) * _CW + col
                    plsc.addupdate_scatter(hist_v, [lidx], wv, mask=valid)

        pltpu.sync_copy(hist_v, out_hbm.at[c])

    cp = stage(wid, 0)
    for k in range(4):
        c = wid + _NWORK * k
        pltpu.sync_copy(zeros_hbm, hist_v)
        if k < 3:
            cpn = stage(wid + _NWORK * (k + 1), k + 1)
        cp.wait()
        do_chunk(c, stgs[k % 2], _CROWS)
        if k < 3:
            cp = cpn

    @pl.when(wid == _NWORK - 1)
    def _():
        pltpu.sync_copy(zeros_hbm, hist_v)
        pltpu.sync_copy(
            points_hbm.at[pl.ds((128 * _CW - 4) * _LANES, 5 * _LANES)],
            stg0.at[pl.ds(0, 5 * _LANES)])
        do_chunk(128, stg0, 5)

    @pl.when(wid == _NWORK - 2)
    def _():
        pltpu.sync_copy(zeros_hbm, hist_v)
        pltpu.sync_copy(hist_v, out_hbm.at[129])


def _sc_hist(points_flat, zeros):
    mesh = plsc.VectorSubcoreMesh(core_axis_name="c", subcore_axis_name="s")
    fn = pl.kernel(
        _sc_hist_kernel,
        mesh=mesh,
        compiler_params=pltpu.CompilerParams(needs_layout_passes=False),
        out_type=jax.ShapeDtypeStruct((_NCH, _HSZ), jnp.float32),
        scratch_types=[
            pltpu.VMEM((_SWORDS,), jnp.int32),
            pltpu.VMEM((_SWORDS,), jnp.int32),
            pltpu.VMEM((_HSZ,), jnp.float32),
            pltpu.SemaphoreType.DMA,
            pltpu.SemaphoreType.DMA,
        ],
    )
    return fn(points_flat, zeros)


def _tc_log_body(h_ref, out_ref):
    h = jnp.concatenate([h_ref[0], h_ref[1]], axis=1)
    hm = jnp.maximum(_F32(1e-6), h)
    out_ref[...] = _F32(20.0) * (jnp.log(hm) / jnp.log(_F32(10.0)))


def _tc_log(hblocks):
    return pl.pallas_call(
        _tc_log_body,
        grid=(_NCH // 2,),
        in_specs=[pl.BlockSpec((2, _NBF, _CW), lambda c: (c, 0, 0))],
        out_specs=pl.BlockSpec((_NBF, 2 * _CW), lambda c: (0, c)),
        out_shape=jax.ShapeDtypeStruct((_NBF, _NBT), jnp.float32),
    )(hblocks)


def kernel(signal, window):
    pad = _N_FFT // 2
    xp = jnp.pad(signal, (pad, pad), mode='reflect')
    ts = jnp.roll(signal, 1).at[0].set(0.0)
    xs = jnp.pad(ts, (pad, pad), mode='reflect')

    rows = _FPAD + 8
    total = rows * _HOP
    xp2d = jnp.pad(xp, (0, total - xp.shape[0])).reshape(rows, _HOP)
    xs2d = jnp.pad(xs, (0, total - xs.shape[0])).reshape(rows, _HOP)
    win2d = window.reshape(1, _N_FFT)

    duration = signal.shape[0] / _SR
    win_starts = jnp.arange(0.0, duration, _HOP / _SR)
    eps = float(np.finfo(np.float32).eps)
    centers = win_starts + _WIN_DUR / 2 + eps
    cen2d = jnp.pad(centers, (0, _FPAD - _NFRAMES)).reshape(_FPAD, 1)
    cen2d = cen2d.astype(jnp.float32)

    csmat = _dft_mat(signal[0])
    points = _tc_points(xp2d, xs2d, win2d, cen2d, csmat)
    points_flat = points.reshape(-1)

    zeros = jnp.zeros((_HSZ,), jnp.float32)
    hist = _sc_hist(points_flat, zeros)

    return _tc_log(hist.reshape(_NCH, _NBF, _CW))

# --- scband reference (transcript-rebuilt; emitter-appended) ---
"""Pipeline reference for scband-reassigned-spectrogram-8040178778301 (READ-ONLY COPY).

The authoritative reference and input builder live on the scoring server;
editing this copy changes nothing except your own understanding.
"""

import jax, jax.numpy as jnp
import numpy as np

N_FFT = 1024
WIN_LENGTH = 1024
HOP = 256
SR = 44100
POWER = 1
SIG_LEN = 2097252


def hann_window():
    n = jnp.arange(N_FFT, dtype=jnp.float32)
    return (0.5 - 0.5 * jnp.cos(2.0 * jnp.pi * n / N_FFT)).astype(jnp.float32)


def stft(x, window):
    # torchaudio.transforms.Spectrogram defaults: center=True, pad_mode='reflect',
    # onesided=True, normalized=False, power=None (complex output)
    pad = N_FFT // 2
    xp = jnp.pad(x, (pad, pad), mode='reflect')
    n_frames = 1 + (xp.shape[0] - N_FFT) // HOP
    idx = jnp.arange(n_frames)[:, None] * HOP + jnp.arange(N_FFT)[None, :]
    frames = xp[idx] * window[None, :]
    return jnp.fft.rfft(frames, axis=1).T  # [freq_bins, n_frames]


def arg(values):
    return (jnp.angle(values) / (2.0 * np.pi)) % 1.0


def setup_inputs(seed: int = 0) -> dict:
    key = jax.random.key(seed)
    signal = jax.random.normal(key, (SIG_LEN,), dtype=jnp.float32)
    return {"signal": signal, "window": hann_window()}


def reference(signal, window):
    spec = stft(signal, window)
    spec_mag = jnp.abs(spec) / spec.shape[0]

    # instantaneous frequencies
    ts = jnp.roll(signal, 1).at[0].set(0.0)
    spec_ts = stft(ts, window)
    inst_freqs = arg(spec * jnp.conj(spec_ts))

    # instantaneous time delays
    fs = jnp.roll(spec, 1, axis=0).at[0, :].set(0.0)
    time_delays = 0.5 - arg(spec * jnp.conj(fs))

    win_duration = WIN_LENGTH / SR
    input_bin_count = inst_freqs.shape[0]
    duration = signal.shape[0] / SR
    win_start_times = jnp.arange(0.0, duration, HOP / SR)
    eps = float(np.finfo(np.float32).eps)
    win_center_times = jnp.tile(win_start_times + win_duration / 2 + eps, (input_bin_count, 1))
    reassigned_times = win_center_times + time_delays * win_duration
    reassigned_freqs = inst_freqs

    output_frame_count = int(np.ceil(duration * SR / HOP))
    t_hi = output_frame_count * HOP / SR
    nb_f, nb_t = spec_mag.shape
    lo_f, hi_f = 0.0, 0.5  # onesided

    f = reassigned_freqs.ravel()
    t = reassigned_times.ravel()
    w = spec_mag.ravel()

    wf = (hi_f - lo_f) / nb_f
    wt = (t_hi - 0.0) / nb_t
    inb = (f >= lo_f) & (f <= hi_f) & (t >= 0.0) & (t <= t_hi)
    fi = jnp.clip(jnp.floor((f - lo_f) / wf).astype(jnp.int32), 0, nb_f - 1)
    ti = jnp.clip(jnp.floor(t / wt).astype(jnp.int32), 0, nb_t - 1)
    flat = fi * nb_t + ti
    hist = jnp.zeros(nb_f * nb_t, dtype=spec_mag.dtype).at[flat].add(
        jnp.where(inb, w, jnp.zeros_like(w))).reshape(nb_f, nb_t)

    reassigned_spectrogram = hist ** POWER
    return 20.0 * jnp.log10(jnp.maximum(jnp.float32(1e-06), reassigned_spectrogram))

if __name__ == "__main__":
    import jax
    _d = setup_inputs()
    print(jax.jit(kernel)(*tuple(_d.values())))

</pallas_src>

<mosaic_0001>
#map = affine_map<(d0, d1) -> (0)>
#map1 = affine_map<(d0, d1) -> (0, 0)>
module attributes {stable_mosaic.version = 14 : i64} {
  func.func @_sc_hist_kernel(%arg0: i32, %arg1: i32, %arg2: memref<5406720xi32, #tpu.memory_space<hbm>>, %arg3: memref<32832xf32, #tpu.memory_space<hbm>>, %arg4: memref<130x32832xf32, #tpu.memory_space<hbm>>, %arg5: memref<43520xi32, #tpu.memory_space<vmem>>, %arg6: memref<43520xi32, #tpu.memory_space<vmem>>, %arg7: memref<32832xf32, #tpu.memory_space<vmem>>, %arg8: memref<!tpu.dma_semaphore, #tpu.memory_space<semaphore_mem>>, %arg9: memref<!tpu.dma_semaphore, #tpu.memory_space<semaphore_mem>>) attributes {dimension_semantics = [#tpu.dimension_semantics<core_parallel>, #tpu.dimension_semantics<subcore_parallel>], iteration_bounds = array<i64: 2, 16>, scalar_prefetch = 0 : i64, scratch_operands = 5 : i64, tpu.core_type = #tpu.core_type<sc_vector_subcore>, window_params = [{transform_indices = #map}, {transform_indices = #map}, {transform_indices = #map1}]} {
    %mul3A = arith.constant 2 : i32
    %mul3A_0 = arith.muli %arg1, %mul3A : i32
    %add3A = arith.addi %mul3A_0, %arg0 : i32
    %mul3A_1 = arith.constant 64 : i32
    %mul3A_2 = arith.muli %add3A, %mul3A_1 : i32
    %sub3A = arith.constant 4 : i32
    %sub3A_3 = arith.subi %mul3A_2, %sub3A : i32
    %max3A = arith.constant 0 : i32
    %max3A_4 = arith.maxsi %sub3A_3, %max3A : i32
    %mul3A_5 = arith.constant 640 : i32
    %mul3A_6 = arith.muli %max3A_4, %mul3A_5 : i32
    %dma_start3A = tpu.memref_slice %arg2[%mul3A_6] : memref<5406720xi32, #tpu.memory_space<hbm>> -> memref<43520xi32, #tpu.memory_space<hbm>>
    %dma_start3A_7 = tpu.memref_slice %arg2[%mul3A_6] : memref<5406720xi32, #tpu.memory_space<hbm>> -> memref<43520xi32, #tpu.memory_space<hbm>>
    tpu.enqueue_dma source(%dma_start3A_7 : memref<43520xi32, #tpu.memory_space<hbm>>) target(%arg5 : memref<43520xi32, #tpu.memory_space<vmem>>) target_semaphore(%arg8 : memref<!tpu.dma_semaphore, #tpu.memory_space<semaphore_mem>>)
    %add3A_8 = arith.constant 0 : i32
    %add3A_9 = arith.addi %add3A, %add3A_8 : i32
    "tpu.region"() ({
      %run_scoped3A = tpu.sem_alloc : memref<!tpu.dma_semaphore, #tpu.memory_space<semaphore_mem>>
      tpu.enqueue_dma source(%arg3 : memref<32832xf32, #tpu.memory_space<hbm>>) target(%arg7 : memref<32832xf32, #tpu.memory_space<vmem>>) target_semaphore(%run_scoped3A : memref<!tpu.dma_semaphore, #tpu.memory_space<semaphore_mem>>)
      tpu.wait_dma2 semaphore(%run_scoped3A : memref<!tpu.dma_semaphore, #tpu.memory_space<semaphore_mem>>) src(%arg3 : memref<32832xf32, #tpu.memory_space<hbm>>) dst(%arg7 : memref<32832xf32, #tpu.memory_space<vmem>>)
      tpu.yield
    }) : () -> ()
    %add3A_10 = arith.constant 32 : i32
    %add3A_11 = arith.addi %add3A, %add3A_10 : i32
    %mul3A_12 = arith.constant 64 : i32
    %mul3A_13 = arith.muli %add3A_11, %mul3A_12 : i32
    %sub3A_14 = arith.constant 4 : i32
    %sub3A_15 = arith.subi %mul3A_13, %sub3A_14 : i32
    %max3A_16 = arith.constant 0 : i32
    %max3A_17 = arith.maxsi %sub3A_15, %max3A_16 : i32
    %mul3A_18 = arith.constant 640 : i32
    %mul3A_19 = arith.muli %max3A_17, %mul3A_18 : i32
    %dma_start3A_20 = tpu.memref_slice %arg2[%mul3A_19] : memref<5406720xi32, #tpu.memory_space<hbm>> -> memref<43520xi32, #tpu.memory_space<hbm>>
    %dma_start3A_21 = tpu.memref_slice %arg2[%mul3A_19] : memref<5406720xi32, #tpu.memory_space<hbm>> -> memref<43520xi32, #tpu.memory_space<hbm>>
    tpu.enqueue_dma source(%dma_start3A_21 : memref<43520xi32, #tpu.memory_space<hbm>>) target(%arg6 : memref<43520xi32, #tpu.memory_space<vmem>>) target_semaphore(%arg9 : memref<!tpu.dma_semaphore, #tpu.memory_space<semaphore_mem>>)
    %dma_wait3A = tpu.memref_slice %arg2[%mul3A_6] : memref<5406720xi32, #tpu.memory_space<hbm>> -> memref<43520xi32, #tpu.memory_space<hbm>>
    %dma_wait3A_22 = tpu.memref_slice %arg2[%mul3A_6] : memref<5406720xi32, #tpu.memory_space<hbm>> -> memref<43520xi32, #tpu.memory_space<hbm>>
    tpu.wait_dma2 semaphore(%arg8 : memref<!tpu.dma_semaphore, #tpu.memory_space<semaphore_mem>>) src(%dma_wait3A_22 : memref<43520xi32, #tpu.memory_space<hbm>>) dst(%arg5 : memref<43520xi32, #tpu.memory_space<vmem>>)
    %mul3A_23 = arith.constant 64 : i32
    %mul3A_24 = arith.muli %add3A_9, %mul3A_23 : i32
    %sub3A_25 = arith.constant 4 : i32
    %sub3A_26 = arith.subi %mul3A_24, %sub3A_25 : i32
    %max3A_27 = arith.constant 0 : i32
    %max3A_28 = arith.maxsi %sub3A_26, %max3A_27 : i32
    %mul3A_29 = arith.constant 64 : i32
    %mul3A_30 = arith.muli %add3A_9, %mul3A_29 : i32
    %sub3A_31 = arith.subi %max3A_28, %mul3A_30 : i32
    %sub3A_32 = arith.constant 1 : i32
    %sub3A_33 = arith.subi %sub3A_31, %sub3A_32 : i32
    %parallel_loop3A = arith.constant 0 : i32
    %parallel_loop3A_34 = arith.constant 68 : i32
    %parallel_loop3A_35 = arith.constant 1 : i32
    scf.for %parallel_loop3A_121 = %parallel_loop3A to %parallel_loop3A_34 step %parallel_loop3A_35  : i32 {
      %parallel_loop3A_122 = arith.constant 640 : i32
      %parallel_loop3A_123 = arith.muli %parallel_loop3A_121, %parallel_loop3A_122 : i32
      %parallel_loop3A_124 = arith.addi %sub3A_33, %parallel_loop3A_121 : i32
      %parallel_loop3A_125 = arith.constant 0 : i32
      %parallel_loop3A_126 = arith.constant 11 : i32
      %parallel_loop3A_127 = arith.constant 1 : i32
      scf.for %parallel_loop3A_128 = %parallel_loop3A_125 to %parallel_loop3A_126 step %parallel_loop3A_127  : i32 {
        %parallel_loop3A_129 = arith.constant 48 : i32
        %parallel_loop3A_130 = arith.muli %parallel_loop3A_128, %parallel_loop3A_129 : i32
        %parallel_loop3A_131 = arith.addi %parallel_loop3A_123, %parallel_loop3A_130 : i32
        %parallel_loop3A_132 = arith.constant 0 : i32
        %parallel_loop3A_133 = arith.addi %parallel_loop3A_131, %parallel_loop3A_132 : i32
        %parallel_loop3A_134 = arith.index_cast %parallel_loop3A_133 : i32 to index
        %parallel_loop3A_135 = tpu.vector_load %arg5[%parallel_loop3A_134] {strides = array<i32>} : memref<43520xi32, #tpu.memory_space<vmem>>, vector<16xi32>,
        %parallel_loop3A_136 = arith.constant 65535 : i32
        %parallel_loop3A_137 = vector.broadcast %parallel_loop3A_136 : i32 to vector<16xi32>
        %parallel_loop3A_138 = arith.andi %parallel_loop3A_135, %parallel_loop3A_137 : vector<16xi32>
        %parallel_loop3A_139 = arith.constant -65536 : i32
        %parallel_loop3A_140 = vector.broadcast %parallel_loop3A_139 : i32 to vector<16xi32>
        %parallel_loop3A_141 = arith.andi %parallel_loop3A_135, %parallel_loop3A_140 : vector<16xi32>
        %parallel_loop3A_142 = tpu.bitcast %parallel_loop3A_141 : vector<16xi32> -> vector<16xf32>
        %parallel_loop3A_143 = arith.constant 7 : i32
        %parallel_loop3A_144 = vector.broadcast %parallel_loop3A_143 : i32 to vector<16xi32>
        %parallel_loop3A_145 = arith.andi %parallel_loop3A_138, %parallel_loop3A_144 : vector<16xi32>
        %parallel_loop3A_146 = vector.broadcast %parallel_loop3A_124 : i32 to vector<16xi32>
        %parallel_loop3A_147 = arith.addi %parallel_loop3A_145, %parallel_loop3A_146 : vector<16xi32>
        %parallel_loop3A_148 = arith.constant 0 : i32
        %parallel_loop3A_149 = vector.broadcast %parallel_loop3A_148 : i32 to vector<16xi32>
        %parallel_loop3A_150 = arith.cmpi sge, %parallel_loop3A_147, %parallel_loop3A_149 : vector<16xi32>
        %parallel_loop3A_151 = arith.constant 64 : i32
        %parallel_loop3A_152 = vector.broadcast %parallel_loop3A_151 : i32 to vector<16xi32>
        %parallel_loop3A_153 = arith.cmpi slt, %parallel_loop3A_147, %parallel_loop3A_152 : vector<16xi32>
        %parallel_loop3A_154 = arith.andi %parallel_loop3A_150, %parallel_loop3A_153 : vector<16xi1>
        %parallel_loop3A_155 = arith.constant 3 : i32
        %parallel_loop3A_156 = vector.broadcast %parallel_loop3A_155 : i32 to vector<16xi32>
        %parallel_loop3A_157 = arith.shrsi %parallel_loop3A_138, %parallel_loop3A_156 : vector<16xi32>
        %parallel_loop3A_158 = arith.constant 64 : i32
        %parallel_loop3A_159 = vector.broadcast %parallel_loop3A_158 : i32 to vector<16xi32>
        %parallel_loop3A_160 = arith.muli %parallel_loop3A_157, %parallel_loop3A_159 : vector<16xi32>
        %parallel_loop3A_161 = arith.addi %parallel_loop3A_160, %parallel_loop3A_147 : vector<16xi32>
        tpu.vector_store_idx %arg7[%parallel_loop3A_161], %parallel_loop3A_142 masked %parallel_loop3A_154 {add = true} : memref<32832xf32, #tpu.memory_space<vmem>>[vector<16xi32>], vector<16xf32>, vector<16xi1>
        %parallel_loop3A_162 = arith.constant 16 : i32
        %parallel_loop3A_163 = arith.addi %parallel_loop3A_131, %parallel_loop3A_162 : i32
        %parallel_loop3A_164 = arith.index_cast %parallel_loop3A_163 : i32 to index
        %parallel_loop3A_165 = tpu.vector_load %arg5[%parallel_loop3A_164] {strides = array<i32>} : memref<43520xi32, #tpu.memory_space<vmem>>, vector<16xi32>,
        %parallel_loop3A_166 = arith.constant 65535 : i32
        %parallel_loop3A_167 = vector.broadcast %parallel_loop3A_166 : i32 to vector<16xi32>
        %parallel_loop3A_168 = arith.andi %parallel_loop3A_165, %parallel_loop3A_167 : vector<16xi32>
        %parallel_loop3A_169 = arith.constant -65536 : i32
        %parallel_loop3A_170 = vector.broadcast %parallel_loop3A_169 : i32 to vector<16xi32>
        %parallel_loop3A_171 = arith.andi %parallel_loop3A_165, %parallel_loop3A_170 : vector<16xi32>
        %parallel_loop3A_172 = tpu.bitcast %parallel_loop3A_171 : vector<16xi32> -> vector<16xf32>
        %parallel_loop3A_173 = arith.constant 7 : i32
        %parallel_loop3A_174 = vector.broadcast %parallel_loop3A_173 : i32 to vector<16xi32>
        %parallel_loop3A_175 = arith.andi %parallel_loop3A_168, %parallel_loop3A_174 : vector<16xi32>
        %parallel_loop3A_176 = vector.broadcast %parallel_loop3A_124 : i32 to vector<16xi32>
        %parallel_loop3A_177 = arith.addi %parallel_loop3A_175, %parallel_loop3A_176 : vector<16xi32>
        %parallel_loop3A_178 = arith.constant 0 : i32
        %parallel_loop3A_179 = vector.broadcast %parallel_loop3A_178 : i32 to vector<16xi32>
        %parallel_loop3A_180 = arith.cmpi sge, %parallel_loop3A_177, %parallel_loop3A_179 : vector<16xi32>
        %parallel_loop3A_181 = arith.constant 64 : i32
        %parallel_loop3A_182 = vector.broadcast %parallel_loop3A_181 : i32 to vector<16xi32>
        %parallel_loop3A_183 = arith.cmpi slt, %parallel_loop3A_177, %parallel_loop3A_182 : vector<16xi32>
        %parallel_loop3A_184 = arith.andi %parallel_loop3A_180, %parallel_loop3A_183 : vector<16xi1>
        %parallel_loop3A_185 = arith.constant 3 : i32
        %parallel_loop3A_186 = vector.broadcast %parallel_loop3A_185 : i32 to vector<16xi32>
        %parallel_loop3A_187 = arith.shrsi %parallel_loop3A_168, %parallel_loop3A_186 : vector<16xi32>
        %parallel_loop3A_188 = arith.constant 64 : i32
        %parallel_loop3A_189 = vector.broadcast %parallel_loop3A_188 : i32 to vector<16xi32>
        %parallel_loop3A_190 = arith.muli %parallel_loop3A_187, %parallel_loop3A_189 : vector<16xi32>
        %parallel_loop3A_191 = arith.addi %parallel_loop3A_190, %parallel_loop3A_177 : vector<16xi32>
        tpu.vector_store_idx %arg7[%parallel_loop3A_191], %parallel_loop3A_172 masked %parallel_loop3A_184 {add = true} : memref<32832xf32, #tpu.memory_space<vmem>>[vector<16xi32>], vector<16xf32>, vector<16xi1>
        %parallel_loop3A_192 = arith.constant 32 : i32
        %parallel_loop3A_193 = arith.addi %parallel_loop3A_131, %parallel_loop3A_192 : i32
        %parallel_loop3A_194 = arith.index_cast %parallel_loop3A_193 : i32 to index
        %parallel_loop3A_195 = tpu.vector_load %arg5[%parallel_loop3A_194] {strides = array<i32>} : memref<43520xi32, #tpu.memory_space<vmem>>, vector<16xi32>,
        %parallel_loop3A_196 = arith.constant 65535 : i32
        %parallel_loop3A_197 = vector.broadcast %parallel_loop3A_196 : i32 to vector<16xi32>
        %parallel_loop3A_198 = arith.andi %parallel_loop3A_195, %parallel_loop3A_197 : vector<16xi32>
        %parallel_loop3A_199 = arith.constant -65536 : i32
        %parallel_loop3A_200 = vector.broadcast %parallel_loop3A_199 : i32 to vector<16xi32>
        %parallel_loop3A_201 = arith.andi %parallel_loop3A_195, %parallel_loop3A_200 : vector<16xi32>
        %parallel_loop3A_202 = tpu.bitcast %parallel_loop3A_201 : vector<16xi32> -> vector<16xf32>
        %parallel_loop3A_203 = arith.constant 7 : i32
        %parallel_loop3A_204 = vector.broadcast %parallel_loop3A_203 : i32 to vector<16xi32>
        %parallel_loop3A_205 = arith.andi %parallel_loop3A_198, %parallel_loop3A_204 : vector<16xi32>
        %parallel_loop3A_206 = vector.broadcast %parallel_loop3A_124 : i32 to vector<16xi32>
        %parallel_loop3A_207 = arith.addi %parallel_loop3A_205, %parallel_loop3A_206 : vector<16xi32>
        %parallel_loop3A_208 = arith.constant 0 : i32
        %parallel_loop3A_209 = vector.broadcast %parallel_loop3A_208 : i32 to vector<16xi32>
        %parallel_loop3A_210 = arith.cmpi sge, %parallel_loop3A_207, %parallel_loop3A_209 : vector<16xi32>
        %parallel_loop3A_211 = arith.constant 64 : i32
        %parallel_loop3A_212 = vector.broadcast %parallel_loop3A_211 : i32 to vector<16xi32>
        %parallel_loop3A_213 = arith.cmpi slt, %parallel_loop3A_207, %parallel_loop3A_212 : vector<16xi32>
        %parallel_loop3A_214 = arith.andi %parallel_loop3A_210, %parallel_loop3A_213 : vector<16xi1>
        %parallel_loop3A_215 = arith.constant 3 : i32
        %parallel_loop3A_216 = vector.broadcast %parallel_loop3A_215 : i32 to vector<16xi32>
        %parallel_loop3A_217 = arith.shrsi %parallel_loop3A_198, %parallel_loop3A_216 : vector<16xi32>
        %parallel_loop3A_218 = arith.constant 64 : i32
        %parallel_loop3A_219 = vector.broadcast %parallel_loop3A_218 : i32 to vector<16xi32>
        %parallel_loop3A_220 = arith.muli %parallel_loop3A_217, %parallel_loop3A_219 : vector<16xi32>
        %parallel_loop3A_221 = arith.addi %parallel_loop3A_220, %parallel_loop3A_207 : vector<16xi32>
        tpu.vector_store_idx %arg7[%parallel_loop3A_221], %parallel_loop3A_202 masked %parallel_loop3A_214 {add = true} : memref<32832xf32, #tpu.memory_space<vmem>>[vector<16xi32>], vector<16xf32>, vector<16xi1>
      } {sc.loop_unroll_factor = 4 : i64, sc.parallel_access}
    } {sc.loop_unroll_factor = 2 : i64, sc.parallel_access}
    "tpu.region"() ({
      %run_scoped3A = tpu.sem_alloc : memref<!tpu.dma_semaphore, #tpu.memory_space<semaphore_mem>>
      %dma_start3A_121 = arith.constant 0 : i32
      %dma_start3A_122 = tpu.memref_slice %arg4[%add3A_9, %dma_start3A_121] : memref<130x32832xf32, #tpu.memory_space<hbm>> -> memref<1x32832xf32, #tpu.memory_space<hbm>>
      %dma_start3A_123 = tpu.memref_squeeze %dma_start3A_122 : memref<1x32832xf32, #tpu.memory_space<hbm>> -> memref<32832xf32, #tpu.memory_space<hbm>>
      %dma_start3A_124 = arith.constant 0 : i32
      %dma_start3A_125 = tpu.memref_slice %arg4[%add3A_9, %dma_start3A_124] : memref<130x32832xf32, #tpu.memory_space<hbm>> -> memref<1x32832xf32, #tpu.memory_space<hbm>>
      %dma_start3A_126 = tpu.memref_squeeze %dma_start3A_125 : memref<1x32832xf32, #tpu.memory_space<hbm>> -> memref<32832xf32, #tpu.memory_space<hbm>>
      tpu.enqueue_dma source(%arg7 : memref<32832xf32, #tpu.memory_space<vmem>>) target(%dma_start3A_126 : memref<32832xf32, #tpu.memory_space<hbm>>) target_semaphore(%run_scoped3A : memref<!tpu.dma_semaphore, #tpu.memory_space<semaphore_mem>>)
      %dma_wait3A_127 = arith.constant 0 : i32
      %dma_wait3A_128 = tpu.memref_slice %arg4[%add3A_9, %dma_wait3A_127] : memref<130x32832xf32, #tpu.memory_space<hbm>> -> memref<1x32832xf32, #tpu.memory_space<hbm>>
      %dma_wait3A_129 = tpu.memref_squeeze %dma_wait3A_128 : memref<1x32832xf32, #tpu.memory_space<hbm>> -> memref<32832xf32, #tpu.memory_space<hbm>>
      %dma_wait3A_130 = arith.constant 0 : i32
      %dma_wait3A_131 = tpu.memref_slice %arg4[%add3A_9, %dma_wait3A_130] : memref<130x32832xf32, #tpu.memory_space<hbm>> -> memref<1x32832xf32, #tpu.memory_space<hbm>>
      %dma_wait3A_132 = tpu.memref_squeeze %dma_wait3A_131 : memref<1x32832xf32, #tpu.memory_space<hbm>> -> memref<32832xf32, #tpu.memory_space<hbm>>
      tpu.wait_dma2 semaphore(%run_scoped3A : memref<!tpu.dma_semaphore, #tpu.memory_space<semaphore_mem>>) src(%arg7 : memref<32832xf32, #tpu.memory_space<vmem>>) dst(%dma_wait3A_132 : memref<32832xf32, #tpu.memory_space<hbm>>)
      tpu.yield
    }) : () -> ()
    %add3A_36 = arith.constant 32 : i32
    %add3A_37 = arith.addi %add3A, %add3A_36 : i32
    "tpu.region"() ({
      %run_scoped3A = tpu.sem_alloc : memref<!tpu.dma_semaphore, #tpu.memory_space<semaphore_mem>>
      tpu.enqueue_dma source(%arg3 : memref<32832xf32, #tpu.memory_space<hbm>>) target(%arg7 : memref<32832xf32, #tpu.memory_space<vmem>>) target_semaphore(%run_scoped3A : memref<!tpu.dma_semaphore, #tpu.memory_space<semaphore_mem>>)
      tpu.wait_dma2 semaphore(%run_scoped3A : memref<!tpu.dma_semaphore, #tpu.memory_space<semaphore_mem>>) src(%arg3 : memref<32832xf32, #tpu.memory_space<hbm>>) dst(%arg7 : memref<32832xf32, #tpu.memory_space<vmem>>)
      tpu.yield
    }) : () -> ()
    %add3A_38 = arith.constant 64 : i32
    %add3A_39 = arith.addi %add3A, %add3A_38 : i32
    %mul3A_40 = arith.constant 64 : i32
    %mul3A_41 = arith.muli %add3A_39, %mul3A_40 : i32
    %sub3A_42 = arith.constant 4 : i32
    %sub3A_43 = arith.subi %mul3A_41, %sub3A_42 : i32
    %max3A_44 = arith.constant 0 : i32
    %max3A_45 = arith.maxsi %sub3A_43, %max3A_44 : i32
    %mul3A_46 = arith.constant 640 : i32
    %mul3A_47 = arith.muli %max3A_45, %mul3A_46 : i32
    %dma_start3A_48 = tpu.memref_slice %arg2[%mul3A_47] : memref<5406720xi32, #tpu.memory_space<hbm>> -> memref<43520xi32, #tpu.memory_space<hbm>>
    %dma_start3A_49 = tpu.memref_slice %arg2[%mul3A_47] : memref<5406720xi32, #tpu.memory_space<hbm>> -> memref<43520xi32, #tpu.memory_space<hbm>>
    tpu.enqueue_dma source(%dma_start3A_49 : memref<43520xi32, #tpu.memory_space<hbm>>) target(%arg5 : memref<43520xi32, #tpu.memory_space<vmem>>) target_semaphore(%arg8 : memref<!tpu.dma_semaphore, #tpu.memory_space<semaphore_mem>>)
    %dma_wait3A_50 = tpu.memref_slice %arg2[%mul3A_19] : memref<5406720xi32, #tpu.memory_space<hbm>> -> memref<43520xi32, #tpu.memory_space<hbm>>
    %dma_wait3A_51 = tpu.memref_slice %arg2[%mul3A_19] : memref<5406720xi32, #tpu.memory_space<hbm>> -> memref<43520xi32, #tpu.memory_space<hbm>>
    tpu.wait_dma2 semaphore(%arg9 : memref<!tpu.dma_semaphore, #tpu.memory_space<semaphore_mem>>) src(%dma_wait3A_51 : memref<43520xi32, #tpu.memory_space<hbm>>) dst(%arg6 : memref<43520xi32, #tpu.memory_space<vmem>>)
    %mul3A_52 = arith.constant 64 : i32
    %mul3A_53 = arith.muli %add3A_37, %mul3A_52 : i32
    %sub3A_54 = arith.constant 4 : i32
    %sub3A_55 = arith.subi %mul3A_53, %sub3A_54 : i32
    %max3A_56 = arith.constant 0 : i32
    %max3A_57 = arith.maxsi %sub3A_55, %max3A_56 : i32
    %mul3A_58 = arith.constant 64 : i32
    %mul3A_59 = arith.muli %add3A_37, %mul3A_58 : i32
    %sub3A_60 = arith.subi %max3A_57, %mul3A_59 : i32
    %sub3A_61 = arith.constant 1 : i32
    %sub3A_62 = arith.subi %sub3A_60, %sub3A_61 : i32
    %parallel_loop3A_63 = arith.constant 0 : i32
    %parallel_loop3A_64 = arith.constant 68 : i32
    %parallel_loop3A_65 = arith.constant 1 : i32
    scf.for %parallel_loop3A_121 = %parallel_loop3A_63 to %parallel_loop3A_64 step %parallel_loop3A_65  : i32 {
      %parallel_loop3A_122 = arith.constant 640 : i32
      %parallel_loop3A_123 = arith.muli %parallel_loop3A_121, %parallel_loop3A_122 : i32
      %parallel_loop3A_124 = arith.addi %sub3A_62, %parallel_loop3A_121 : i32
      %parallel_loop3A_125 = arith.constant 0 : i32
      %parallel_loop3A_126 = arith.constant 11 : i32
      %parallel_loop3A_127 = arith.constant 1 : i32
      scf.for %parallel_loop3A_128 = %parallel_loop3A_125 to %parallel_loop3A_126 step %parallel_loop3A_127  : i32 {
        %parallel_loop3A_129 = arith.constant 48 : i32
        %parallel_loop3A_130 = arith.muli %parallel_loop3A_128, %parallel_loop3A_129 : i32
        %parallel_loop3A_131 = arith.addi %parallel_loop3A_123, %parallel_loop3A_130 : i32
        %parallel_loop3A_132 = arith.constant 0 : i32
        %parallel_loop3A_133 = arith.addi %parallel_loop3A_131, %parallel_loop3A_132 : i32
        %parallel_loop3A_134 = arith.index_cast %parallel_loop3A_133 : i32 to index
        %parallel_loop3A_135 = tpu.vector_load %arg6[%parallel_loop3A_134] {strides = array<i32>} : memref<43520xi32, #tpu.memory_space<vmem>>, vector<16xi32>,
        %parallel_loop3A_136 = arith.constant 65535 : i32
        %parallel_loop3A_137 = vector.broadcast %parallel_loop3A_136 : i32 to vector<16xi32>
        %parallel_loop3A_138 = arith.andi %parallel_loop3A_135, %parallel_loop3A_137 : vector<16xi32>
        %parallel_loop3A_139 = arith.constant -65536 : i32
        %parallel_loop3A_140 = vector.broadcast %parallel_loop3A_139 : i32 to vector<16xi32>
        %parallel_loop3A_141 = arith.andi %parallel_loop3A_135, %parallel_loop3A_140 : vector<16xi32>
        %parallel_loop3A_142 = tpu.bitcast %parallel_loop3A_141 : vector<16xi32> -> vector<16xf32>
        %parallel_loop3A_143 = arith.constant 7 : i32
        %parallel_loop3A_144 = vector.broadcast %parallel_loop3A_143 : i32 to vector<16xi32>
        %parallel_loop3A_145 = arith.andi %parallel_loop3A_138, %parallel_loop3A_144 : vector<16xi32>
        %parallel_loop3A_146 = vector.broadcast %parallel_loop3A_124 : i32 to vector<16xi32>
        %parallel_loop3A_147 = arith.addi %parallel_loop3A_145, %parallel_loop3A_146 : vector<16xi32>
        %parallel_loop3A_148 = arith.constant 0 : i32
        %parallel_loop3A_149 = vector.broadcast %parallel_loop3A_148 : i32 to vector<16xi32>
        %parallel_loop3A_150 = arith.cmpi sge, %parallel_loop3A_147, %parallel_loop3A_149 : vector<16xi32>
        %parallel_loop3A_151 = arith.constant 64 : i32
        %parallel_loop3A_152 = vector.broadcast %parallel_loop3A_151 : i32 to vector<16xi32>
        %parallel_loop3A_153 = arith.cmpi slt, %parallel_loop3A_147, %parallel_loop3A_152 : vector<16xi32>
        %parallel_loop3A_154 = arith.andi %parallel_loop3A_150, %parallel_loop3A_153 : vector<16xi1>
        %parallel_loop3A_155 = arith.constant 3 : i32
        %parallel_loop3A_156 = vector.broadcast %parallel_loop3A_155 : i32 to vector<16xi32>
        %parallel_loop3A_157 = arith.shrsi %parallel_loop3A_138, %parallel_loop3A_156 : vector<16xi32>
        %parallel_loop3A_158 = arith.constant 64 : i32
        %parallel_loop3A_159 = vector.broadcast %parallel_loop3A_158 : i32 to vector<16xi32>
        %parallel_loop3A_160 = arith.muli %parallel_loop3A_157, %parallel_loop3A_159 : vector<16xi32>
        %parallel_loop3A_161 = arith.addi %parallel_loop3A_160, %parallel_loop3A_147 : vector<16xi32>
        tpu.vector_store_idx %arg7[%parallel_loop3A_161], %parallel_loop3A_142 masked %parallel_loop3A_154 {add = true} : memref<32832xf32, #tpu.memory_space<vmem>>[vector<16xi32>], vector<16xf32>, vector<16xi1>
        %parallel_loop3A_162 = arith.constant 16 : i32
        %parallel_loop3A_163 = arith.addi %parallel_loop3A_131, %parallel_loop3A_162 : i32
        %parallel_loop3A_164 = arith.index_cast %parallel_loop3A_163 : i32 to index
        %parallel_loop3A_165 = tpu.vector_load %arg6[%parallel_loop3A_164] {strides = array<i32>} : memref<43520xi32, #tpu.memory_space<vmem>>, vector<16xi32>,
        %parallel_loop3A_166 = arith.constant 65535 : i32
        %parallel_loop3A_167 = vector.broadcast %parallel_loop3A_166 : i32 to vector<16xi32>
        %parallel_loop3A_168 = arith.andi %parallel_loop3A_165, %parallel_loop3A_167 : vector<16xi32>
        %parallel_loop3A_169 = arith.constant -65536 : i32
        %parallel_loop3A_170 = vector.broadcast %parallel_loop3A_169 : i32 to vector<16xi32>
        %parallel_loop3A_171 = arith.andi %parallel_loop3A_165, %parallel_loop3A_170 : vector<16xi32>
        %parallel_loop3A_172 = tpu.bitcast %parallel_loop3A_171 : vector<16xi32> -> vector<16xf32>
        %parallel_loop3A_173 = arith.constant 7 : i32
        %parallel_loop3A_174 = vector.broadcast %parallel_loop3A_173 : i32 to vector<16xi32>
        %parallel_loop3A_175 = arith.andi %parallel_loop3A_168, %parallel_loop3A_174 : vector<16xi32>
        %parallel_loop3A_176 = vector.broadcast %parallel_loop3A_124 : i32 to vector<16xi32>
        %parallel_loop3A_177 = arith.addi %parallel_loop3A_175, %parallel_loop3A_176 : vector<16xi32>
        %parallel_loop3A_178 = arith.constant 0 : i32
        %parallel_loop3A_179 = vector.broadcast %parallel_loop3A_178 : i32 to vector<16xi32>
        %parallel_loop3A_180 = arith.cmpi sge, %parallel_loop3A_177, %parallel_loop3A_179 : vector<16xi32>
        %parallel_loop3A_181 = arith.constant 64 : i32
        %parallel_loop3A_182 = vector.broadcast %parallel_loop3A_181 : i32 to vector<16xi32>
        %parallel_loop3A_183 = arith.cmpi slt, %parallel_loop3A_177, %parallel_loop3A_182 : vector<16xi32>
        %parallel_loop3A_184 = arith.andi %parallel_loop3A_180, %parallel_loop3A_183 : vector<16xi1>
        %parallel_loop3A_185 = arith.constant 3 : i32
        %parallel_loop3A_186 = vector.broadcast %parallel_loop3A_185 : i32 to vector<16xi32>
        %parallel_loop3A_187 = arith.shrsi %parallel_loop3A_168, %parallel_loop3A_186 : vector<16xi32>
        %parallel_loop3A_188 = arith.constant 64 : i32
        %parallel_loop3A_189 = vector.broadcast %parallel_loop3A_188 : i32 to vector<16xi32>
        %parallel_loop3A_190 = arith.muli %parallel_loop3A_187, %parallel_loop3A_189 : vector<16xi32>
        %parallel_loop3A_191 = arith.addi %parallel_loop3A_190, %parallel_loop3A_177 : vector<16xi32>
        tpu.vector_store_idx %arg7[%parallel_loop3A_191], %parallel_loop3A_172 masked %parallel_loop3A_184 {add = true} : memref<32832xf32, #tpu.memory_space<vmem>>[vector<16xi32>], vector<16xf32>, vector<16xi1>
        %parallel_loop3A_192 = arith.constant 32 : i32
        %parallel_loop3A_193 = arith.addi %parallel_loop3A_131, %parallel_loop3A_192 : i32
        %parallel_loop3A_194 = arith.index_cast %parallel_loop3A_193 : i32 to index
        %parallel_loop3A_195 = tpu.vector_load %arg6[%parallel_loop3A_194] {strides = array<i32>} : memref<43520xi32, #tpu.memory_space<vmem>>, vector<16xi32>,
        %parallel_loop3A_196 = arith.constant 65535 : i32
        %parallel_loop3A_197 = vector.broadcast %parallel_loop3A_196 : i32 to vector<16xi32>
        %parallel_loop3A_198 = arith.andi %parallel_loop3A_195, %parallel_loop3A_197 : vector<16xi32>
        %parallel_loop3A_199 = arith.constant -65536 : i32
        %parallel_loop3A_200 = vector.broadcast %parallel_loop3A_199 : i32 to vector<16xi32>
        %parallel_loop3A_201 = arith.andi %parallel_loop3A_195, %parallel_loop3A_200 : vector<16xi32>
        %parallel_loop3A_202 = tpu.bitcast %parallel_loop3A_201 : vector<16xi32> -> vector<16xf32>
        %parallel_loop3A_203 = arith.constant 7 : i32
        %parallel_loop3A_204 = vector.broadcast %parallel_loop3A_203 : i32 to vector<16xi32>
        %parallel_loop3A_205 = arith.andi %parallel_loop3A_198, %parallel_loop3A_204 : vector<16xi32>
        %parallel_loop3A_206 = vector.broadcast %parallel_loop3A_124 : i32 to vector<16xi32>
        %parallel_loop3A_207 = arith.addi %parallel_loop3A_205, %parallel_loop3A_206 : vector<16xi32>
        %parallel_loop3A_208 = arith.constant 0 : i32
        %parallel_loop3A_209 = vector.broadcast %parallel_loop3A_208 : i32 to vector<16xi32>
        %parallel_loop3A_210 = arith.cmpi sge, %parallel_loop3A_207, %parallel_loop3A_209 : vector<16xi32>
        %parallel_loop3A_211 = arith.constant 64 : i32
        %parallel_loop3A_212 = vector.broadcast %parallel_loop3A_211 : i32 to vector<16xi32>
        %parallel_loop3A_213 = arith.cmpi slt, %parallel_loop3A_207, %parallel_loop3A_212 : vector<16xi32>
        %parallel_loop3A_214 = arith.andi %parallel_loop3A_210, %parallel_loop3A_213 : vector<16xi1>
        %parallel_loop3A_215 = arith.constant 3 : i32
        %parallel_loop3A_216 = vector.broadcast %parallel_loop3A_215 : i32 to vector<16xi32>
        %parallel_loop3A_217 = arith.shrsi %parallel_loop3A_198, %parallel_loop3A_216 : vector<16xi32>
        %parallel_loop3A_218 = arith.constant 64 : i32
        %parallel_loop3A_219 = vector.broadcast %parallel_loop3A_218 : i32 to vector<16xi32>
        %parallel_loop3A_220 = arith.muli %parallel_loop3A_217, %parallel_loop3A_219 : vector<16xi32>
        %parallel_loop3A_221 = arith.addi %parallel_loop3A_220, %parallel_loop3A_207 : vector<16xi32>
        tpu.vector_store_idx %arg7[%parallel_loop3A_221], %parallel_loop3A_202 masked %parallel_loop3A_214 {add = true} : memref<32832xf32, #tpu.memory_space<vmem>>[vector<16xi32>], vector<16xf32>, vector<16xi1>
      } {sc.loop_unroll_factor = 4 : i64, sc.parallel_access}
    } {sc.loop_unroll_factor = 2 : i64, sc.parallel_access}
    "tpu.region"() ({
      %run_scoped3A = tpu.sem_alloc : memref<!tpu.dma_semaphore, #tpu.memory_space<semaphore_mem>>
      %dma_start3A_121 = arith.constant 0 : i32
      %dma_start3A_122 = tpu.memref_slice %arg4[%add3A_37, %dma_start3A_121] : memref<130x32832xf32, #tpu.memory_space<hbm>> -> memref<1x32832xf32, #tpu.memory_space<hbm>>
      %dma_start3A_123 = tpu.memref_squeeze %dma_start3A_122 : memref<1x32832xf32, #tpu.memory_space<hbm>> -> memref<32832xf32, #tpu.memory_space<hbm>>
      %dma_start3A_124 = arith.constant 0 : i32
      %dma_start3A_125 = tpu.memref_slice %arg4[%add3A_37, %dma_start3A_124] : memref<130x32832xf32, #tpu.memory_space<hbm>> -> memref<1x32832xf32, #tpu.memory_space<hbm>>
      %dma_start3A_126 = tpu.memref_squeeze %dma_start3A_125 : memref<1x32832xf32, #tpu.memory_space<hbm>> -> memref<32832xf32, #tpu.memory_space<hbm>>
      tpu.enqueue_dma source(%arg7 : memref<32832xf32, #tpu.memory_space<vmem>>) target(%dma_start3A_126 : memref<32832xf32, #tpu.memory_space<hbm>>) target_semaphore(%run_scoped3A : memref<!tpu.dma_semaphore, #tpu.memory_space<semaphore_mem>>)
      %dma_wait3A_127 = arith.constant 0 : i32
      %dma_wait3A_128 = tpu.memref_slice %arg4[%add3A_37, %dma_wait3A_127] : memref<130x32832xf32, #tpu.memory_space<hbm>> -> memref<1x32832xf32, #tpu.memory_space<hbm>>
      %dma_wait3A_129 = tpu.memref_squeeze %dma_wait3A_128 : memref<1x32832xf32, #tpu.memory_space<hbm>> -> memref<32832xf32, #tpu.memory_space<hbm>>
      %dma_wait3A_130 = arith.constant 0 : i32
      %dma_wait3A_131 = tpu.memref_slice %arg4[%add3A_37, %dma_wait3A_130] : memref<130x32832xf32, #tpu.memory_space<hbm>> -> memref<1x32832xf32, #tpu.memory_space<hbm>>
      %dma_wait3A_132 = tpu.memref_squeeze %dma_wait3A_131 : memref<1x32832xf32, #tpu.memory_space<hbm>> -> memref<32832xf32, #tpu.memory_space<hbm>>
      tpu.wait_dma2 semaphore(%run_scoped3A : memref<!tpu.dma_semaphore, #tpu.memory_space<semaphore_mem>>) src(%arg7 : memref<32832xf32, #tpu.memory_space<vmem>>) dst(%dma_wait3A_132 : memref<32832xf32, #tpu.memory_space<hbm>>)
      tpu.yield
    }) : () -> ()
    %add3A_66 = arith.constant 64 : i32
    %add3A_67 = arith.addi %add3A, %add3A_66 : i32
    "tpu.region"() ({
      %run_scoped3A = tpu.sem_alloc : memref<!tpu.dma_semaphore, #tpu.memory_space<semaphore_mem>>
      tpu.enqueue_dma source(%arg3 : memref<32832xf32, #tpu.memory_space<hbm>>) target(%arg7 : memref<32832xf32, #tpu.memory_space<vmem>>) target_semaphore(%run_scoped3A : memref<!tpu.dma_semaphore, #tpu.memory_space<semaphore_mem>>)
      tpu.wait_dma2 semaphore(%run_scoped3A : memref<!tpu.dma_semaphore, #tpu.memory_space<semaphore_mem>>) src(%arg3 : memref<32832xf32, #tpu.memory_space<hbm>>) dst(%arg7 : memref<32832xf32, #tpu.memory_space<vmem>>)
      tpu.yield
    }) : () -> ()
    %add3A_68 = arith.constant 96 : i32
    %add3A_69 = arith.addi %add3A, %add3A_68 : i32
    %mul3A_70 = arith.constant 64 : i32
    %mul3A_71 = arith.muli %add3A_69, %mul3A_70 : i32
    %sub3A_72 = arith.constant 4 : i32
    %sub3A_73 = arith.subi %mul3A_71, %sub3A_72 : i32
    %max3A_74 = arith.constant 0 : i32
    %max3A_75 = arith.maxsi %sub3A_73, %max3A_74 : i32
    %mul3A_76 = arith.constant 640 : i32
    %mul3A_77 = arith.muli %max3A_75, %mul3A_76 : i32
    %dma_start3A_78 = tpu.memref_slice %arg2[%mul3A_77] : memref<5406720xi32, #tpu.memory_space<hbm>> -> memref<43520xi32, #tpu.memory_space<hbm>>
    %dma_start3A_79 = tpu.memref_slice %arg2[%mul3A_77] : memref<5406720xi32, #tpu.memory_space<hbm>> -> memref<43520xi32, #tpu.memory_space<hbm>>
    tpu.enqueue_dma source(%dma_start3A_79 : memref<43520xi32, #tpu.memory_space<hbm>>) target(%arg6 : memref<43520xi32, #tpu.memory_space<vmem>>) target_semaphore(%arg9 : memref<!tpu.dma_semaphore, #tpu.memory_space<semaphore_mem>>)
    %dma_wait3A_80 = tpu.memref_slice %arg2[%mul3A_47] : memref<5406720xi32, #tpu.memory_space<hbm>> -> memref<43520xi32, #tpu.memory_space<hbm>>
    %dma_wait3A_81 = tpu.memref_slice %arg2[%mul3A_47] : memref<5406720xi32, #tpu.memory_space<hbm>> -> memref<43520xi32, #tpu.memory_space<hbm>>
    tpu.wait_dma2 semaphore(%arg8 : memref<!tpu.dma_semaphore, #tpu.memory_space<semaphore_mem>>) src(%dma_wait3A_81 : memref<43520xi32, #tpu.memory_space<hbm>>) dst(%arg5 : memref<43520xi32, #tpu.memory_space<vmem>>)
    %mul3A_82 = arith.constant 64 : i32
    %mul3A_83 = arith.muli %add3A_67, %mul3A_82 : i32
    %sub3A_84 = arith.constant 4 : i32
    %sub3A_85 = arith.subi %mul3A_83, %sub3A_84 : i32
    %max3A_86 = arith.constant 0 : i32
    %max3A_87 = arith.maxsi %sub3A_85, %max3A_86 : i32
    %mul3A_88 = arith.constant 64 : i32
    %mul3A_89 = arith.muli %add3A_67, %mul3A_88 : i32
    %sub3A_90 = arith.subi %max3A_87, %mul3A_89 : i32
    %sub3A_91 = arith.constant 1 : i32
    %sub3A_92 = arith.subi %sub3A_90, %sub3A_91 : i32
    %parallel_loop3A_93 = arith.constant 0 : i32
    %parallel_loop3A_94 = arith.constant 68 : i32
    %parallel_loop3A_95 = arith.constant 1 : i32
    scf.for %parallel_loop3A_121 = %parallel_loop3A_93 to %parallel_loop3A_94 step %parallel_loop3A_95  : i32 {
      %parallel_loop3A_122 = arith.constant 640 : i32
      %parallel_loop3A_123 = arith.muli %parallel_loop3A_121, %parallel_loop3A_122 : i32
      %parallel_loop3A_124 = arith.addi %sub3A_92, %parallel_loop3A_121 : i32
      %parallel_loop3A_125 = arith.constant 0 : i32
      %parallel_loop3A_126 = arith.constant 11 : i32
      %parallel_loop3A_127 = arith.constant 1 : i32
      scf.for %parallel_loop3A_128 = %parallel_loop3A_125 to %parallel_loop3A_126 step %parallel_loop3A_127  : i32 {
        %parallel_loop3A_129 = arith.constant 48 : i32
        %parallel_loop3A_130 = arith.muli %parallel_loop3A_128, %parallel_loop3A_129 : i32
        %parallel_loop3A_131 = arith.addi %parallel_loop3A_123, %parallel_loop3A_130 : i32
        %parallel_loop3A_132 = arith.constant 0 : i32
        %parallel_loop3A_133 = arith.addi %parallel_loop3A_131, %parallel_loop3A_132 : i32
        %parallel_loop3A_134 = arith.index_cast %parallel_loop3A_133 : i32 to index
        %parallel_loop3A_135 = tpu.vector_load %arg5[%parallel_loop3A_134] {strides = array<i32>} : memref<43520xi32, #tpu.memory_space<vmem>>, vector<16xi32>,
        %parallel_loop3A_136 = arith.constant 65535 : i32
        %parallel_loop3A_137 = vector.broadcast %parallel_loop3A_136 : i32 to vector<16xi32>
        %parallel_loop3A_138 = arith.andi %parallel_loop3A_135, %parallel_loop3A_137 : vector<16xi32>
        %parallel_loop3A_139 = arith.constant -65536 : i32
        %parallel_loop3A_140 = vector.broadcast %parallel_loop3A_139 : i32 to vector<16xi32>
        %parallel_loop3A_141 = arith.andi %parallel_loop3A_135, %parallel_loop3A_140 : vector<16xi32>
        %parallel_loop3A_142 = tpu.bitcast %parallel_loop3A_141 : vector<16xi32> -> vector<16xf32>
        %parallel_loop3A_143 = arith.constant 7 : i32
        %parallel_loop3A_144 = vector.broadcast %parallel_loop3A_143 : i32 to vector<16xi32>
        %parallel_loop3A_145 = arith.andi %parallel_loop3A_138, %parallel_loop3A_144 : vector<16xi32>
        %parallel_loop3A_146 = vector.broadcast %parallel_loop3A_124 : i32 to vector<16xi32>
        %parallel_loop3A_147 = arith.addi %parallel_loop3A_145, %parallel_loop3A_146 : vector<16xi32>
        %parallel_loop3A_148 = arith.constant 0 : i32
        %parallel_loop3A_149 = vector.broadcast %parallel_loop3A_148 : i32 to vector<16xi32>
        %parallel_loop3A_150 = arith.cmpi sge, %parallel_loop3A_147, %parallel_loop3A_149 : vector<16xi32>
        %parallel_loop3A_151 = arith.constant 64 : i32
        %parallel_loop3A_152 = vector.broadcast %parallel_loop3A_151 : i32 to vector<16xi32>
        %parallel_loop3A_153 = arith.cmpi slt, %parallel_loop3A_147, %parallel_loop3A_152 : vector<16xi32>
        %parallel_loop3A_154 = arith.andi %parallel_loop3A_150, %parallel_loop3A_153 : vector<16xi1>
        %parallel_loop3A_155 = arith.constant 3 : i32
        %parallel_loop3A_156 = vector.broadcast %parallel_loop3A_155 : i32 to vector<16xi32>
        %parallel_loop3A_157 = arith.shrsi %parallel_loop3A_138, %parallel_loop3A_156 : vector<16xi32>
        %parallel_loop3A_158 = arith.constant 64 : i32
        %parallel_loop3A_159 = vector.broadcast %parallel_loop3A_158 : i32 to vector<16xi32>
        %parallel_loop3A_160 = arith.muli %parallel_loop3A_157, %parallel_loop3A_159 : vector<16xi32>
        %parallel_loop3A_161 = arith.addi %parallel_loop3A_160, %parallel_loop3A_147 : vector<16xi32>
        tpu.vector_store_idx %arg7[%parallel_loop3A_161], %parallel_loop3A_142 masked %parallel_loop3A_154 {add = true} : memref<32832xf32, #tpu.memory_space<vmem>>[vector<16xi32>], vector<16xf32>, vector<16xi1>
        %parallel_loop3A_162 = arith.constant 16 : i32
        %parallel_loop3A_163 = arith.addi %parallel_loop3A_131, %parallel_loop3A_162 : i32
        %parallel_loop3A_164 = arith.index_cast %parallel_loop3A_163 : i32 to index
        %parallel_loop3A_165 = tpu.vector_load %arg5[%parallel_loop3A_164] {strides = array<i32>} : memref<43520xi32, #tpu.memory_space<vmem>>, vector<16xi32>,
        %parallel_loop3A_166 = arith.constant 65535 : i32
        %parallel_loop3A_167 = vector.broadcast %parallel_loop3A_166 : i32 to vector<16xi32>
        %parallel_loop3A_168 = arith.andi %parallel_loop3A_165, %parallel_loop3A_167 : vector<16xi32>
        %parallel_loop3A_169 = arith.constant -65536 : i32
        %parallel_loop3A_170 = vector.broadcast %parallel_loop3A_169 : i32 to vector<16xi32>
        %parallel_loop3A_171 = arith.andi %parallel_loop3A_165, %parallel_loop3A_170 : vector<16xi32>
        %parallel_loop3A_172 = tpu.bitcast %parallel_loop3A_171 : vector<16xi32> -> vector<16xf32>
        %parallel_loop3A_173 = arith.constant 7 : i32
        %parallel_loop3A_174 = vector.broadcast %parallel_loop3A_173 : i32 to vector<16xi32>
        %parallel_loop3A_175 = arith.andi %parallel_loop3A_168, %parallel_loop3A_174 : vector<16xi32>
        %parallel_loop3A_176 = vector.broadcast %parallel_loop3A_124 : i32 to vector<16xi32>
        %parallel_loop3A_177 = arith.addi %parallel_loop3A_175, %parallel_loop3A_176 : vector<16xi32>
        %parallel_loop3A_178 = arith.constant 0 : i32
        %parallel_loop3A_179 = vector.broadcast %parallel_loop3A_178 : i32 to vector<16xi32>
        %parallel_loop3A_180 = arith.cmpi sge, %parallel_loop3A_177, %parallel_loop3A_179 : vector<16xi32>
        %parallel_loop3A_181 = arith.constant 64 : i32
        %parallel_loop3A_182 = vector.broadcast %parallel_loop3A_181 : i32 to vector<16xi32>
        %parallel_loop3A_183 = arith.cmpi slt, %parallel_loop3A_177, %parallel_loop3A_182 : vector<16xi32>
        %parallel_loop3A_184 = arith.andi %parallel_loop3A_180, %parallel_loop3A_183 : vector<16xi1>
        %parallel_loop3A_185 = arith.constant 3 : i32
        %parallel_loop3A_186 = vector.broadcast %parallel_loop3A_185 : i32 to vector<16xi32>
        %parallel_loop3A_187 = arith.shrsi %parallel_loop3A_168, %parallel_loop3A_186 : vector<16xi32>
        %parallel_loop3A_188 = arith.constant 64 : i32
        %parallel_loop3A_189 = vector.broadcast %parallel_loop3A_188 : i32 to vector<16xi32>
        %parallel_loop3A_190 = arith.muli %parallel_loop3A_187, %parallel_loop3A_189 : vector<16xi32>
        %parallel_loop3A_191 = arith.addi %parallel_loop3A_190, %parallel_loop3A_177 : vector<16xi32>
        tpu.vector_store_idx %arg7[%parallel_loop3A_191], %parallel_loop3A_172 masked %parallel_loop3A_184 {add = true} : memref<32832xf32, #tpu.memory_space<vmem>>[vector<16xi32>], vector<16xf32>, vector<16xi1>
        %parallel_loop3A_192 = arith.constant 32 : i32
        %parallel_loop3A_193 = arith.addi %parallel_loop3A_131, %parallel_loop3A_192 : i32
        %parallel_loop3A_194 = arith.index_cast %parallel_loop3A_193 : i32 to index
        %parallel_loop3A_195 = tpu.vector_load %arg5[%parallel_loop3A_194] {strides = array<i32>} : memref<43520xi32, #tpu.memory_space<vmem>>, vector<16xi32>,
        %parallel_loop3A_196 = arith.constant 65535 : i32
        %parallel_loop3A_197 = vector.broadcast %parallel_loop3A_196 : i32 to vector<16xi32>
        %parallel_loop3A_198 = arith.andi %parallel_loop3A_195, %parallel_loop3A_197 : vector<16xi32>
        %parallel_loop3A_199 = arith.constant -65536 : i32
        %parallel_loop3A_200 = vector.broadcast %parallel_loop3A_199 : i32 to vector<16xi32>
        %parallel_loop3A_201 = arith.andi %parallel_loop3A_195, %parallel_loop3A_200 : vector<16xi32>
        %parallel_loop3A_202 = tpu.bitcast %parallel_loop3A_201 : vector<16xi32> -> vector<16xf32>
        %parallel_loop3A_203 = arith.constant 7 : i32
        %parallel_loop3A_204 = vector.broadcast %parallel_loop3A_203 : i32 to vector<16xi32>
        %parallel_loop3A_205 = arith.andi %parallel_loop3A_198, %parallel_loop3A_204 : vector<16xi32>
        %parallel_loop3A_206 = vector.broadcast %parallel_loop3A_124 : i32 to vector<16xi32>
        %parallel_loop3A_207 = arith.addi %parallel_loop3A_205, %parallel_loop3A_206 : vector<16xi32>
        %parallel_loop3A_208 = arith.constant 0 : i32
        %parallel_loop3A_209 = vector.broadcast %parallel_loop3A_208 : i32 to vector<16xi32>
        %parallel_loop3A_210 = arith.cmpi sge, %parallel_loop3A_207, %parallel_loop3A_209 : vector<16xi32>
        %parallel_loop3A_211 = arith.constant 64 : i32
        %parallel_loop3A_212 = vector.broadcast %parallel_loop3A_211 : i32 to vector<16xi32>
        %parallel_loop3A_213 = arith.cmpi slt, %parallel_loop3A_207, %parallel_loop3A_212 : vector<16xi32>
        %parallel_loop3A_214 = arith.andi %parallel_loop3A_210, %parallel_loop3A_213 : vector<16xi1>
        %parallel_loop3A_215 = arith.constant 3 : i32
        %parallel_loop3A_216 = vector.broadcast %parallel_loop3A_215 : i32 to vector<16xi32>
        %parallel_loop3A_217 = arith.shrsi %parallel_loop3A_198, %parallel_loop3A_216 : vector<16xi32>
        %parallel_loop3A_218 = arith.constant 64 : i32
        %parallel_loop3A_219 = vector.broadcast %parallel_loop3A_218 : i32 to vector<16xi32>
        %parallel_loop3A_220 = arith.muli %parallel_loop3A_217, %parallel_loop3A_219 : vector<16xi32>
        %parallel_loop3A_221 = arith.addi %parallel_loop3A_220, %parallel_loop3A_207 : vector<16xi32>
        tpu.vector_store_idx %arg7[%parallel_loop3A_221], %parallel_loop3A_202 masked %parallel_loop3A_214 {add = true} : memref<32832xf32, #tpu.memory_space<vmem>>[vector<16xi32>], vector<16xf32>, vector<16xi1>
      } {sc.loop_unroll_factor = 4 : i64, sc.parallel_access}
    } {sc.loop_unroll_factor = 2 : i64, sc.parallel_access}
    "tpu.region"() ({
      %run_scoped3A = tpu.sem_alloc : memref<!tpu.dma_semaphore, #tpu.memory_space<semaphore_mem>>
      %dma_start3A_121 = arith.constant 0 : i32
      %dma_start3A_122 = tpu.memref_slice %arg4[%add3A_67, %dma_start3A_121] : memref<130x32832xf32, #tpu.memory_space<hbm>> -> memref<1x32832xf32, #tpu.memory_space<hbm>>
      %dma_start3A_123 = tpu.memref_squeeze %dma_start3A_122 : memref<1x32832xf32, #tpu.memory_space<hbm>> -> memref<32832xf32, #tpu.memory_space<hbm>>
      %dma_start3A_124 = arith.constant 0 : i32
      %dma_start3A_125 = tpu.memref_slice %arg4[%add3A_67, %dma_start3A_124] : memref<130x32832xf32, #tpu.memory_space<hbm>> -> memref<1x32832xf32, #tpu.memory_space<hbm>>
      %dma_start3A_126 = tpu.memref_squeeze %dma_start3A_125 : memref<1x32832xf32, #tpu.memory_space<hbm>> -> memref<32832xf32, #tpu.memory_space<hbm>>
      tpu.enqueue_dma source(%arg7 : memref<32832xf32, #tpu.memory_space<vmem>>) target(%dma_start3A_126 : memref<32832xf32, #tpu.memory_space<hbm>>) target_semaphore(%run_scoped3A : memref<!tpu.dma_semaphore, #tpu.memory_space<semaphore_mem>>)
      %dma_wait3A_127 = arith.constant 0 : i32
      %dma_wait3A_128 = tpu.memref_slice %arg4[%add3A_67, %dma_wait3A_127] : memref<130x32832xf32, #tpu.memory_space<hbm>> -> memref<1x32832xf32, #tpu.memory_space<hbm>>
      %dma_wait3A_129 = tpu.memref_squeeze %dma_wait3A_128 : memref<1x32832xf32, #tpu.memory_space<hbm>> -> memref<32832xf32, #tpu.memory_space<hbm>>
      %dma_wait3A_130 = arith.constant 0 : i32
      %dma_wait3A_131 = tpu.memref_slice %arg4[%add3A_67, %dma_wait3A_130] : memref<130x32832xf32, #tpu.memory_space<hbm>> -> memref<1x32832xf32, #tpu.memory_space<hbm>>
      %dma_wait3A_132 = tpu.memref_squeeze %dma_wait3A_131 : memref<1x32832xf32, #tpu.memory_space<hbm>> -> memref<32832xf32, #tpu.memory_space<hbm>>
      tpu.wait_dma2 semaphore(%run_scoped3A : memref<!tpu.dma_semaphore, #tpu.memory_space<semaphore_mem>>) src(%arg7 : memref<32832xf32, #tpu.memory_space<vmem>>) dst(%dma_wait3A_132 : memref<32832xf32, #tpu.memory_space<hbm>>)
      tpu.yield
    }) : () -> ()
    %add3A_96 = arith.constant 96 : i32
    %add3A_97 = arith.addi %add3A, %add3A_96 : i32
    "tpu.region"() ({
      %run_scoped3A = tpu.sem_alloc : memref<!tpu.dma_semaphore, #tpu.memory_space<semaphore_mem>>
      tpu.enqueue_dma source(%arg3 : memref<32832xf32, #tpu.memory_space<hbm>>) target(%arg7 : memref<32832xf32, #tpu.memory_space<vmem>>) target_semaphore(%run_scoped3A : memref<!tpu.dma_semaphore, #tpu.memory_space<semaphore_mem>>)
      tpu.wait_dma2 semaphore(%run_scoped3A : memref<!tpu.dma_semaphore, #tpu.memory_space<semaphore_mem>>) src(%arg3 : memref<32832xf32, #tpu.memory_space<hbm>>) dst(%arg7 : memref<32832xf32, #tpu.memory_space<vmem>>)
      tpu.yield
    }) : () -> ()
    %dma_wait3A_98 = tpu.memref_slice %arg2[%mul3A_77] : memref<5406720xi32, #tpu.memory_space<hbm>> -> memref<43520xi32, #tpu.memory_space<hbm>>
    %dma_wait3A_99 = tpu.memref_slice %arg2[%mul3A_77] : memref<5406720xi32, #tpu.memory_space<hbm>> -> memref<43520xi32, #tpu.memory_space<hbm>>
    tpu.wait_dma2 semaphore(%arg9 : memref<!tpu.dma_semaphore, #tpu.memory_space<semaphore_mem>>) src(%dma_wait3A_99 : memref<43520xi32, #tpu.memory_space<hbm>>) dst(%arg6 : memref<43520xi32, #tpu.memory_space<vmem>>)
    %mul3A_100 = arith.constant 64 : i32
    %mul3A_101 = arith.muli %add3A_97, %mul3A_100 : i32
    %sub3A_102 = arith.constant 4 : i32
    %sub3A_103 = arith.subi %mul3A_101, %sub3A_102 : i32
    %max3A_104 = arith.constant 0 : i32
    %max3A_105 = arith.maxsi %sub3A_103, %max3A_104 : i32
    %mul3A_106 = arith.constant 64 : i32
    %mul3A_107 = arith.muli %add3A_97, %mul3A_106 : i32
    %sub3A_108 = arith.subi %max3A_105, %mul3A_107 : i32
    %sub3A_109 = arith.constant 1 : i32
    %sub3A_110 = arith.subi %sub3A_108, %sub3A_109 : i32
    %parallel_loop3A_111 = arith.constant 0 : i32
    %parallel_loop3A_112 = arith.constant 68 : i32
    %parallel_loop3A_113 = arith.constant 1 : i32
    scf.for %parallel_loop3A_121 = %parallel_loop3A_111 to %parallel_loop3A_112 step %parallel_loop3A_113  : i32 {
      %parallel_loop3A_122 = arith.constant 640 : i32
      %parallel_loop3A_123 = arith.muli %parallel_loop3A_121, %parallel_loop3A_122 : i32
      %parallel_loop3A_124 = arith.addi %sub3A_110, %parallel_loop3A_121 : i32
      %parallel_loop3A_125 = arith.constant 0 : i32
      %parallel_loop3A_126 = arith.constant 11 : i32
      %parallel_loop3A_127 = arith.constant 1 : i32
      scf.for %parallel_loop3A_128 = %parallel_loop3A_125 to %parallel_loop3A_126 step %parallel_loop3A_127  : i32 {
        %parallel_loop3A_129 = arith.constant 48 : i32
        %parallel_loop3A_130 = arith.muli %parallel_loop3A_128, %parallel_loop3A_129 : i32
        %parallel_loop3A_131 = arith.addi %parallel_loop3A_123, %parallel_loop3A_130 : i32
        %parallel_loop3A_132 = arith.constant 0 : i32
        %parallel_loop3A_133 = arith.addi %parallel_loop3A_131, %parallel_loop3A_132 : i32
        %parallel_loop3A_134 = arith.index_cast %parallel_loop3A_133 : i32 to index
        %parallel_loop3A_135 = tpu.vector_load %arg6[%parallel_loop3A_134] {strides = array<i32>} : memref<43520xi32, #tpu.memory_space<vmem>>, vector<16xi32>,
        %parallel_loop3A_136 = arith.constant 65535 : i32
        %parallel_loop3A_137 = vector.broadcast %parallel_loop3A_136 : i32 to vector<16xi32>
        %parallel_loop3A_138 = arith.andi %parallel_loop3A_135, %parallel_loop3A_137 : vector<16xi32>
        %parallel_loop3A_139 = arith.constant -65536 : i32
        %parallel_loop3A_140 = vector.broadcast %parallel_loop3A_139 : i32 to vector<16xi32>
        %parallel_loop3A_141 = arith.andi %parallel_loop3A_135, %parallel_loop3A_140 : vector<16xi32>
        %parallel_loop3A_142 = tpu.bitcast %parallel_loop3A_141 : vector<16xi32> -> vector<16xf32>
        %parallel_loop3A_143 = arith.constant 7 : i32
        %parallel_loop3A_144 = vector.broadcast %parallel_loop3A_143 : i32 to vector<16xi32>
        %parallel_loop3A_145 = arith.andi %parallel_loop3A_138, %parallel_loop3A_144 : vector<16xi32>
        %parallel_loop3A_146 = vector.broadcast %parallel_loop3A_124 : i32 to vector<16xi32>
        %parallel_loop3A_147 = arith.addi %parallel_loop3A_145, %parallel_loop3A_146 : vector<16xi32>
        %parallel_loop3A_148 = arith.constant 0 : i32
        %parallel_loop3A_149 = vector.broadcast %parallel_loop3A_148 : i32 to vector<16xi32>
        %parallel_loop3A_150 = arith.cmpi sge, %parallel_loop3A_147, %parallel_loop3A_149 : vector<16xi32>
        %parallel_loop3A_151 = arith.constant 64 : i32
        %parallel_loop3A_152 = vector.broadcast %parallel_loop3A_151 : i32 to vector<16xi32>
        %parallel_loop3A_153 = arith.cmpi slt, %parallel_loop3A_147, %parallel_loop3A_152 : vector<16xi32>
        %parallel_loop3A_154 = arith.andi %parallel_loop3A_150, %parallel_loop3A_153 : vector<16xi1>
        %parallel_loop3A_155 = arith.constant 3 : i32
        %parallel_loop3A_156 = vector.broadcast %parallel_loop3A_155 : i32 to vector<16xi32>
        %parallel_loop3A_157 = arith.shrsi %parallel_loop3A_138, %parallel_loop3A_156 : vector<16xi32>
        %parallel_loop3A_158 = arith.constant 64 : i32
        %parallel_loop3A_159 = vector.broadcast %parallel_loop3A_158 : i32 to vector<16xi32>
        %parallel_loop3A_160 = arith.muli %parallel_loop3A_157, %parallel_loop3A_159 : vector<16xi32>
        %parallel_loop3A_161 = arith.addi %parallel_loop3A_160, %parallel_loop3A_147 : vector<16xi32>
        tpu.vector_store_idx %arg7[%parallel_loop3A_161], %parallel_loop3A_142 masked %parallel_loop3A_154 {add = true} : memref<32832xf32, #tpu.memory_space<vmem>>[vector<16xi32>], vector<16xf32>, vector<16xi1>
        %parallel_loop3A_162 = arith.constant 16 : i32
        %parallel_loop3A_163 = arith.addi %parallel_loop3A_131, %parallel_loop3A_162 : i32
        %parallel_loop3A_164 = arith.index_cast %parallel_loop3A_163 : i32 to index
        %parallel_loop3A_165 = tpu.vector_load %arg6[%parallel_loop3A_164] {strides = array<i32>} : memref<43520xi32, #tpu.memory_space<vmem>>, vector<16xi32>,
        %parallel_loop3A_166 = arith.constant 65535 : i32
        %parallel_loop3A_167 = vector.broadcast %parallel_loop3A_166 : i32 to vector<16xi32>
        %parallel_loop3A_168 = arith.andi %parallel_loop3A_165, %parallel_loop3A_167 : vector<16xi32>
        %parallel_loop3A_169 = arith.constant -65536 : i32
        %parallel_loop3A_170 = vector.broadcast %parallel_loop3A_169 : i32 to vector<16xi32>
        %parallel_loop3A_171 = arith.andi %parallel_loop3A_165, %parallel_loop3A_170 : vector<16xi32>
        %parallel_loop3A_172 = tpu.bitcast %parallel_loop3A_171 : vector<16xi32> -> vector<16xf32>
        %parallel_loop3A_173 = arith.constant 7 : i32
        %parallel_loop3A_174 = vector.broadcast %parallel_loop3A_173 : i32 to vector<16xi32>
        %parallel_loop3A_175 = arith.andi %parallel_loop3A_168, %parallel_loop3A_174 : vector<16xi32>
        %parallel_loop3A_176 = vector.broadcast %parallel_loop3A_124 : i32 to vector<16xi32>
        %parallel_loop3A_177 = arith.addi %parallel_loop3A_175, %parallel_loop3A_176 : vector<16xi32>
        %parallel_loop3A_178 = arith.constant 0 : i32
        %parallel_loop3A_179 = vector.broadcast %parallel_loop3A_178 : i32 to vector<16xi32>
        %parallel_loop3A_180 = arith.cmpi sge, %parallel_loop3A_177, %parallel_loop3A_179 : vector<16xi32>
        %parallel_loop3A_181 = arith.constant 64 : i32
        %parallel_loop3A_182 = vector.broadcast %parallel_loop3A_181 : i32 to vector<16xi32>
        %parallel_loop3A_183 = arith.cmpi slt, %parallel_loop3A_177, %parallel_loop3A_182 : vector<16xi32>
        %parallel_loop3A_184 = arith.andi %parallel_loop3A_180, %parallel_loop3A_183 : vector<16xi1>
        %parallel_loop3A_185 = arith.constant 3 : i32
        %parallel_loop3A_186 = vector.broadcast %parallel_loop3A_185 : i32 to vector<16xi32>
        %parallel_loop3A_187 = arith.shrsi %parallel_loop3A_168, %parallel_loop3A_186 : vector<16xi32>
        %parallel_loop3A_188 = arith.constant 64 : i32
        %parallel_loop3A_189 = vector.broadcast %parallel_loop3A_188 : i32 to vector<16xi32>
        %parallel_loop3A_190 = arith.muli %parallel_loop3A_187, %parallel_loop3A_189 : vector<16xi32>
        %parallel_loop3A_191 = arith.addi %parallel_loop3A_190, %parallel_loop3A_177 : vector<16xi32>
        tpu.vector_store_idx %arg7[%parallel_loop3A_191], %parallel_loop3A_172 masked %parallel_loop3A_184 {add = true} : memref<32832xf32, #tpu.memory_space<vmem>>[vector<16xi32>], vector<16xf32>, vector<16xi1>
        %parallel_loop3A_192 = arith.constant 32 : i32
        %parallel_loop3A_193 = arith.addi %parallel_loop3A_131, %parallel_loop3A_192 : i32
        %parallel_loop3A_194 = arith.index_cast %parallel_loop3A_193 : i32 to index
        %parallel_loop3A_195 = tpu.vector_load %arg6[%parallel_loop3A_194] {strides = array<i32>} : memref<43520xi32, #tpu.memory_space<vmem>>, vector<16xi32>,
        %parallel_loop3A_196 = arith.constant 65535 : i32
        %parallel_loop3A_197 = vector.broadcast %parallel_loop3A_196 : i32 to vector<16xi32>
        %parallel_loop3A_198 = arith.andi %parallel_loop3A_195, %parallel_loop3A_197 : vector<16xi32>
        %parallel_loop3A_199 = arith.constant -65536 : i32
        %parallel_loop3A_200 = vector.broadcast %parallel_loop3A_199 : i32 to vector<16xi32>
        %parallel_loop3A_201 = arith.andi %parallel_loop3A_195, %parallel_loop3A_200 : vector<16xi32>
        %parallel_loop3A_202 = tpu.bitcast %parallel_loop3A_201 : vector<16xi32> -> vector<16xf32>
        %parallel_loop3A_203 = arith.constant 7 : i32
        %parallel_loop3A_204 = vector.broadcast %parallel_loop3A_203 : i32 to vector<16xi32>
        %parallel_loop3A_205 = arith.andi %parallel_loop3A_198, %parallel_loop3A_204 : vector<16xi32>
        %parallel_loop3A_206 = vector.broadcast %parallel_loop3A_124 : i32 to vector<16xi32>
        %parallel_loop3A_207 = arith.addi %parallel_loop3A_205, %parallel_loop3A_206 : vector<16xi32>
        %parallel_loop3A_208 = arith.constant 0 : i32
        %parallel_loop3A_209 = vector.broadcast %parallel_loop3A_208 : i32 to vector<16xi32>
        %parallel_loop3A_210 = arith.cmpi sge, %parallel_loop3A_207, %parallel_loop3A_209 : vector<16xi32>
        %parallel_loop3A_211 = arith.constant 64 : i32
        %parallel_loop3A_212 = vector.broadcast %parallel_loop3A_211 : i32 to vector<16xi32>
        %parallel_loop3A_213 = arith.cmpi slt, %parallel_loop3A_207, %parallel_loop3A_212 : vector<16xi32>
        %parallel_loop3A_214 = arith.andi %parallel_loop3A_210, %parallel_loop3A_213 : vector<16xi1>
        %parallel_loop3A_215 = arith.constant 3 : i32
        %parallel_loop3A_216 = vector.broadcast %parallel_loop3A_215 : i32 to vector<16xi32>
        %parallel_loop3A_217 = arith.shrsi %parallel_loop3A_198, %parallel_loop3A_216 : vector<16xi32>
        %parallel_loop3A_218 = arith.constant 64 : i32
        %parallel_loop3A_219 = vector.broadcast %parallel_loop3A_218 : i32 to vector<16xi32>
        %parallel_loop3A_220 = arith.muli %parallel_loop3A_217, %parallel_loop3A_219 : vector<16xi32>
        %parallel_loop3A_221 = arith.addi %parallel_loop3A_220, %parallel_loop3A_207 : vector<16xi32>
        tpu.vector_store_idx %arg7[%parallel_loop3A_221], %parallel_loop3A_202 masked %parallel_loop3A_214 {add = true} : memref<32832xf32, #tpu.memory_space<vmem>>[vector<16xi32>], vector<16xf32>, vector<16xi1>
      } {sc.loop_unroll_factor = 4 : i64, sc.parallel_access}
    } {sc.loop_unroll_factor = 2 : i64, sc.parallel_access}
    "tpu.region"() ({
      %run_scoped3A = tpu.sem_alloc : memref<!tpu.dma_semaphore, #tpu.memory_space<semaphore_mem>>
      %dma_start3A_121 = arith.constant 0 : i32
      %dma_start3A_122 = tpu.memref_slice %arg4[%add3A_97, %dma_start3A_121] : memref<130x32832xf32, #tpu.memory_space<hbm>> -> memref<1x32832xf32, #tpu.memory_space<hbm>>
      %dma_start3A_123 = tpu.memref_squeeze %dma_start3A_122 : memref<1x32832xf32, #tpu.memory_space<hbm>> -> memref<32832xf32, #tpu.memory_space<hbm>>
      %dma_start3A_124 = arith.constant 0 : i32
      %dma_start3A_125 = tpu.memref_slice %arg4[%add3A_97, %dma_start3A_124] : memref<130x32832xf32, #tpu.memory_space<hbm>> -> memref<1x32832xf32, #tpu.memory_space<hbm>>
      %dma_start3A_126 = tpu.memref_squeeze %dma_start3A_125 : memref<1x32832xf32, #tpu.memory_space<hbm>> -> memref<32832xf32, #tpu.memory_space<hbm>>
      tpu.enqueue_dma source(%arg7 : memref<32832xf32, #tpu.memory_space<vmem>>) target(%dma_start3A_126 : memref<32832xf32, #tpu.memory_space<hbm>>) target_semaphore(%run_scoped3A : memref<!tpu.dma_semaphore, #tpu.memory_space<semaphore_mem>>)
      %dma_wait3A_127 = arith.constant 0 : i32
      %dma_wait3A_128 = tpu.memref_slice %arg4[%add3A_97, %dma_wait3A_127] : memref<130x32832xf32, #tpu.memory_space<hbm>> -> memref<1x32832xf32, #tpu.memory_space<hbm>>
      %dma_wait3A_129 = tpu.memref_squeeze %dma_wait3A_128 : memref<1x32832xf32, #tpu.memory_space<hbm>> -> memref<32832xf32, #tpu.memory_space<hbm>>
      %dma_wait3A_130 = arith.constant 0 : i32
      %dma_wait3A_131 = tpu.memref_slice %arg4[%add3A_97, %dma_wait3A_130] : memref<130x32832xf32, #tpu.memory_space<hbm>> -> memref<1x32832xf32, #tpu.memory_space<hbm>>
      %dma_wait3A_132 = tpu.memref_squeeze %dma_wait3A_131 : memref<1x32832xf32, #tpu.memory_space<hbm>> -> memref<32832xf32, #tpu.memory_space<hbm>>
      tpu.wait_dma2 semaphore(%run_scoped3A : memref<!tpu.dma_semaphore, #tpu.memory_space<semaphore_mem>>) src(%arg7 : memref<32832xf32, #tpu.memory_space<vmem>>) dst(%dma_wait3A_132 : memref<32832xf32, #tpu.memory_space<hbm>>)
      tpu.yield
    }) : () -> ()
    %eq3A = arith.constant 31 : i32
    %eq3A_114 = arith.cmpi eq, %add3A, %eq3A : i32
    %convert_element_type3A = arith.extui %eq3A_114 : i1 to i32
    %cond3A = arith.constant 0 : i32
    %cond3A_115 = arith.cmpi ne, %convert_element_type3A, %cond3A : i32
    scf.if %cond3A_115 {
      "tpu.region"() ({
        %run_scoped3A_131 = tpu.sem_alloc : memref<!tpu.dma_semaphore, #tpu.memory_space<semaphore_mem>>
        tpu.enqueue_dma source(%arg3 : memref<32832xf32, #tpu.memory_space<hbm>>) target(%arg7 : memref<32832xf32, #tpu.memory_space<vmem>>) target_semaphore(%run_scoped3A_131 : memref<!tpu.dma_semaphore, #tpu.memory_space<semaphore_mem>>)
        tpu.wait_dma2 semaphore(%run_scoped3A_131 : memref<!tpu.dma_semaphore, #tpu.memory_space<semaphore_mem>>) src(%arg3 : memref<32832xf32, #tpu.memory_space<hbm>>) dst(%arg7 : memref<32832xf32, #tpu.memory_space<vmem>>)
        tpu.yield
      }) : () -> ()
      "tpu.region"() ({
        %run_scoped3A_131 = tpu.sem_alloc : memref<!tpu.dma_semaphore, #tpu.memory_space<semaphore_mem>>
        %dma_start3A_132 = arith.constant 0 : i32
        %dma_start3A_133 = tpu.memref_slice %arg5[%dma_start3A_132] : memref<43520xi32, #tpu.memory_space<vmem>> -> memref<3200xi32, #tpu.memory_space<vmem>>
        %dma_start3A_134 = arith.constant 5240320 : i32
        %dma_start3A_135 = tpu.memref_slice %arg2[%dma_start3A_134] : memref<5406720xi32, #tpu.memory_space<hbm>> -> memref<3200xi32, #tpu.memory_space<hbm>>
        %dma_start3A_136 = arith.constant 0 : i32
        %dma_start3A_137 = tpu.memref_slice %arg5[%dma_start3A_136] : memref<43520xi32, #tpu.memory_space<vmem>> -> memref<3200xi32, #tpu.memory_space<vmem>>
        %dma_start3A_138 = arith.constant 5240320 : i32
        %dma_start3A_139 = tpu.memref_slice %arg2[%dma_start3A_138] : memref<5406720xi32, #tpu.memory_space<hbm>> -> memref<3200xi32, #tpu.memory_space<hbm>>
        tpu.enqueue_dma source(%dma_start3A_139 : memref<3200xi32, #tpu.memory_space<hbm>>) target(%dma_start3A_137 : memref<3200xi32, #tpu.memory_space<vmem>>) target_semaphore(%run_scoped3A_131 : memref<!tpu.dma_semaphore, #tpu.memory_space<semaphore_mem>>)
        %dma_wait3A_140 = arith.constant 0 : i32
        %dma_wait3A_141 = tpu.memref_slice %arg5[%dma_wait3A_140] : memref<43520xi32, #tpu.memory_space<vmem>> -> memref<3200xi32, #tpu.memory_space<vmem>>
        %dma_wait3A_142 = arith.constant 5240320 : i32
        %dma_wait3A_143 = tpu.memref_slice %arg2[%dma_wait3A_142] : memref<5406720xi32, #tpu.memory_space<hbm>> -> memref<3200xi32, #tpu.memory_space<hbm>>
        %dma_wait3A_144 = arith.constant 0 : i32
        %dma_wait3A_145 = tpu.memref_slice %arg5[%dma_wait3A_144] : memref<43520xi32, #tpu.memory_space<vmem>> -> memref<3200xi32, #tpu.memory_space<vmem>>
        %dma_wait3A_146 = arith.constant 5240320 : i32
        %dma_wait3A_147 = tpu.memref_slice %arg2[%dma_wait3A_146] : memref<5406720xi32, #tpu.memory_space<hbm>> -> memref<3200xi32, #tpu.memory_space<hbm>>
        tpu.wait_dma2 semaphore(%run_scoped3A_131 : memref<!tpu.dma_semaphore, #tpu.memory_space<semaphore_mem>>) src(%dma_wait3A_147 : memref<3200xi32, #tpu.memory_space<hbm>>) dst(%dma_wait3A_145 : memref<3200xi32, #tpu.memory_space<vmem>>)
        tpu.yield
      }) : () -> ()
      %max3A_121 = arith.constant 8188 : i32
      %max3A_122 = arith.constant 0 : i32
      %max3A_123 = arith.maxsi %max3A_121, %max3A_122 : i32
      %sub3A_124 = arith.constant 8192 : i32
      %sub3A_125 = arith.subi %max3A_123, %sub3A_124 : i32
      %sub3A_126 = arith.constant 1 : i32
      %sub3A_127 = arith.subi %sub3A_125, %sub3A_126 : i32
      %parallel_loop3A_128 = arith.constant 0 : i32
      %parallel_loop3A_129 = arith.constant 5 : i32
      %parallel_loop3A_130 = arith.constant 1 : i32
      scf.for %parallel_loop3A_131 = %parallel_loop3A_128 to %parallel_loop3A_129 step %parallel_loop3A_130  : i32 {
        %parallel_loop3A_132 = arith.constant 640 : i32
        %parallel_loop3A_133 = arith.muli %parallel_loop3A_131, %parallel_loop3A_132 : i32
        %parallel_loop3A_134 = arith.addi %sub3A_127, %parallel_loop3A_131 : i32
        %parallel_loop3A_135 = arith.constant 0 : i32
        %parallel_loop3A_136 = arith.constant 11 : i32
        %parallel_loop3A_137 = arith.constant 1 : i32
        scf.for %parallel_loop3A_138 = %parallel_loop3A_135 to %parallel_loop3A_136 step %parallel_loop3A_137  : i32 {
          %parallel_loop3A_139 = arith.constant 48 : i32
          %parallel_loop3A_140 = arith.muli %parallel_loop3A_138, %parallel_loop3A_139 : i32
          %parallel_loop3A_141 = arith.addi %parallel_loop3A_133, %parallel_loop3A_140 : i32
          %parallel_loop3A_142 = arith.constant 0 : i32
          %parallel_loop3A_143 = arith.addi %parallel_loop3A_141, %parallel_loop3A_142 : i32
          %parallel_loop3A_144 = arith.index_cast %parallel_loop3A_143 : i32 to index
          %parallel_loop3A_145 = tpu.vector_load %arg5[%parallel_loop3A_144] {strides = array<i32>} : memref<43520xi32, #tpu.memory_space<vmem>>, vector<16xi32>,
          %parallel_loop3A_146 = arith.constant 65535 : i32
          %parallel_loop3A_147 = vector.broadcast %parallel_loop3A_146 : i32 to vector<16xi32>
          %parallel_loop3A_148 = arith.andi %parallel_loop3A_145, %parallel_loop3A_147 : vector<16xi32>
          %parallel_loop3A_149 = arith.constant -65536 : i32
          %parallel_loop3A_150 = vector.broadcast %parallel_loop3A_149 : i32 to vector<16xi32>
          %parallel_loop3A_151 = arith.andi %parallel_loop3A_145, %parallel_loop3A_150 : vector<16xi32>
          %parallel_loop3A_152 = tpu.bitcast %parallel_loop3A_151 : vector<16xi32> -> vector<16xf32>
          %parallel_loop3A_153 = arith.constant 7 : i32
          %parallel_loop3A_154 = vector.broadcast %parallel_loop3A_153 : i32 to vector<16xi32>
          %parallel_loop3A_155 = arith.andi %parallel_loop3A_148, %parallel_loop3A_154 : vector<16xi32>
          %parallel_loop3A_156 = vector.broadcast %parallel_loop3A_134 : i32 to vector<16xi32>
          %parallel_loop3A_157 = arith.addi %parallel_loop3A_155, %parallel_loop3A_156 : vector<16xi32>
          %parallel_loop3A_158 = arith.constant 0 : i32
          %parallel_loop3A_159 = vector.broadcast %parallel_loop3A_158 : i32 to vector<16xi32>
          %parallel_loop3A_160 = arith.cmpi sge, %parallel_loop3A_157, %parallel_loop3A_159 : vector<16xi32>
          %parallel_loop3A_161 = arith.constant 64 : i32
          %parallel_loop3A_162 = vector.broadcast %parallel_loop3A_161 : i32 to vector<16xi32>
          %parallel_loop3A_163 = arith.cmpi slt, %parallel_loop3A_157, %parallel_loop3A_162 : vector<16xi32>
          %parallel_loop3A_164 = arith.andi %parallel_loop3A_160, %parallel_loop3A_163 : vector<16xi1>
          %parallel_loop3A_165 = arith.constant 3 : i32
          %parallel_loop3A_166 = vector.broadcast %parallel_loop3A_165 : i32 to vector<16xi32>
          %parallel_loop3A_167 = arith.shrsi %parallel_loop3A_148, %parallel_loop3A_166 : vector<16xi32>
          %parallel_loop3A_168 = arith.constant 64 : i32
          %parallel_loop3A_169 = vector.broadcast %parallel_loop3A_168 : i32 to vector<16xi32>
          %parallel_loop3A_170 = arith.muli %parallel_loop3A_167, %parallel_loop3A_169 : vector<16xi32>
          %parallel_loop3A_171 = arith.addi %parallel_loop3A_170, %parallel_loop3A_157 : vector<16xi32>
          tpu.vector_store_idx %arg7[%parallel_loop3A_171], %parallel_loop3A_152 masked %parallel_loop3A_164 {add = true} : memref<32832xf32, #tpu.memory_space<vmem>>[vector<16xi32>], vector<16xf32>, vector<16xi1>
          %parallel_loop3A_172 = arith.constant 16 : i32
          %parallel_loop3A_173 = arith.addi %parallel_loop3A_141, %parallel_loop3A_172 : i32
          %parallel_loop3A_174 = arith.index_cast %parallel_loop3A_173 : i32 to index
          %parallel_loop3A_175 = tpu.vector_load %arg5[%parallel_loop3A_174] {strides = array<i32>} : memref<43520xi32, #tpu.memory_space<vmem>>, vector<16xi32>,
          %parallel_loop3A_176 = arith.constant 65535 : i32
          %parallel_loop3A_177 = vector.broadcast %parallel_loop3A_176 : i32 to vector<16xi32>
          %parallel_loop3A_178 = arith.andi %parallel_loop3A_175, %parallel_loop3A_177 : vector<16xi32>
          %parallel_loop3A_179 = arith.constant -65536 : i32
          %parallel_loop3A_180 = vector.broadcast %parallel_loop3A_179 : i32 to vector<16xi32>
          %parallel_loop3A_181 = arith.andi %parallel_loop3A_175, %parallel_loop3A_180 : vector<16xi32>
          %parallel_loop3A_182 = tpu.bitcast %parallel_loop3A_181 : vector<16xi32> -> vector<16xf32>
          %parallel_loop3A_183 = arith.constant 7 : i32
          %parallel_loop3A_184 = vector.broadcast %parallel_loop3A_183 : i32 to vector<16xi32>
          %parallel_loop3A_185 = arith.andi %parallel_loop3A_178, %parallel_loop3A_184 : vector<16xi32>
          %parallel_loop3A_186 = vector.broadcast %parallel_loop3A_134 : i32 to vector<16xi32>
          %parallel_loop3A_187 = arith.addi %parallel_loop3A_185, %parallel_loop3A_186 : vector<16xi32>
          %parallel_loop3A_188 = arith.constant 0 : i32
          %parallel_loop3A_189 = vector.broadcast %parallel_loop3A_188 : i32 to vector<16xi32>
          %parallel_loop3A_190 = arith.cmpi sge, %parallel_loop3A_187, %parallel_loop3A_189 : vector<16xi32>
          %parallel_loop3A_191 = arith.constant 64 : i32
          %parallel_loop3A_192 = vector.broadcast %parallel_loop3A_191 : i32 to vector<16xi32>
          %parallel_loop3A_193 = arith.cmpi slt, %parallel_loop3A_187, %parallel_loop3A_192 : vector<16xi32>
          %parallel_loop3A_194 = arith.andi %parallel_loop3A_190, %parallel_loop3A_193 : vector<16xi1>
          %parallel_loop3A_195 = arith.constant 3 : i32
          %parallel_loop3A_196 = vector.broadcast %parallel_loop3A_195 : i32 to vector<16xi32>
          %parallel_loop3A_197 = arith.shrsi %parallel_loop3A_178, %parallel_loop3A_196 : vector<16xi32>
          %parallel_loop3A_198 = arith.constant 64 : i32
          %parallel_loop3A_199 = vector.broadcast %parallel_loop3A_198 : i32 to vector<16xi32>
          %parallel_loop3A_200 = arith.muli %parallel_loop3A_197, %parallel_loop3A_199 : vector<16xi32>
          %parallel_loop3A_201 = arith.addi %parallel_loop3A_200, %parallel_loop3A_187 : vector<16xi32>
          tpu.vector_store_idx %arg7[%parallel_loop3A_201], %parallel_loop3A_182 masked %parallel_loop3A_194 {add = true} : memref<32832xf32, #tpu.memory_space<vmem>>[vector<16xi32>], vector<16xf32>, vector<16xi1>
          %parallel_loop3A_202 = arith.constant 32 : i32
          %parallel_loop3A_203 = arith.addi %parallel_loop3A_141, %parallel_loop3A_202 : i32
          %parallel_loop3A_204 = arith.index_cast %parallel_loop3A_203 : i32 to index
          %parallel_loop3A_205 = tpu.vector_load %arg5[%parallel_loop3A_204] {strides = array<i32>} : memref<43520xi32, #tpu.memory_space<vmem>>, vector<16xi32>,
          %parallel_loop3A_206 = arith.constant 65535 : i32
          %parallel_loop3A_207 = vector.broadcast %parallel_loop3A_206 : i32 to vector<16xi32>
          %parallel_loop3A_208 = arith.andi %parallel_loop3A_205, %parallel_loop3A_207 : vector<16xi32>
          %parallel_loop3A_209 = arith.constant -65536 : i32
          %parallel_loop3A_210 = vector.broadcast %parallel_loop3A_209 : i32 to vector<16xi32>
          %parallel_loop3A_211 = arith.andi %parallel_loop3A_205, %parallel_loop3A_210 : vector<16xi32>
          %parallel_loop3A_212 = tpu.bitcast %parallel_loop3A_211 : vector<16xi32> -> vector<16xf32>
          %parallel_loop3A_213 = arith.constant 7 : i32
          %parallel_loop3A_214 = vector.broadcast %parallel_loop3A_213 : i32 to vector<16xi32>
          %parallel_loop3A_215 = arith.andi %parallel_loop3A_208, %parallel_loop3A_214 : vector<16xi32>
          %parallel_loop3A_216 = vector.broadcast %parallel_loop3A_134 : i32 to vector<16xi32>
          %parallel_loop3A_217 = arith.addi %parallel_loop3A_215, %parallel_loop3A_216 : vector<16xi32>
          %parallel_loop3A_218 = arith.constant 0 : i32
          %parallel_loop3A_219 = vector.broadcast %parallel_loop3A_218 : i32 to vector<16xi32>
          %parallel_loop3A_220 = arith.cmpi sge, %parallel_loop3A_217, %parallel_loop3A_219 : vector<16xi32>
          %parallel_loop3A_221 = arith.constant 64 : i32
          %parallel_loop3A_222 = vector.broadcast %parallel_loop3A_221 : i32 to vector<16xi32>
          %parallel_loop3A_223 = arith.cmpi slt, %parallel_loop3A_217, %parallel_loop3A_222 : vector<16xi32>
          %parallel_loop3A_224 = arith.andi %parallel_loop3A_220, %parallel_loop3A_223 : vector<16xi1>
          %parallel_loop3A_225 = arith.constant 3 : i32
          %parallel_loop3A_226 = vector.broadcast %parallel_loop3A_225 : i32 to vector<16xi32>
          %parallel_loop3A_227 = arith.shrsi %parallel_loop3A_208, %parallel_loop3A_226 : vector<16xi32>
          %parallel_loop3A_228 = arith.constant 64 : i32
          %parallel_loop3A_229 = vector.broadcast %parallel_loop3A_228 : i32 to vector<16xi32>
          %parallel_loop3A_230 = arith.muli %parallel_loop3A_227, %parallel_loop3A_229 : vector<16xi32>
          %parallel_loop3A_231 = arith.addi %parallel_loop3A_230, %parallel_loop3A_217 : vector<16xi32>
          tpu.vector_store_idx %arg7[%parallel_loop3A_231], %parallel_loop3A_212 masked %parallel_loop3A_224 {add = true} : memref<32832xf32, #tpu.memory_space<vmem>>[vector<16xi32>], vector<16xf32>, vector<16xi1>
        } {sc.loop_unroll_factor = 4 : i64, sc.parallel_access}
      } {sc.loop_unroll_factor = 2 : i64, sc.parallel_access}
      %run_scoped3A = arith.constant 128 : i32
      "tpu.region"() ({
        %run_scoped3A_131 = tpu.sem_alloc : memref<!tpu.dma_semaphore, #tpu.memory_space<semaphore_mem>>
        %dma_start3A_132 = arith.constant 0 : i32
        %dma_start3A_133 = tpu.memref_slice %arg4[%run_scoped3A, %dma_start3A_132] : memref<130x32832xf32, #tpu.memory_space<hbm>> -> memref<1x32832xf32, #tpu.memory_space<hbm>>
        %dma_start3A_134 = tpu.memref_squeeze %dma_start3A_133 : memref<1x32832xf32, #tpu.memory_space<hbm>> -> memref<32832xf32, #tpu.memory_space<hbm>>
        %dma_start3A_135 = arith.constant 0 : i32
        %dma_start3A_136 = tpu.memref_slice %arg4[%run_scoped3A, %dma_start3A_135] : memref<130x32832xf32, #tpu.memory_space<hbm>> -> memref<1x32832xf32, #tpu.memory_space<hbm>>
        %dma_start3A_137 = tpu.memref_squeeze %dma_start3A_136 : memref<1x32832xf32, #tpu.memory_space<hbm>> -> memref<32832xf32, #tpu.memory_space<hbm>>
        tpu.enqueue_dma source(%arg7 : memref<32832xf32, #tpu.memory_space<vmem>>) target(%dma_start3A_137 : memref<32832xf32, #tpu.memory_space<hbm>>) target_semaphore(%run_scoped3A_131 : memref<!tpu.dma_semaphore, #tpu.memory_space<semaphore_mem>>)
        %dma_wait3A_138 = arith.constant 0 : i32
        %dma_wait3A_139 = tpu.memref_slice %arg4[%run_scoped3A, %dma_wait3A_138] : memref<130x32832xf32, #tpu.memory_space<hbm>> -> memref<1x32832xf32, #tpu.memory_space<hbm>>
        %dma_wait3A_140 = tpu.memref_squeeze %dma_wait3A_139 : memref<1x32832xf32, #tpu.memory_space<hbm>> -> memref<32832xf32, #tpu.memory_space<hbm>>
        %dma_wait3A_141 = arith.constant 0 : i32
        %dma_wait3A_142 = tpu.memref_slice %arg4[%run_scoped3A, %dma_wait3A_141] : memref<130x32832xf32, #tpu.memory_space<hbm>> -> memref<1x32832xf32, #tpu.memory_space<hbm>>
        %dma_wait3A_143 = tpu.memref_squeeze %dma_wait3A_142 : memref<1x32832xf32, #tpu.memory_space<hbm>> -> memref<32832xf32, #tpu.memory_space<hbm>>
        tpu.wait_dma2 semaphore(%run_scoped3A_131 : memref<!tpu.dma_semaphore, #tpu.memory_space<semaphore_mem>>) src(%arg7 : memref<32832xf32, #tpu.memory_space<vmem>>) dst(%dma_wait3A_143 : memref<32832xf32, #tpu.memory_space<hbm>>)
        tpu.yield
      }) : () -> ()
    } else {
    }
    %eq3A_116 = arith.constant 30 : i32
    %eq3A_117 = arith.cmpi eq, %add3A, %eq3A_116 : i32
    %convert_element_type3A_118 = arith.extui %eq3A_117 : i1 to i32
    %cond3A_119 = arith.constant 0 : i32
    %cond3A_120 = arith.cmpi ne, %convert_element_type3A_118, %cond3A_119 : i32
    scf.if %cond3A_120 {
      "tpu.region"() ({
        %run_scoped3A_121 = tpu.sem_alloc : memref<!tpu.dma_semaphore, #tpu.memory_space<semaphore_mem>>
        tpu.enqueue_dma source(%arg3 : memref<32832xf32, #tpu.memory_space<hbm>>) target(%arg7 : memref<32832xf32, #tpu.memory_space<vmem>>) target_semaphore(%run_scoped3A_121 : memref<!tpu.dma_semaphore, #tpu.memory_space<semaphore_mem>>)
        tpu.wait_dma2 semaphore(%run_scoped3A_121 : memref<!tpu.dma_semaphore, #tpu.memory_space<semaphore_mem>>) src(%arg3 : memref<32832xf32, #tpu.memory_space<hbm>>) dst(%arg7 : memref<32832xf32, #tpu.memory_space<vmem>>)
        tpu.yield
      }) : () -> ()
      %run_scoped3A = arith.constant 129 : i32
      "tpu.region"() ({
        %run_scoped3A_121 = tpu.sem_alloc : memref<!tpu.dma_semaphore, #tpu.memory_space<semaphore_mem>>
        %dma_start3A_122 = arith.constant 0 : i32
        %dma_start3A_123 = tpu.memref_slice %arg4[%run_scoped3A, %dma_start3A_122] : memref<130x32832xf32, #tpu.memory_space<hbm>> -> memref<1x32832xf32, #tpu.memory_space<hbm>>
        %dma_start3A_124 = tpu.memref_squeeze %dma_start3A_123 : memref<1x32832xf32, #tpu.memory_space<hbm>> -> memref<32832xf32, #tpu.memory_space<hbm>>
        %dma_start3A_125 = arith.constant 0 : i32
        %dma_start3A_126 = tpu.memref_slice %arg4[%run_scoped3A, %dma_start3A_125] : memref<130x32832xf32, #tpu.memory_space<hbm>> -> memref<1x32832xf32, #tpu.memory_space<hbm>>
        %dma_start3A_127 = tpu.memref_squeeze %dma_start3A_126 : memref<1x32832xf32, #tpu.memory_space<hbm>> -> memref<32832xf32, #tpu.memory_space<hbm>>
        tpu.enqueue_dma source(%arg7 : memref<32832xf32, #tpu.memory_space<vmem>>) target(%dma_start3A_127 : memref<32832xf32, #tpu.memory_space<hbm>>) target_semaphore(%run_scoped3A_121 : memref<!tpu.dma_semaphore, #tpu.memory_space<semaphore_mem>>)
        %dma_wait3A_128 = arith.constant 0 : i32
        %dma_wait3A_129 = tpu.memref_slice %arg4[%run_scoped3A, %dma_wait3A_128] : memref<130x32832xf32, #tpu.memory_space<hbm>> -> memref<1x32832xf32, #tpu.memory_space<hbm>>
        %dma_wait3A_130 = tpu.memref_squeeze %dma_wait3A_129 : memref<1x32832xf32, #tpu.memory_space<hbm>> -> memref<32832xf32, #tpu.memory_space<hbm>>
        %dma_wait3A_131 = arith.constant 0 : i32
        %dma_wait3A_132 = tpu.memref_slice %arg4[%run_scoped3A, %dma_wait3A_131] : memref<130x32832xf32, #tpu.memory_space<hbm>> -> memref<1x32832xf32, #tpu.memory_space<hbm>>
        %dma_wait3A_133 = tpu.memref_squeeze %dma_wait3A_132 : memref<1x32832xf32, #tpu.memory_space<hbm>> -> memref<32832xf32, #tpu.memory_space<hbm>>
        tpu.wait_dma2 semaphore(%run_scoped3A_121 : memref<!tpu.dma_semaphore, #tpu.memory_space<semaphore_mem>>) src(%arg7 : memref<32832xf32, #tpu.memory_space<vmem>>) dst(%dma_wait3A_133 : memref<32832xf32, #tpu.memory_space<hbm>>)
        tpu.yield
      }) : () -> ()
    } else {
    }
    return
  }
}

module attributes {stable_mosaic.version = 14 : i64} {
  func.func @_tc_points_body(%arg0: i32, %arg1: memref<8456x256xf32, #tpu.memory_space<vmem>>, %arg2: memref<8456x256xf32, #tpu.memory_space<vmem>>, %arg3: memref<1x1024xf32, #tpu.memory_space<vmem>>, %arg4: memref<256x1xf32, #tpu.memory_space<vmem>>, %arg5: memref<1024x1280xf32, #tpu.memory_space<vmem>>, %arg6: memref<256x640xi32, #tpu.memory_space<vmem>>) attributes {dimension_semantics = [#tpu.dimension_semantics<arbitrary>], iteration_bounds = array<i64: 33>, scalar_prefetch = 0 : i64, scratch_operands = 0 : i64, tpu.core_type = #tpu.core_type<tc>, window_params = [{pipeline_mode = #tpu.pipeline_mode<synchronous>, transform_indices = @transform_0, window_bounds = array<i64: 8456, 256>}, {pipeline_mode = #tpu.pipeline_mode<synchronous>, transform_indices = @transform_1, window_bounds = array<i64: 8456, 256>}, {pipeline_mode = #tpu.pipeline_mode<synchronous>, transform_indices = @transform_2, window_bounds = array<i64: 1, 1024>}, {transform_indices = @transform_3, window_bounds = array<i64: 256, 1>}, {pipeline_mode = #tpu.pipeline_mode<synchronous>, transform_indices = @transform_4, window_bounds = array<i64: 1024, 1280>}, {transform_indices = @transform_5, window_bounds = array<i64: 256, 640>}]} {
    %mul3A = arith.constant 256 : i32
    %mul3A_0 = arith.muli %arg0, %mul3A : i32
    %get3A = arith.index_cast %mul3A_0 : i32 to index
    %get3A_1 = arith.constant 0 : index
    %get3A_2 = vector.load %arg1[%get3A, %get3A_1] : memref<8456x256xf32, #tpu.memory_space<vmem>>, vector<259x256xf32>
    %slice3A = vector.extract_strided_slice %get3A_2 {offsets = [0, 0], sizes = [256, 256], strides = [1, 1]} : vector<259x256xf32> to vector<256x256xf32>
    %slice3A_3 = vector.extract_strided_slice %get3A_2 {offsets = [1, 0], sizes = [256, 256], strides = [1, 1]} : vector<259x256xf32> to vector<256x256xf32>
    %slice3A_4 = vector.extract_strided_slice %get3A_2 {offsets = [2, 0], sizes = [256, 256], strides = [1, 1]} : vector<259x256xf32> to vector<256x256xf32>
    %slice3A_5 = vector.extract_strided_slice %get3A_2 {offsets = [3, 0], sizes = [256, 256], strides = [1, 1]} : vector<259x256xf32> to vector<256x256xf32>
    %concatenate3A = tpu.concatenate %slice3A, %slice3A_3, %slice3A_4, %slice3A_5 in 1 : vector<256x256xf32>, vector<256x256xf32>, vector<256x256xf32>, vector<256x256xf32> -> vector<256x1024xf32>
    %get3A_6 = arith.constant 0 : index
    %get3A_7 = arith.constant 0 : index
    %get3A_8 = vector.load %arg3[%get3A_6, %get3A_7] : memref<1x1024xf32, #tpu.memory_space<vmem>>, vector<1x1024xf32>
    %mul3A_9 = vector.broadcast %get3A_8 : vector<1x1024xf32> to vector<256x1024xf32>
    %mul3A_10 = arith.mulf %concatenate3A, %mul3A_9 : vector<256x1024xf32>
    %mul3A_11 = arith.constant 256 : i32
    %mul3A_12 = arith.muli %arg0, %mul3A_11 : i32
    %get3A_13 = arith.index_cast %mul3A_12 : i32 to index
    %get3A_14 = arith.constant 0 : index
    %get3A_15 = vector.load %arg2[%get3A_13, %get3A_14] : memref<8456x256xf32, #tpu.memory_space<vmem>>, vector<259x256xf32>
    %slice3A_16 = vector.extract_strided_slice %get3A_15 {offsets = [0, 0], sizes = [256, 256], strides = [1, 1]} : vector<259x256xf32> to vector<256x256xf32>
    %slice3A_17 = vector.extract_strided_slice %get3A_15 {offsets = [1, 0], sizes = [256, 256], strides = [1, 1]} : vector<259x256xf32> to vector<256x256xf32>
    %slice3A_18 = vector.extract_strided_slice %get3A_15 {offsets = [2, 0], sizes = [256, 256], strides = [1, 1]} : vector<259x256xf32> to vector<256x256xf32>
    %slice3A_19 = vector.extract_strided_slice %get3A_15 {offsets = [3, 0], sizes = [256, 256], strides = [1, 1]} : vector<259x256xf32> to vector<256x256xf32>
    %concatenate3A_20 = tpu.concatenate %slice3A_16, %slice3A_17, %slice3A_18, %slice3A_19 in 1 : vector<256x256xf32>, vector<256x256xf32>, vector<256x256xf32>, vector<256x256xf32> -> vector<256x1024xf32>
    %get3A_21 = arith.constant 0 : index
    %get3A_22 = arith.constant 0 : index
    %get3A_23 = vector.load %arg3[%get3A_21, %get3A_22] : memref<1x1024xf32, #tpu.memory_space<vmem>>, vector<1x1024xf32>
    %mul3A_24 = vector.broadcast %get3A_23 : vector<1x1024xf32> to vector<256x1024xf32>
    %mul3A_25 = arith.mulf %concatenate3A_20, %mul3A_24 : vector<256x1024xf32>
    %concatenate3A_26 = tpu.concatenate %mul3A_10, %mul3A_25 in 0 : vector<256x1024xf32>, vector<256x1024xf32> -> vector<512x1024xf32>
    %get3A_27 = arith.constant 0 : index
    %get3A_28 = arith.constant 0 : index
    %get3A_29 = vector.load %arg5[%get3A_27, %get3A_28] : memref<1024x1280xf32, #tpu.memory_space<vmem>>, vector<1024x1280xf32>
    %dot_general3A = arith.constant dense<0.000000e+00> : vector<512x1280xf32>
    %dot_general3A_30 = tpu.matmul %concatenate3A_26, %get3A_29, %dot_general3A {dimension_numbers = #tpu.dot_dimension_numbers<[1], [0], [0], [1], [0, 0, 1, 1], [], []>, precision = #tpu.contract_precision<fp32>, transpose_lhs_hint = false} : vector<512x1024xf32>, vector<1024x1280xf32>, vector<512x1280xf32> -> vector<512x1280xf32>
    %slice3A_31 = vector.extract_strided_slice %dot_general3A_30 {offsets = [0, 0], sizes = [256, 640], strides = [1, 1]} : vector<512x1280xf32> to vector<256x640xf32>
    %slice3A_32 = vector.extract_strided_slice %dot_general3A_30 {offsets = [0, 640], sizes = [256, 640], strides = [1, 1]} : vector<512x1280xf32> to vector<256x640xf32>
    %slice3A_33 = vector.extract_strided_slice %dot_general3A_30 {offsets = [256, 0], sizes = [256, 640], strides = [1, 1]} : vector<512x1280xf32> to vector<256x640xf32>
    %slice3A_34 = vector.extract_strided_slice %dot_general3A_30 {offsets = [256, 640], sizes = [256, 640], strides = [1, 1]} : vector<512x1280xf32> to vector<256x640xf32>
    %mul3A_35 = arith.mulf %slice3A_31, %slice3A_33 : vector<256x640xf32>
    %mul3A_36 = arith.mulf %slice3A_32, %slice3A_34 : vector<256x640xf32>
    %add3A = arith.addf %mul3A_35, %mul3A_36 : vector<256x640xf32>
    %mul3A_37 = arith.mulf %slice3A_32, %slice3A_33 : vector<256x640xf32>
    %mul3A_38 = arith.mulf %slice3A_31, %slice3A_34 : vector<256x640xf32>
    %sub3A = arith.subf %mul3A_37, %mul3A_38 : vector<256x640xf32>
    %atan23A = math.atan2 %sub3A, %add3A : vector<256x640xf32>
    %div3A = arith.constant 6.28318548 : f32
    %div3A_39 = vector.broadcast %div3A : f32 to vector<256x640xf32>
    %div3A_40 = arith.divf %atan23A, %div3A_39 : vector<256x640xf32>
    %jit3A = arith.constant 1.000000e+00 : f32
    %rem3A = vector.broadcast %jit3A : f32 to vector<256x640xf32>
    %rem3A_41 = arith.remf %div3A_40, %rem3A : vector<256x640xf32>
    %ne3A = arith.constant 0.000000e+00 : f32
    %ne3A_42 = vector.broadcast %ne3A : f32 to vector<256x640xf32>
    %ne3A_43 = arith.cmpf one, %rem3A_41, %ne3A_42 : vector<256x640xf32>
    %lt3A = arith.constant 0.000000e+00 : f32
    %lt3A_44 = vector.broadcast %lt3A : f32 to vector<256x640xf32>
    %lt3A_45 = arith.cmpf olt, %rem3A_41, %lt3A_44 : vector<256x640xf32>
    %lt3A_46 = arith.constant 0.000000e+00 : f32
    %lt3A_47 = arith.cmpf olt, %jit3A, %lt3A_46 : f32
    %ne3A_48 = vector.broadcast %lt3A_47 : i1 to vector<256x640xi1>
    %ne3A_49 = vector.broadcast %ne3A_48 : vector<256x640xi1> to vector<256x640xi1>
    %ne3A_50 = arith.xori %lt3A_45, %ne3A_49 : vector<256x640xi1>
    %and3A = arith.andi %ne3A_50, %ne3A_43 : vector<256x640xi1>
    %add3A_51 = vector.broadcast %jit3A : f32 to vector<256x640xf32>
    %add3A_52 = arith.addf %rem3A_41, %add3A_51 : vector<256x640xf32>
    %select_n3A = arith.select %and3A, %add3A_52, %rem3A_41 : vector<256x640xi1>, vector<256x640xf32>
    %slice3A_53 = vector.extract_strided_slice %slice3A_31 {offsets = [0, 639], sizes = [256, 1], strides = [1, 1]} : vector<256x640xf32> to vector<256x1xf32>
    %slice3A_54 = vector.extract_strided_slice %slice3A_31 {offsets = [0, 0], sizes = [256, 639], strides = [1, 1]} : vector<256x640xf32> to vector<256x639xf32>
    %concatenate3A_55 = tpu.concatenate %slice3A_53, %slice3A_54 in 1 : vector<256x1xf32>, vector<256x639xf32> -> vector<256x640xf32>
    %slice3A_56 = vector.extract_strided_slice %slice3A_32 {offsets = [0, 639], sizes = [256, 1], strides = [1, 1]} : vector<256x640xf32> to vector<256x1xf32>
    %slice3A_57 = vector.extract_strided_slice %slice3A_32 {offsets = [0, 0], sizes = [256, 639], strides = [1, 1]} : vector<256x640xf32> to vector<256x639xf32>
    %concatenate3A_58 = tpu.concatenate %slice3A_56, %slice3A_57 in 1 : vector<256x1xf32>, vector<256x639xf32> -> vector<256x640xf32>
    %mul3A_59 = arith.mulf %slice3A_31, %concatenate3A_55 : vector<256x640xf32>
    %mul3A_60 = arith.mulf %slice3A_32, %concatenate3A_58 : vector<256x640xf32>
    %add3A_61 = arith.addf %mul3A_59, %mul3A_60 : vector<256x640xf32>
    %mul3A_62 = arith.mulf %slice3A_32, %concatenate3A_55 : vector<256x640xf32>
    %mul3A_63 = arith.mulf %slice3A_31, %concatenate3A_58 : vector<256x640xf32>
    %sub3A_64 = arith.subf %mul3A_62, %mul3A_63 : vector<256x640xf32>
    %atan23A_65 = math.atan2 %sub3A_64, %add3A_61 : vector<256x640xf32>
    %div3A_66 = arith.constant 6.28318548 : f32
    %div3A_67 = vector.broadcast %div3A_66 : f32 to vector<256x640xf32>
    %div3A_68 = arith.divf %atan23A_65, %div3A_67 : vector<256x640xf32>
    %jit3A_69 = arith.constant 1.000000e+00 : f32
    %rem3A_70 = vector.broadcast %jit3A_69 : f32 to vector<256x640xf32>
    %rem3A_71 = arith.remf %div3A_68, %rem3A_70 : vector<256x640xf32>
    %ne3A_72 = arith.constant 0.000000e+00 : f32
    %ne3A_73 = vector.broadcast %ne3A_72 : f32 to vector<256x640xf32>
    %ne3A_74 = arith.cmpf one, %rem3A_71, %ne3A_73 : vector<256x640xf32>
    %lt3A_75 = arith.constant 0.000000e+00 : f32
    %lt3A_76 = vector.broadcast %lt3A_75 : f32 to vector<256x640xf32>
    %lt3A_77 = arith.cmpf olt, %rem3A_71, %lt3A_76 : vector<256x640xf32>
    %lt3A_78 = arith.constant 0.000000e+00 : f32
    %lt3A_79 = arith.cmpf olt, %jit3A_69, %lt3A_78 : f32
    %ne3A_80 = vector.broadcast %lt3A_79 : i1 to vector<256x640xi1>
    %ne3A_81 = vector.broadcast %ne3A_80 : vector<256x640xi1> to vector<256x640xi1>
    %ne3A_82 = arith.xori %lt3A_77, %ne3A_81 : vector<256x640xi1>
    %and3A_83 = arith.andi %ne3A_82, %ne3A_74 : vector<256x640xi1>
    %add3A_84 = vector.broadcast %jit3A_69 : f32 to vector<256x640xf32>
    %add3A_85 = arith.addf %rem3A_71, %add3A_84 : vector<256x640xf32>
    %select_n3A_86 = arith.select %and3A_83, %add3A_85, %rem3A_71 : vector<256x640xi1>, vector<256x640xf32>
    %iota3A = tpu.iota {dimensions = array<i32: 1>} : vector<256x640xi32>
    %eq3A = arith.constant 0 : i32
    %eq3A_87 = vector.broadcast %eq3A : i32 to vector<256x640xi32>
    %eq3A_88 = arith.cmpi eq, %iota3A, %eq3A_87 : vector<256x640xi32>
    %jit3A_89 = arith.constant 0.000000e+00 : f32
    %broadcast_in_dim3A = vector.broadcast %jit3A_89 : f32 to vector<256x640xf32>
    %select_n3A_90 = arith.select %eq3A_88, %broadcast_in_dim3A, %select_n3A_86 : vector<256x640xi1>, vector<256x640xf32>
    %sub3A_91 = arith.constant 5.000000e-01 : f32
    %sub3A_92 = vector.broadcast %sub3A_91 : f32 to vector<256x640xf32>
    %sub3A_93 = arith.subf %sub3A_92, %select_n3A_90 : vector<256x640xf32>
    %get3A_94 = arith.constant 0 : index
    %get3A_95 = arith.constant 0 : index
    %get3A_96 = vector.load %arg4[%get3A_94, %get3A_95] : memref<256x1xf32, #tpu.memory_space<vmem>>, vector<256x1xf32>
    %mul3A_97 = arith.constant 0.0232199542 : f32
    %mul3A_98 = vector.broadcast %mul3A_97 : f32 to vector<256x640xf32>
    %mul3A_99 = arith.mulf %sub3A_93, %mul3A_98 : vector<256x640xf32>
    %add3A_100 = vector.broadcast %get3A_96 : vector<256x1xf32> to vector<256x640xf32>
    %add3A_101 = arith.addf %add3A_100, %mul3A_99 : vector<256x640xf32>
    %mul3A_102 = arith.mulf %slice3A_31, %slice3A_31 : vector<256x640xf32>
    %mul3A_103 = arith.mulf %slice3A_32, %slice3A_32 : vector<256x640xf32>
    %add3A_104 = arith.addf %mul3A_102, %mul3A_103 : vector<256x640xf32>
    %sqrt3A = math.sqrt %add3A_104 : vector<256x640xf32>
    %div3A_105 = arith.constant 5.130000e+02 : f32
    %div3A_106 = vector.broadcast %div3A_105 : f32 to vector<256x640xf32>
    %div3A_107 = arith.divf %sqrt3A, %div3A_106 : vector<256x640xf32>
    %ge3A = arith.constant 0.000000e+00 : f32
    %ge3A_108 = vector.broadcast %ge3A : f32 to vector<256x640xf32>
    %ge3A_109 = arith.cmpf oge, %select_n3A, %ge3A_108 : vector<256x640xf32>
    %le3A = arith.constant 5.000000e-01 : f32
    %le3A_110 = vector.broadcast %le3A : f32 to vector<256x640xf32>
    %le3A_111 = arith.cmpf ole, %select_n3A, %le3A_110 : vector<256x640xf32>
    %and3A_112 = arith.andi %ge3A_109, %le3A_111 : vector<256x640xi1>
    %ge3A_113 = arith.constant 0.000000e+00 : f32
    %ge3A_114 = vector.broadcast %ge3A_113 : f32 to vector<256x640xf32>
    %ge3A_115 = arith.cmpf oge, %add3A_101, %ge3A_114 : vector<256x640xf32>
    %and3A_116 = arith.andi %and3A_112, %ge3A_115 : vector<256x640xi1>
    %le3A_117 = arith.constant 47.5602722 : f32
    %le3A_118 = vector.broadcast %le3A_117 : f32 to vector<256x640xf32>
    %le3A_119 = arith.cmpf ole, %add3A_101, %le3A_118 : vector<256x640xf32>
    %and3A_120 = arith.andi %and3A_116, %le3A_119 : vector<256x640xi1>
    %div3A_121 = arith.constant 9.74658876E-4 : f32
    %div3A_122 = vector.broadcast %div3A_121 : f32 to vector<256x640xf32>
    %div3A_123 = arith.divf %select_n3A, %div3A_122 : vector<256x640xf32>
    %floor3A = math.floor %div3A_123 : vector<256x640xf32>
    %convert_element_type3A = arith.fptosi %floor3A : vector<256x640xf32> to vector<256x640xi32>
    %jit3A_124 = arith.constant 0 : i32
    %jit3A_125 = arith.constant 512 : i32
    %max3A = vector.broadcast %jit3A_124 : i32 to vector<256x640xi32>
    %max3A_126 = arith.maxsi %max3A, %convert_element_type3A : vector<256x640xi32>
    %min3A = vector.broadcast %jit3A_125 : i32 to vector<256x640xi32>
    %min3A_127 = arith.minsi %min3A, %max3A_126 : vector<256x640xi32>
    %div3A_128 = arith.constant 0.00580498856 : f32
    %div3A_129 = vector.broadcast %div3A_128 : f32 to vector<256x640xf32>
    %div3A_130 = arith.divf %add3A_101, %div3A_129 : vector<256x640xf32>
    %floor3A_131 = math.floor %div3A_130 : vector<256x640xf32>
    %convert_element_type3A_132 = arith.fptosi %floor3A_131 : vector<256x640xf32> to vector<256x640xi32>
    %jit3A_133 = arith.constant 0 : i32
    %jit3A_134 = arith.constant 8192 : i32
    %max3A_135 = vector.broadcast %jit3A_133 : i32 to vector<256x640xi32>
    %max3A_136 = arith.maxsi %max3A_135, %convert_element_type3A_132 : vector<256x640xi32>
    %min3A_137 = vector.broadcast %jit3A_134 : i32 to vector<256x640xi32>
    %min3A_138 = arith.minsi %min3A_137, %max3A_136 : vector<256x640xi32>
    %mul3A_139 = arith.constant 256 : i32
    %mul3A_140 = arith.muli %arg0, %mul3A_139 : i32
    %iota3A_141 = tpu.iota {dimensions = array<i32: 0>} : vector<256x640xi32>
    %add3A_142 = vector.broadcast %mul3A_140 : i32 to vector<256x640xi32>
    %add3A_143 = arith.addi %add3A_142, %iota3A_141 : vector<256x640xi32>
    %sub3A_144 = arith.subi %min3A_138, %add3A_143 : vector<256x640xi32>
    %add3A_145 = arith.constant 1 : i32
    %add3A_146 = vector.broadcast %add3A_145 : i32 to vector<256x640xi32>
    %add3A_147 = arith.addi %sub3A_144, %add3A_146 : vector<256x640xi32>
    %jit3A_148 = arith.constant 0 : i32
    %jit3A_149 = arith.constant 7 : i32
    %max3A_150 = vector.broadcast %jit3A_148 : i32 to vector<256x640xi32>
    %max3A_151 = arith.maxsi %max3A_150, %add3A_147 : vector<256x640xi32>
    %min3A_152 = vector.broadcast %jit3A_149 : i32 to vector<256x640xi32>
    %min3A_153 = arith.minsi %min3A_152, %max3A_151 : vector<256x640xi32>
    %lt3A_154 = arith.constant 8193 : i32
    %lt3A_155 = vector.broadcast %lt3A_154 : i32 to vector<256x640xi32>
    %lt3A_156 = arith.cmpi slt, %add3A_143, %lt3A_155 : vector<256x640xi32>
    %and3A_157 = arith.andi %and3A_120, %lt3A_156 : vector<256x640xi1>
    %jit3A_158 = arith.constant 0.000000e+00 : f32
    %broadcast_in_dim3A_159 = vector.broadcast %jit3A_158 : f32 to vector<256x640xf32>
    %select_n3A_160 = arith.select %and3A_157, %div3A_107, %broadcast_in_dim3A_159 : vector<256x640xi1>, vector<256x640xf32>
    %convert_element_type3A_161 = arith.truncf %select_n3A_160 : vector<256x640xf32> to vector<256x640xbf16>
    %bitcast_convert_type3A = tpu.bitcast %convert_element_type3A_161 : vector<256x640xbf16> -> vector<256x640xi16>
    %convert_element_type3A_162 = arith.extui %bitcast_convert_type3A : vector<256x640xi16> to vector<256x640xi32>
    %shift_left3A = arith.constant 16 : i32
    %shift_left3A_163 = vector.broadcast %shift_left3A : i32 to vector<256x640xi32>
    %shift_left3A_164 = arith.shli %convert_element_type3A_162, %shift_left3A_163 : vector<256x640xi32>
    %mul3A_165 = arith.constant 8 : i32
    %mul3A_166 = vector.broadcast %mul3A_165 : i32 to vector<256x640xi32>
    %mul3A_167 = arith.muli %min3A_127, %mul3A_166 : vector<256x640xi32>
    %add3A_168 = arith.addi %mul3A_167, %min3A_153 : vector<256x640xi32>
    %or3A = arith.ori %shift_left3A_164, %add3A_168 : vector<256x640xi32>
    %swap3A = arith.constant 0 : index
    %swap3A_169 = arith.constant 0 : index
    %swap3A_170 = vector.load %arg6[%swap3A, %swap3A_169] : memref<256x640xi32, #tpu.memory_space<vmem>>, vector<256x640xi32>
    tpu.vector_store %arg6[%swap3A, %swap3A_169], %or3A {strides = array<i32>} : memref<256x640xi32, #tpu.memory_space<vmem>>, vector<256x640xi32>,
    return
  }
  func.func @transform_0(%arg0: i32) -> (i32, i32) {
    %c0_i32 = arith.constant 0 : i32
    %c0_i32_0 = arith.constant 0 : i32
    %c0_i32_1 = arith.constant 0 : i32
    return %c0_i32, %c0_i32_0 : i32, i32
  }
  func.func @transform_1(%arg0: i32) -> (i32, i32) {
    %c0_i32 = arith.constant 0 : i32
    %c0_i32_0 = arith.constant 0 : i32
    %c0_i32_1 = arith.constant 0 : i32
    return %c0_i32, %c0_i32_0 : i32, i32
  }
  func.func @transform_2(%arg0: i32) -> (i32, i32) {
    %c0_i32 = arith.constant 0 : i32
    %c0_i32_0 = arith.constant 0 : i32
    %c0_i32_1 = arith.constant 0 : i32
    return %c0_i32, %c0_i32_0 : i32, i32
  }
  func.func @transform_3(%arg0: i32) -> (i32, i32) {
    %c0_i32 = arith.constant 0 : i32
    %c0_i32_0 = arith.constant 0 : i32
    return %arg0, %c0_i32 : i32, i32
  }
  func.func @transform_4(%arg0: i32) -> (i32, i32) {
    %c0_i32 = arith.constant 0 : i32
    %c0_i32_0 = arith.constant 0 : i32
    %c0_i32_1 = arith.constant 0 : i32
    return %c0_i32, %c0_i32_0 : i32, i32
  }
  func.func @transform_5(%arg0: i32) -> (i32, i32) {
    %c0_i32 = arith.constant 0 : i32
    %c0_i32_0 = arith.constant 0 : i32
    return %arg0, %c0_i32 : i32, i32
  }
}

module attributes {stable_mosaic.version = 14 : i64} {
  func.func @_tc_log_body(%arg0: i32, %arg1: memref<2x513x64xf32, #tpu.memory_space<vmem>>, %arg2: memref<513x128xf32, #tpu.memory_space<vmem>>) attributes {dimension_semantics = [#tpu.dimension_semantics<arbitrary>], iteration_bounds = array<i64: 65>, scalar_prefetch = 0 : i64, scratch_operands = 0 : i64, tpu.core_type = #tpu.core_type<tc>, window_params = [{transform_indices = @transform_0, window_bounds = array<i64: 2, 513, 64>}, {transform_indices = @transform_1, window_bounds = array<i64: 513, 128>}]} {
    %get3A = arith.constant 0 : index
    %get3A_0 = arith.constant 0 : index
    %get3A_1 = arith.constant 0 : index
    %get3A_2 = vector.load %arg1[%get3A, %get3A_0, %get3A_1] : memref<2x513x64xf32, #tpu.memory_space<vmem>>, vector<1x513x64xf32>
    %get3A_3 = vector.shape_cast %get3A_2 : vector<1x513x64xf32> to vector<513x64xf32>
    %get3A_4 = arith.constant 1 : index
    %get3A_5 = arith.constant 0 : index
    %get3A_6 = arith.constant 0 : index
    %get3A_7 = vector.load %arg1[%get3A_4, %get3A_5, %get3A_6] : memref<2x513x64xf32, #tpu.memory_space<vmem>>, vector<1x513x64xf32>
    %get3A_8 = vector.shape_cast %get3A_7 : vector<1x513x64xf32> to vector<513x64xf32>
    %concatenate3A = tpu.concatenate %get3A_3, %get3A_8 in 1 : vector<513x64xf32>, vector<513x64xf32> -> vector<513x128xf32>
    %max3A = arith.constant 9.99999997E-7 : f32
    %max3A_9 = vector.broadcast %max3A : f32 to vector<513x128xf32>
    %max3A_10 = arith.maximumf %max3A_9, %concatenate3A : vector<513x128xf32>
    %log3A = math.log %max3A_10 : vector<513x128xf32>
    %log3A_11 = arith.constant 1.000000e+01 : f32
    %log3A_12 = math.log %log3A_11 : f32
    %div3A = vector.broadcast %log3A_12 : f32 to vector<513x128xf32>
    %div3A_13 = arith.divf %log3A, %div3A : vector<513x128xf32>
    %mul3A = arith.constant 2.000000e+01 : f32
    %mul3A_14 = vector.broadcast %mul3A : f32 to vector<513x128xf32>
    %mul3A_15 = arith.mulf %mul3A_14, %div3A_13 : vector<513x128xf32>
    %swap3A = arith.constant 0 : index
    %swap3A_16 = arith.constant 0 : index
    %swap3A_17 = vector.load %arg2[%swap3A, %swap3A_16] : memref<513x128xf32, #tpu.memory_space<vmem>>, vector<513x128xf32>
    tpu.vector_store %arg2[%swap3A, %swap3A_16], %mul3A_15 {strides = array<i32>} : memref<513x128xf32, #tpu.memory_space<vmem>>, vector<513x128xf32>,
    return
  }
  func.func @transform_0(%arg0: i32) -> (i32, i32, i32) {
    %c0_i32 = arith.constant 0 : i32
    %c0_i32_0 = arith.constant 0 : i32
    %c0_i32_1 = arith.constant 0 : i32
    return %arg0, %c0_i32, %c0_i32_0 : i32, i32, i32
  }
  func.func @transform_1(%arg0: i32) -> (i32, i32) {
    %c0_i32 = arith.constant 0 : i32
    %c0_i32_0 = arith.constant 0 : i32
    return %c0_i32, %arg0 : i32, i32
  }
}

</mosaic_0001>

<sc_bundles>
// kernel: kernel.5.cloned.1.call-start
scs
__scs_entry_jumppad:
0x0: {  	(pc) =	sbr.rel $0x88, $3  }
0x1: {  	(tag) =	ssettag $0x0;
	lr =	simm.s32 $0x1  }
0x2: {  	[smem:$0x3F9F] =	sst lr;
	_ =	strace $0xD0000000  }
0x3: {  	_ = 	snop  }
0x4: {  	_ = 	snop  }
0x5: {  	_ = 	snop  }
0x6: {  	_ = 	snop  }
0x7: {  	_ = 	snop  }
__scs_overlays_trampoline_lowered:
0x8: {  	[smem:$0x3FAE] =	sst s0  }
0x9: {  	[smem:$0x3FAF] =	sst s1  }
0xa: {  	[smem:$0x3FB0] =	sst s2  }
0xb: {  	[smem:$0x3FB1] =	sst s3  }
0xc: {  	[smem:$0x3FB2] =	sst s4  }
0xd: {  	[smem:$0x3FB3] =	sst s5  }
0xe: {  	[smem:$0x3FB4] =	sst s6  }
0xf: {  	[smem:$0x3FB5] =	sst s7  }
0x10: {  	[smem:$0x3FB6] =	sst s8  }
0x11: {  	[smem:$0x3FB7] =	sst s9;
	s0 =	simm.s32 @!p0 $0x0  }
0x12: {  	s1 =	sld [smem:$0x3F9D];
	s0 =	simm.s32 @p0 $0x1  }
0x13: {  	[smem:$0x3FB8] =	sst s0;
	s0 =	simm.s32 @!p1 $0x0  }
0x14: {  	s2 =	sld [smem:$0x3F9C];
	s0 =	simm.s32 @p1 $0x1  }
0x15: {  	[smem:$0x3FB9] =	sst s0;
	s0 =	simm.s32 @!p2 $0x0  }
0x16: {  	s3 =	sld [smem:$0x3FDB];
	s0 =	simm.s32 @p2 $0x1  }
0x17: {  	s4 =	simm.s32 $0x1BF5;
	[smem:$0x3FBB] =	sst s0  }
0x18: {  	s0 =	sld [smem:$0x3F9E];
	_ =	swait.ge [sflag:s4], $0x0  }
0x19: {  	s7 =	sld [smem:$0x3F9F]  }
0x1a: {  	s8 =	sadd.s32 $0xFFFFE003, lr  }
0x1b: {  	s9 =	sadd.s32 $0xFFFFFEF7, lr;
	s5 =	simm.s32 $0xFFFFFFFF;
	p2 =	slt.u32 s8, $0xFFFFF086  }
0x1c: {  	p1 =	slt.u32 s9, $0xF7A;
	s5 =	simm.s32 @!p2 $0x0  }
0x1d: {  	s5 =	simm.s32 @p1 $0x1;
	p0 =	seq.s32 s7, s2  }
0x1e: {  	s7 =	smul.u32 @!p0 $0xF7A, s2;
	p2 =	seq.s32 @!p0 s5, $0x0  }
0x1f: {  	s9 =	smul.u32 $0xF7A, s1;
	s8 =	simm.s32 @!p0 $0x1BF5;
	p2 =	por !p2, p0  }
0x20: {  	[sflag:s8] =	ssyncset.s32 @!p0 $0xFFFFF086;
	s6 =	sadd.s32 @!p0 s3, s7;
	s7 =	simm.s32 @!p0 $0x108  }
0x21: {  	s3 =	sadd.s32 s3, s9;
	s6 =	sadd.s32 @!p0 $0x88, s6;
	s7 =	simm.s32 @p2 $0x1082  }
0x22: {  	[simem:s7], [sflag:s8] =	dma.local @!p0 [hbm:s6], $0xF7A  }
0x23: {  	s9 =	sor.u32 $0xD0000000, s2;
	s6 =	simm.s32 $0x108;
	_ =	swait.ge @!p0 [sflag:s8], $0x0  }
0x24: {  	s3 =	sadd.s32 $0x88, s3;
	s6 =	simm.s32 @!p1 $0x1082;
	[sflag:s4] =	ssyncset.s32 $0xFFFFF086  }
0x25: {  	[simem:s6], [sflag:s4] =	dma.local [hbm:s3], $0xF7A  }
0x26: {  	[smem:$0x3F9F] =	sst s1;
	(tag) =	ssettag s2;
	_ =	strace s9  }
0x27: {  	s1 =	sld [smem:$0x3FAF]  }
0x28: {  	s2 =	sld [smem:$0x3FB0]  }
0x29: {  	s4 =	sld [smem:$0x3FB2]  }
0x2a: {  	p0 =	seq.s32 s5, $0x0;
	s5 =	sld [smem:$0x3FB3]  }
0x2b: {  	s6 =	sld [smem:$0x3FB4]  }
0x2c: {  	s7 =	sld [smem:$0x3FB5]  }
0x2d: {  	s3 =	simm.s32 $0x108;
	s8 =	sld [smem:$0x3FB6]  }
0x2e: {  	s3 =	simm.s32 @!p0 $0x1082;
	s9 =	sld [smem:$0x3FB7]  }
0x2f: {  	lr =	sadd.s32 s0, s3;
	s0 =	sld [smem:$0x3FAE]  }
0x30: {  	s3 =	sld [smem:$0x3FB1]  }
0x31: {  	[smem:$0x3FBA] =	sst s10  }
0x32: {  	s10 =	sld [smem:$0x3FB8];
	_ =	sdelay $0x3  }
0x33: {  	p0 =	seq.s32 s10, $0x1;
	s10 =	sld [smem:$0x3FBA];
	_ =	sdelay $0x3  }
0x34: {  	[smem:$0x3FBA] =	sst s10  }
0x35: {  	s10 =	sld [smem:$0x3FB9];
	_ =	sdelay $0x3  }
0x36: {  	p1 =	seq.s32 s10, $0x1;
	s10 =	sld [smem:$0x3FBA];
	_ =	sdelay $0x3  }
0x37: {  	[smem:$0x3FBA] =	sst s10  }
0x38: {  	s10 =	sld [smem:$0x3FBB]  }
0x39: {  	_ = 	snop;
	(pc) =	sbr.ind lr, $3  }
0x3a: {  	_ = 	snop  }
0x3b: {  	_ = 	snop  }
0x3c: {  	p2 =	seq.s32 s10, $0x1;
	s10 =	sld [smem:$0x3FBA]  }
0x3d: {  	_ =	shalt  }
0x3e: {  	_ =	shalt  }
0x3f: {  	_ =	shalt  }
0x40: {  	_ =	shalt  }
0x41: {  	_ =	shalt  }
0x42: {  	_ =	shalt  }
0x43: {  	_ =	shalt  }
0x44: {  	_ =	shalt  }
0x45: {  	_ =	shalt  }
0x46: {  	_ =	shalt  }
0x47: {  	_ =	shalt  }
0x48: {  	_ =	shalt  }
0x49: {  	_ =	shalt  }
0x4a: {  	_ =	shalt  }
0x4b: {  	_ =	shalt  }
0x4c: {  	_ =	shalt  }
0x4d: {  	_ =	shalt  }
0x4e: {  	_ =	shalt  }
0x4f: {  	_ =	shalt  }
0x50: {  	_ =	shalt  }
0x51: {  	_ =	shalt  }
0x52: {  	_ =	shalt  }
0x53: {  	_ =	shalt  }
0x54: {  	_ =	shalt  }
0x55: {  	_ =	shalt  }
0x56: {  	_ =	shalt  }
0x57: {  	_ =	shalt  }
0x58: {  	_ =	shalt  }
0x59: {  	_ =	shalt  }
0x5a: {  	_ =	shalt  }
0x5b: {  	_ =	shalt  }
0x5c: {  	_ =	shalt  }
0x5d: {  	_ =	shalt  }
0x5e: {  	_ =	shalt  }
0x5f: {  	_ =	shalt  }
0x60: {  	_ =	shalt  }
0x61: {  	_ =	shalt  }
0x62: {  	_ =	shalt  }
0x63: {  	_ =	shalt  }
0x64: {  	_ =	shalt  }
0x65: {  	_ =	shalt  }
0x66: {  	_ =	shalt  }
0x67: {  	_ =	shalt  }
0x68: {  	_ =	shalt  }
0x69: {  	_ =	shalt  }
0x6a: {  	_ =	shalt  }
0x6b: {  	_ =	shalt  }
0x6c: {  	_ =	shalt  }
0x6d: {  	_ =	shalt  }
0x6e: {  	_ =	shalt  }
0x6f: {  	_ =	shalt  }
0x70: {  	_ =	shalt  }
0x71: {  	_ =	shalt  }
0x72: {  	_ =	shalt  }
0x73: {  	_ =	shalt  }
0x74: {  	_ =	shalt  }
0x75: {  	_ =	shalt  }
0x76: {  	_ =	shalt  }
0x77: {  	_ =	shalt  }
0x78: {  	_ =	shalt  }
0x79: {  	_ =	shalt  }
0x7a: {  	_ =	shalt  }
0x7b: {  	_ =	shalt  }
0x7c: {  	_ =	shalt  }
0x7d: {  	_ =	shalt  }
0x7e: {  	_ =	shalt  }
0x7f: {  	_ =	shalt  }
0x80: {  	_ =	shalt  }
0x81: {  	_ =	shalt  }
0x82: {  	_ =	shalt  }
0x83: {  	_ =	shalt  }
0x84: {  	_ =	shalt  }
0x85: {  	_ =	shalt  }
0x86: {  	_ =	shalt  }
0x87: {  	_ =	shalt  }
.Lfunc_end0:
.L_simem_size_0:
called_computation_lowered:
.L_overlay_start_0:
0x88: {  	s2 =	sld [smem:$0x3FD9]  }
0x89: {  	s3 =	sld [smem:$0x3FFE];
	_ =	sdelay $0x1  }
0x8a: {  	s1 =	srdreg.scid  }
0x8b: {  	s0 =	sand.u32 $0x1, s1  }
0x8c: {  	s17 =	sshll.u32 s0, $0xA;
	s2 =	sadd.s32 s3, s2  }
0x8d: {  	s2 =	sadd.s32 s2, s17  }
0x8e: {  	[smem:$0x3FC6] =	sst s2  }
0x8f: {  	_ = 	snop  }
0x90: {  	s2 =	sld [smem:$0x3FD0];
	(tm) =	ssettm $0x1  }
0x91: {  	s18 =	sld [smem:$0x3FFB];
	_ =	sdelay $0x3  }
0x92: {  	_ =	strace s18  }
0x93: {  	s3 =	sld [smem:$0x3FFC];
	_ =	sdelay $0x3  }
0x94: {  	_ =	strace s3  }
0x95: {  	s3 =	sld [smem:$0x3FFD];
	_ =	sdelay $0x3  }
0x96: {  	_ =	strace s3  }
0x97: {  	_ =	strace $0x8FFFFFFF  }
0x98: {  	s19 =	sld [smem:$0x3FDB];
	_ =	sdelay $0x1  }
0x99: {  	s4 =	simm.s32 $_scs_section_size  }
0x9a: {  	s5 =	simm.s32 $_size__tile_overlayer_lowered;
	s6 =	simm.s32 $_tile_overlayer_lowered  }
0x9b: {  	s22 =	simm.s32 $0x1BFF;
	s21 =	sshll.u32 s6, $0x1;
	s3 =	sadd.s32 s4, s19  }
0x9c: {  	s7 =	simm.s32 $0x0;
	s20 =	sshll.u32 s5, $0x1;
	s5 =	sadd.s32 s21, s3  }
0x9d: {  	[timem:s7], [sflag:s22] =	dma.local [hbm:s5], s20  }
0x9e: {  	_ =	swait.ge [sflag:s22], s20  }
0x9f: {  	s4 =	ssub.s32 $0x0, s20;
	[sflag:s22] =	ssyncset.done $0x0  }
0xa0: {  	[sflag:s22] =	ssyncadd.s32 s4;
	_ =	sdelay $0x1  }
0xa1: {  	s23 =	simm.s32 $0x1B8B  }
0xa2: {  	_ =	swait.ge [sflag:s23], $0x1  }
0xa3: {  	[sflag:s23] =	ssyncset.done $0x0  }
0xa4: {  	s25 =	simm.s32 $0x1B8E;
	s24 =	sld [smem:$0x3FFE];
	[sflag:s23] =	ssyncadd.s32 $0xFFFFFFFF  }
0xa5: {  	s26 =	simm.s32 $execute0_lowered;
	[smem:$0x3FD2] =	sst s25  }
0xa6: {  	s5 =	sshll.u32 s26, $0x1;
	_ =	strace $0x80000046;
	[dreg:$0x1] =	wrdreg $0xFFFFFFFF  }
0xa7: {  	s28 =	simm.s32 $_size_execute0_lowered;
	s3 =	sadd.s32 s3, s5;
	[dreg:$0x0] =	wrdreg $0x0  }
0xa8: {  	s5 =	sshll.u32 s28, $0x1;
	[dreg:$0x2] =	wrdreg s3  }
0xa9: {  	[dreg:$0x3] =	wrdreg s5  }
0xaa: {  	[dreg:$0x4] =	wrdreg $0xC0  }
0xab: {  	_ =	task [dreg:s7], $0x5FFFF  }
0xac: {  	[dreg:$0x1] =	wrdreg $0xFFFFFFFF  }
0xad: {  	[dreg:$0x0] =	wrdreg $0x60  }
0xae: {  	[dreg:$0x2] =	wrdreg s24  }
0xaf: {  	[dreg:$0x3] =	wrdreg s2  }
0xb0: {  	[dreg:$0x4] =	wrdreg $0x9  }
0xb1: {  	_ =	task.clear_ibuf [dreg:s7], $0x5FFFF;
	_ =	strace $0x90000046  }
0xb2: {  	s29 =	simm.s32 $0x9;
	_ =	strace $0x80000048  }
0xb3: {  	_ =	swait.ge [sflag:s29], $0x1  }
0xb4: {  	[sflag:s29] =	ssyncadd.s32 $0xFFFFFFFF  }
0xb5: {  	_ =	strace $0x90000048  }
0xb6: {  	_ =	sfence  }
0xb7: {  	s30 =	sld [smem:$0x0];
	_ =	sdelay $0x2  }
0xb8: {  	s31 =	sshll.u32 s1, $0xD;
	s1 =	sshrl.u32 s1, $0x2  }
0xb9: {  	s3 =	sand.u32 $0x4000, s31;
	s1 =	sadd.s32 s1, s30  }
0xba: {  	s0 =	sor.u32 s3, s0;
	s1 =	sshll.u32 s1, $0x11  }
0xbb: {  	s0 =	sor.u32 s1, s0  }
0xbc: {  	s0 =	sadd.s32 $0x8F2B, s0  }
0xbd: {  	[sflag:s0] =	ssyncadd.remote.s32 $0x1  }
0xbe: {  	_ =	sfence.sel $0xFFFF  }
0xbf: {  	[dreg:$0x0] =	wrdreg $0xFFFFFFFF;
	(pc) =	sbr.abs _section_cstart, $3  }
0xc0: {  	[dreg:$0x1] =	wrdreg $0xFFFFFFFF  }
0xc1: {  	_ =	task.clear_ibuf [dreg:s7], $0x2FFFF;
	_ =	strace $0x9FFFFFFF  }
0xc2: {  	(tm) =	ssettm $0x7FFFFFFF  }
0xc3: {  	_ =	shalt  }
tec
execute0_lowered:
.L_overlay_start_1:
0x0: {  	(tag) =	ssettag $0x1  }
0x1: {  	s0 =	rddreg [dreg:$0x0]  }
0x2: {  	s2 =	rddreg [dreg:$0x1]  }
0x3: {  	s1 =	srdreg.scid;
	s9 =	stileid.u32  }
0x4: {  	s3 =	simm.s32 $0x0;
	s1 =	sand.u32 $0x1, s1;
	s4 =	sshll.u32 s9, $0x1  }
0x5: {  	[smem:$0x7FF] =	sst s3;
	s12 =	sadd.s32 $0x2400, s0;
	s20 =	sshrl.u32 s9, $0x2  }
0x6: {  	s10 =	sadd.s32 $0xA72C0, s0;
	s30 =	sadd.s32 $0x82C10, s0;
	s31 =	sadd.s32 $0x1472C0, s0  }
0x7: {  	s0 =	sadd.s32 $0x82C00, s0;
	_ =	strace $0x80000047;
	[dreg:$0x4] =	wrdreg s30  }
0x8: {  	s5 =	ssub.s32 $0x2, s1;
	s1 =	sor.u32 s1, s4;
	[dreg:$0x5] =	wrdreg s31  }
0x9: {  	s9 =	smul.u32 $0x40400, s20;
	[dreg:$0x6] =	wrdreg s0;
	s20 =	simm.s32 $0x1  }
0xa: {  	s15 =	sshrl.u32 s5, $0x1;
	s6 =	sshll.u32 s1, $0x6;
	s7 =	sor.u32 $0x20, s1  }
0xb: {  	s11 =	sshll.u32 s1, $0x7;
	s23 =	sor.u32 $0x40, s1;
	p0 =	seq.s32 s1, $0x1E  }
0xc: {  	p1 =	sne.s32 s1, $0x1F;
	s13 =	ssub.s32 s5, s15;
	s19 =	smul.u32 $0x1400, s7  }
0xd: {  	s16 =	smax.u32 s6, $0x4;
	s17 =	sxor.u32 $0xFFFFFFFF, s6;
	s14 =	smul.u32 $0x1400, s23  }
0xe: {  	s11 =	sand.u32 $0x380, s11;
	s7 =	sshrl.u32 s7, $0x3;
	s18 =	smul.u32 $0x50, s16  }
0xf: {  	s8 =	sadd.s32 s17, s16;
	s22 =	sor.u32 s9, s11;
	s15 =	smul.u32 $0x40400, s7  }
0x10: {  	s16 =	sor.u32 $0x60, s1;
	s9 =	sshrl.u32 s23, $0x3;
	s5 =	sadd.s32 s19, s10  }
0x11: {  	s6 =	sadd.s32 $0xFFFFFFFC, s8;
	s8 =	sshrl.u32 s22, $0x3;
	s9 =	smul.u32 $0x40400, s9  }
0x12: {  	s17 =	sshrl.u32 s16, $0x3;
	s16 =	smul.u32 $0x1400, s16;
	s22 =	simm.s32 $0x2  }
0x13: {  	s21 =	sadd.s32 s18, s10;
	s7 =	sadd.s32 s12, s8;
	s8 =	sadd.s32 s14, s10  }
0x14: {  	s24 =	sor.u32 s11, s15;
	s25 =	smul.u32 $0x40400, s17;
	s17 =	simm.s32 $0x15400  }
.Ltmp0:
0x15: {  	s18 =	simm.s32 $0x3;
	[dreg:$0x3] =	wrdreg s21;
	(pc) =	sbr.rel .LBB2_1-.Ltmp0, $4  }
0x16: {  	s14 =	sshrl.u32 s24, $0x3;
	s26 =	sor.u32 s11, s9;
	s10 =	sadd.s32 s16, s10  }
0x17: {  	s16 =	smax.u32 s13, $0x1;
	s21 =	simm.s32 $0x80;
	s15 =	sor.u32 s11, s25  }
0x18: {  	s24 =	simm.s32 $0x0;
	s28 =	sshrl.u32 s26, $0x3;
	s29 =	sshrl.u32 s15, $0x3  }
0x19: {  	s9 =	sadd.s32 s12, s14;
	s11 =	sadd.s32 s12, s28;
	s12 =	sadd.s32 s12, s29  }
.LBB2_56:
0x1a: {  	[tilespmem:s17], [sflag:$0x3] =	stream.linear.gather [hbm4b:s2+s3], $0x8080, $0x38;
	[tilespmem:$0x1D480] =	vst v63  }
0x1b: {  	_ =	swait.ge [sflag:s18], $0x8080  }
0x1c: {  	[sflag:s18] =	ssyncset.done $0x0  }
0x1d: {  	s0 =	rddreg [dreg:$0x4];
	[sflag:s18] =	ssyncadd.s32 $0xFFFF7F80  }
.LBB2_57:
0x1e: {  	s1 =	simm.s32 $0x400  }
0x1f: {  	[hbm4b:s0+s21] =	stream.strided.scatter [tilespmem:s17], [sflag:$0x3], $0x8080, s1, s21, $0x38;
	[tilespmem:$0x1D480] =	vst v63  }
0x20: {  	_ =	swait.ge [sflag:s18], $0x8080  }
0x21: {  	[sflag:s18] =	ssyncset.done $0x0  }
0x22: {  	[sflag:s18] =	ssyncadd.s32 $0xFFFF7F80  }
.LBB2_58:
0x23: {  	s24 =	sadd.s32 $0x1, s24  }
0x24: {  	p2 =	sne.s32 s24, s16  }
.Ltmp1:
0x25: {  	_ = 	snop;
	(pc) =	sbr.rel @!p2 .LBB2_59-.Ltmp1, $1  }
0x26: {  	_ =	sdelay $0x3  }
.LBB2_1:
0x27: {  	s0 =	rddreg [dreg:$0x3]  }
0x28: {  	[tilespmem:s3], [sflag:$0x1] =	stream.linear.gather [hbm4b:s0+s3], $0xAA00, $0x38;
	[tilespmem:$0x1D480] =	vst v63  }
0x29: {  	_ = 	snop  }
0x2a: {  	[tilespmem:s17], [sflag:$0x3] =	stream.linear.gather [hbm4b:s2+s3], $0x8080, $0x38;
	[tilespmem:$0x1D480] =	vst v63  }
0x2b: {  	_ =	swait.ge [sflag:s18], $0x8080  }
0x2c: {  	[sflag:s18] =	ssyncset.done $0x0  }
0x2d: {  	s31 =	simm.s32 $0xAA00;
	[sflag:s18] =	ssyncadd.s32 $0xFFFF7F80  }
0x2e: {  	[tilespmem:s31], [sflag:$0x2] =	stream.linear.gather [hbm4b:s5+s3], $0xAA00, $0x38;
	[tilespmem:$0x1D480] =	vst v63  }
0x2f: {  	s25 =	simm.s32 $0x180;
	_ =	swait.ge [sflag:s20], $0xAA00  }
0x30: {  	s26 =	simm.s32 $0x1A0;
	s28 =	simm.s32 $0x420;
	[sflag:s20] =	ssyncset.done $0x0  }
0x31: {  	s29 =	simm.s32 $0x400;
	s30 =	simm.s32 $0x0;
	[sflag:s20] =	ssyncadd.s32 $0xFFFF5600  }
.LBB2_2:
0x32: {  	s0 =	smul.u32 $0x280, s30  }
0x33: {  	s1 =	sadd.s32 s6, s30  }
0x34: {  	s31 =	simm.s32 $0x0;
	p2 =	por $0x1, $0x1;
	s13 =	simm.s32 $0x0;
	v0 =	vmov s1;
	v1 =	vmov s0  }
.LBB2_3:
0x35: {  	s1 =	sand.u32 $0x80, s13  }
0x36: {  	s14 =	sand.u32 $0x40, s13;
	s15 =	sor.u32 $0x30, s13;
	s1 =	sadd.s32 s1, s0  }
0x37: {  	s23 =	sand.u32 $0x1FF80, s0;
	s4 =	sand.u32 $0x1FFF0, s15;
	s14 =	sadd.s32 s14, s1  }
0x38: {  	s4 =	sor.u32 s23, s4;
	v2 =	vld [tilespmem:s14+$0x0]  }
0x39: {  	s1 =	sadd.s32 $0x60, s13;
	v3 =	vld [tilespmem:s4+$0x0]  }
0x3a: {  	s19 =	sadd.s32 s0, s1  }
0x3b: {  	s23 =	sand.u32 $0x60, s1;
	s4 =	sand.u32 $0x3FF80, s19;
	s19 =	sadd.s32 $0x90, s13  }
0x3c: {  	s4 =	sor.u32 s23, s4;
	s13 =	sadd.s32 s0, s19  }
0x3d: {  	s23 =	sand.u32 $0x50, s19;
	v4 =	vld [tilespmem:s4+$0x0];
	s13 =	sand.u32 $0x3FF80, s13;
	v5 =	vand.u32 $0x7, v2;
	v6 =	vand.u32 $0xFFFF0000, v2;
	v2 =	vshll.u32 v2, $0x3  }
0x3e: {  	s13 =	sor.u32 s23, s13;
	v8 =	vand.u32 $0x7, v3;
	v36 =	vshll.u32 v3, $0x3;
	v5 =	vadd.s32 v0, v5  }
0x3f: {  	v7 =	vld [tilespmem:s13+$0x0];
	v2 =	vand.u32 $0x7FFC0, v2;
	v35 =	vadd.s32 v0, v8;
	vm0 =	vlt.u32 v5, $0x40  }
0x40: {  	v8 =	vand.u32 $0x7FFC0, v36;
	v2 =	vadd.s32 v5, v2;
	vm1 =	vlt.u32 v35, $0x40  }
0x41: {  	v5 =	vadd.s32 v35, v8  }
0x42: {  	v9 =	vand.u32 $0x7, v4  }
0x43: {  	v3 =	vand.u32 $0xFFFF0000, v3;
	v38 =	vshll.u32 v4, $0x3;
	v37 =	vadd.s32 v0, v9  }
0x44: {  	v9 =	vand.u32 $0x7FFC0, v38;
	vm2 =	vlt.u32 v37, $0x40;
	v10 =	vand.u32 $0x7, v7  }
0x45: {  	v8 =	vadd.s32 v37, v9;
	v40 =	vshll.u32 v7, $0x3;
	v39 =	vadd.s32 v0, v10;
	[tilespmem:v2+s17+$0x0] =	vst.idx.add.f32.msk vm0, v6  }
0x46: {  	vm8 =	vlt.u32 v39, $0x40;
	v2 =	vand.u32 $0x7FFC0, v40;
	[tilespmem:v5+s17+$0x0] =	vst.idx.add.f32.msk vm1, v3  }
0x47: {  	s15 =	sor.u32 s0, s15;
	v6 =	vld [tilespmem:s14+$0x10];
	v2 =	vadd.s32 v39, v2  }
0x48: {  	v3 =	vld [tilespmem:s15+$0x10]  }
0x49: {  	v4 =	vand.u32 $0xFFFF0000, v4  }
0x4a: {  	[tilespmem:v8+s17+$0x0] =	vst.idx.add.f32.msk vm2, v4  }
0x4b: {  	v41 =	vand.u32 $0xFFFF0000, v7;
	v4 =	vld [tilespmem:s4+$0x10]  }
0x4c: {  	v42 =	vand.u32 $0x7, v6;
	[tilespmem:v2+s17+$0x0] =	vst.idx.add.f32.msk vm8, v41;
	v43 =	vand.u32 $0xFFFF0000, v6;
	v6 =	vshll.u32 v6, $0x3  }
0x4d: {  	v44 =	vand.u32 $0x7, v3;
	v46 =	vshll.u32 v3, $0x3;
	v2 =	vld.idx.msk [tilespmem:v1+s19+$0x10 ss:$0x1], $0xffff;
	v7 =	vadd.s32 v0, v42  }
0x4e: {  	v6 =	vand.u32 $0x7FFC0, v6;
	v45 =	vadd.s32 v0, v44;
	vm9 =	vlt.u32 v7, $0x40  }
0x4f: {  	v8 =	vand.u32 $0x7FFC0, v46;
	v6 =	vadd.s32 v7, v6;
	vm10 =	vlt.u32 v45, $0x40  }
0x50: {  	v7 =	vadd.s32 v45, v8;
	v47 =	vand.u32 $0x7, v4  }
0x51: {  	v49 =	vshll.u32 v4, $0x3;
	v48 =	vadd.s32 v0, v47  }
0x52: {  	v9 =	vand.u32 $0x7FFC0, v49;
	vm11 =	vlt.u32 v48, $0x40;
	v50 =	vand.u32 $0x7, v2  }
0x53: {  	v8 =	vadd.s32 v48, v9;
	v52 =	vshll.u32 v2, $0x3;
	v51 =	vadd.s32 v0, v50  }
0x54: {  	v3 =	vand.u32 $0xFFFF0000, v3;
	v53 =	vand.u32 $0x7FFC0, v52;
	[tilespmem:v6+s17+$0x0] =	vst.idx.add.f32.msk vm9, v43;
	vm12 =	vlt.u32 v51, $0x40  }
0x55: {  	v5 =	vadd.s32 v51, v53;
	[tilespmem:v7+s17+$0x0] =	vst.idx.add.f32.msk vm10, v3  }
0x56: {  	v6 =	vld [tilespmem:s14+$0x20]  }
0x57: {  	v4 =	vand.u32 $0xFFFF0000, v4;
	v3 =	vld [tilespmem:s15+$0x20]  }
0x58: {  	[tilespmem:v8+s17+$0x0] =	vst.idx.add.f32.msk vm11, v4  }
0x59: {  	v2 =	vand.u32 $0xFFFF0000, v2;
	v4 =	vld.idx.msk [tilespmem:v1+s1+$0x20 ss:$0x1], $0xffff  }
0x5a: {  	[tilespmem:v5+s17+$0x0] =	vst.idx.add.f32.msk vm12, v2  }
0x5b: {  	v54 =	vand.u32 $0x7, v6;
	v55 =	vshll.u32 v6, $0x3;
	v56 =	vld [tilespmem:s13+$0x20]  }
0x5c: {  	v57 =	vand.u32 $0x7, v3;
	v58 =	vshll.u32 v3, $0x3;
	v2 =	vadd.s32 v0, v54  }
0x5d: {  	v5 =	vand.u32 $0x7FFC0, v55;
	v8 =	vand.u32 $0x7FFC0, v58;
	vm13 =	vlt.u32 v2, $0x40  }
0x5e: {  	v2 =	vadd.s32 v2, v5;
	v5 =	vadd.s32 v0, v57;
	v59 =	vand.u32 $0x7, v4  }
0x5f: {  	vm14 =	vlt.u32 v5, $0x40;
	v5 =	vadd.s32 v5, v8;
	v61 =	vshll.u32 v4, $0x3  }
0x60: {  	v60 =	vadd.s32 v0, v59;
	v9 =	vand.u32 $0x7FFC0, v61;
	v62 =	vand.u32 $0x7, v56  }
0x61: {  	vm15 =	vlt.u32 v60, $0x40;
	v11 =	vshll.u32 v56, $0x3;
	v10 =	vadd.s32 v0, v62  }
0x62: {  	v8 =	vadd.s32 v60, v9;
	v63 =	vand.u32 $0x7FFC0, v11;
	vm3 =	vlt.u32 v10, $0x40  }
0x63: {  	p3 =	por p2, p2;
	v9 =	vadd.s32 v10, v63  }
.Ltmp2:
0x64: {  	v6 =	vand.u32 $0xFFFF0000, v6;
	(pc) =	sbr.rel @p3 .LBB2_3-.Ltmp2, $4  }
0x65: {  	[tilespmem:v2+s17+$0x0] =	vst.idx.add.f32.msk vm13, v6;
	v2 =	vand.u32 $0xFFFF0000, v3  }
0x66: {  	[tilespmem:v5+s17+$0x0] =	vst.idx.add.f32.msk vm14, v2;
	v2 =	vand.u32 $0xFFFF0000, v4  }
0x67: {  	[tilespmem:v8+s17+$0x0] =	vst.idx.add.f32.msk vm15, v2;
	v2 =	vand.u32 $0xFFFF0000, v56  }
0x68: {  	p2 =	por $0x0, $0x0;
	s13 =	simm.s32 $0xC0;
	[tilespmem:v9+s17+$0x0] =	vst.idx.add.f32.msk vm3, v2  }
0x69: {  	s0 =	smov.u32 s26;
	s1 =	smov.u32 s25;
	s13 =	simm.s32 $0x0  }
.LBB2_5:
0x6a: {  	s4 =	sand.u32 $0x3FFFFF80, s1  }
0x6b: {  	s4 =	sadd.s32 s4, s31  }
0x6c: {  	v1 =	vld [tilespmem:s4+$0x0];
	_ =	sdelay $0x4  }
0x6d: {  	v2 =	vand.u32 $0x7, v1  }
0x6e: {  	v3 =	vshll.u32 v1, $0x3;
	v2 =	vadd.s32 v0, v2  }
0x6f: {  	v3 =	vand.u32 $0x7FFC0, v3;
	vm0 =	vlt.u32 v2, $0x40  }
0x70: {  	v2 =	vadd.s32 v2, v3;
	_ =	sdelay $0x3  }
0x71: {  	v1 =	vand.u32 $0xFFFF0000, v1  }
0x72: {  	[tilespmem:v2+s17+$0x0] =	vst.idx.add.f32.msk vm0, v1  }
0x73: {  	v1 =	vld [tilespmem:s0+$0xFFFFFFF0];
	_ =	sdelay $0x4  }
0x74: {  	v2 =	vand.u32 $0x7, v1  }
0x75: {  	v3 =	vshll.u32 v1, $0x3;
	v2 =	vadd.s32 v0, v2  }
0x76: {  	v3 =	vand.u32 $0x7FFC0, v3;
	vm14 =	vlt.u32 v2, $0x40  }
0x77: {  	v2 =	vadd.s32 v2, v3;
	_ =	sdelay $0x3  }
0x78: {  	v1 =	vand.u32 $0xFFFF0000, v1  }
0x79: {  	[tilespmem:v2+s17+$0x0] =	vst.idx.add.f32.msk vm14, v1  }
0x7a: {  	v1 =	vld [tilespmem:s0+$0x0];
	_ =	sdelay $0x4  }
0x7b: {  	v2 =	vand.u32 $0x7, v1  }
0x7c: {  	v3 =	vshll.u32 v1, $0x3;
	v2 =	vadd.s32 v0, v2  }
0x7d: {  	v3 =	vand.u32 $0x7FFC0, v3;
	vm15 =	vlt.u32 v2, $0x40  }
0x7e: {  	p2 =	sne.s32 s13, $0x60;
	v2 =	vadd.s32 v2, v3  }
.Ltmp3:
0x7f: {  	_ = 	snop;
	(pc) =	sbr.rel @p2 .LBB2_5-.Ltmp3, $3  }
0x80: {  	_ =	sdelay $0x1  }
0x81: {  	s1 =	sadd.s32 $0x30, s1;
	v1 =	vand.u32 $0xFFFF0000, v1  }
0x82: {  	s13 =	sadd.s32 $0x30, s13;
	s31 =	sadd.s32 $0x30, s31;
	s0 =	sadd.s32 $0x30, s0;
	[tilespmem:v2+s17+$0x0] =	vst.idx.add.f32.msk vm15, v1  }
0x83: {  	s1 =	sor.u32 $0x1, s30  }
0x84: {  	s0 =	smul.u32 $0x280, s1  }
0x85: {  	s1 =	sadd.s32 s6, s1  }
0x86: {  	s31 =	simm.s32 $0x0;
	p2 =	por $0x1, $0x1;
	s15 =	simm.s32 $0x0;
	v0 =	vmov s1;
	v1 =	vmov s0  }
.LBB2_7:
0x87: {  	s1 =	sadd.s32 s0, s15  }
0x88: {  	s13 =	sand.u32 $0x40, s15;
	s4 =	sand.u32 $0x3FF80, s1;
	s1 =	sor.u32 $0x30, s15  }
0x89: {  	s13 =	sor.u32 s13, s4;
	s19 =	sadd.s32 s0, s1  }
0x8a: {  	s14 =	sadd.s32 $0x60, s15;
	v2 =	vld [tilespmem:s13+$0x0];
	s4 =	sand.u32 $0x3FF80, s19;
	s19 =	sand.u32 $0x70, s1  }
0x8b: {  	s23 =	sadd.s32 s0, s14;
	s4 =	sor.u32 s19, s4  }
0x8c: {  	s19 =	sand.u32 $0x60, s14;
	v3 =	vld [tilespmem:s4+$0x0];
	s4 =	sand.u32 $0x3FF80, s23;
	s23 =	sadd.s32 $0x90, s15  }
0x8d: {  	s4 =	sor.u32 s19, s4;
	s15 =	sadd.s32 s0, s23  }
0x8e: {  	s19 =	sand.u32 $0x50, s23;
	v4 =	vld [tilespmem:s4+$0x0];
	s15 =	sand.u32 $0x3FF80, s15  }
0x8f: {  	s15 =	sor.u32 s19, s15;
	v5 =	vand.u32 $0x7, v2  }
0x90: {  	v6 =	vand.u32 $0xFFFF0000, v2;
	v2 =	vshll.u32 v2, $0x3;
	v5 =	vadd.s32 v0, v5;
	v7 =	vld [tilespmem:s15+$0x0]  }
0x91: {  	v2 =	vand.u32 $0x7FFC0, v2;
	vm0 =	vlt.u32 v5, $0x40;
	v8 =	vand.u32 $0x7, v3  }
0x92: {  	v2 =	vadd.s32 v5, v2;
	v36 =	vshll.u32 v3, $0x3;
	v35 =	vadd.s32 v0, v8  }
0x93: {  	v8 =	vand.u32 $0x7FFC0, v36;
	vm1 =	vlt.u32 v35, $0x40;
	v9 =	vand.u32 $0x7, v4  }
0x94: {  	v5 =	vadd.s32 v35, v8;
	v38 =	vshll.u32 v4, $0x3;
	v37 =	vadd.s32 v0, v9  }
0x95: {  	v9 =	vand.u32 $0x7FFC0, v38;
	vm2 =	vlt.u32 v37, $0x40;
	v10 =	vand.u32 $0x7, v7  }
0x96: {  	v8 =	vadd.s32 v37, v9;
	v40 =	vshll.u32 v7, $0x3;
	v39 =	vadd.s32 v0, v10  }
0x97: {  	[tilespmem:v2+s17+$0x0] =	vst.idx.add.f32.msk vm0, v6;
	vm8 =	vlt.u32 v39, $0x40;
	v2 =	vand.u32 $0x7FFC0, v40  }
0x98: {  	v3 =	vand.u32 $0xFFFF0000, v3;
	v6 =	vld [tilespmem:s13+$0x10];
	v2 =	vadd.s32 v39, v2  }
0x99: {  	[tilespmem:v5+s17+$0x0] =	vst.idx.add.f32.msk vm1, v3  }
0x9a: {  	v4 =	vand.u32 $0xFFFF0000, v4;
	v3 =	vld.idx.msk [tilespmem:v1+s1+$0x10 ss:$0x1], $0xffff  }
0x9b: {  	[tilespmem:v8+s17+$0x0] =	vst.idx.add.f32.msk vm2, v4  }
0x9c: {  	v41 =	vand.u32 $0xFFFF0000, v7;
	v4 =	vld [tilespmem:s4+$0x10]  }
0x9d: {  	v42 =	vand.u32 $0x7, v6;
	[tilespmem:v2+s17+$0x0] =	vst.idx.add.f32.msk vm8, v41  }
0x9e: {  	v43 =	vand.u32 $0xFFFF0000, v6;
	v6 =	vshll.u32 v6, $0x3;
	v2 =	vld.idx.msk [tilespmem:v1+s23+$0x10 ss:$0x1], $0xffff;
	v7 =	vadd.s32 v0, v42  }
0x9f: {  	v6 =	vand.u32 $0x7FFC0, v6;
	vm9 =	vlt.u32 v7, $0x40;
	v44 =	vand.u32 $0x7, v3  }
0xa0: {  	v6 =	vadd.s32 v7, v6;
	v46 =	vshll.u32 v3, $0x3;
	v45 =	vadd.s32 v0, v44  }
0xa1: {  	v8 =	vand.u32 $0x7FFC0, v46;
	vm10 =	vlt.u32 v45, $0x40;
	v47 =	vand.u32 $0x7, v4  }
0xa2: {  	v7 =	vadd.s32 v45, v8;
	v49 =	vshll.u32 v4, $0x3;
	v48 =	vadd.s32 v0, v47  }
0xa3: {  	v9 =	vand.u32 $0x7FFC0, v49;
	vm11 =	vlt.u32 v48, $0x40;
	v50 =	vand.u32 $0x7, v2  }
0xa4: {  	v8 =	vadd.s32 v48, v9;
	v52 =	vshll.u32 v2, $0x3;
	v51 =	vadd.s32 v0, v50  }
0xa5: {  	v53 =	vand.u32 $0x7FFC0, v52;
	[tilespmem:v6+s17+$0x0] =	vst.idx.add.f32.msk vm9, v43;
	vm12 =	vlt.u32 v51, $0x40  }
0xa6: {  	v3 =	vand.u32 $0xFFFF0000, v3;
	v5 =	vadd.s32 v51, v53;
	v6 =	vld [tilespmem:s13+$0x20]  }
0xa7: {  	[tilespmem:v7+s17+$0x0] =	vst.idx.add.f32.msk vm10, v3  }
0xa8: {  	v4 =	vand.u32 $0xFFFF0000, v4;
	v3 =	vld.idx.msk [tilespmem:v1+s1+$0x20 ss:$0x1], $0xffff  }
0xa9: {  	[tilespmem:v8+s17+$0x0] =	vst.idx.add.f32.msk vm11, v4  }
0xaa: {  	v2 =	vand.u32 $0xFFFF0000, v2;
	v4 =	vld.idx.msk [tilespmem:v1+s14+$0x20 ss:$0x1], $0xffff  }
0xab: {  	v54 =	vand.u32 $0x7, v6;
	[tilespmem:v5+s17+$0x0] =	vst.idx.add.f32.msk vm12, v2  }
0xac: {  	v55 =	vshll.u32 v6, $0x3;
	v2 =	vadd.s32 v0, v54;
	v56 =	vld [tilespmem:s15+$0x20]  }
0xad: {  	v5 =	vand.u32 $0x7FFC0, v55;
	vm13 =	vlt.u32 v2, $0x40  }
0xae: {  	v2 =	vadd.s32 v2, v5;
	v57 =	vand.u32 $0x7, v3;
	v58 =	vshll.u32 v3, $0x3  }
0xaf: {  	v5 =	vadd.s32 v0, v57;
	v8 =	vand.u32 $0x7FFC0, v58;
	v59 =	vand.u32 $0x7, v4  }
0xb0: {  	vm14 =	vlt.u32 v5, $0x40;
	v5 =	vadd.s32 v5, v8;
	v61 =	vshll.u32 v4, $0x3  }
0xb1: {  	v60 =	vadd.s32 v0, v59;
	v9 =	vand.u32 $0x7FFC0, v61;
	v62 =	vand.u32 $0x7, v56  }
0xb2: {  	vm15 =	vlt.u32 v60, $0x40;
	v11 =	vshll.u32 v56, $0x3;
	v10 =	vadd.s32 v0, v62  }
0xb3: {  	v8 =	vadd.s32 v60, v9;
	v63 =	vand.u32 $0x7FFC0, v11;
	vm3 =	vlt.u32 v10, $0x40  }
0xb4: {  	p3 =	por p2, p2;
	v9 =	vadd.s32 v10, v63  }
.Ltmp4:
0xb5: {  	v6 =	vand.u32 $0xFFFF0000, v6;
	(pc) =	sbr.rel @p3 .LBB2_7-.Ltmp4, $4  }
0xb6: {  	[tilespmem:v2+s17+$0x0] =	vst.idx.add.f32.msk vm13, v6;
	v2 =	vand.u32 $0xFFFF0000, v3  }
0xb7: {  	[tilespmem:v5+s17+$0x0] =	vst.idx.add.f32.msk vm14, v2;
	v2 =	vand.u32 $0xFFFF0000, v4  }
0xb8: {  	[tilespmem:v8+s17+$0x0] =	vst.idx.add.f32.msk vm15, v2;
	v2 =	vand.u32 $0xFFFF0000, v56  }
0xb9: {  	p2 =	por $0x0, $0x0;
	s15 =	simm.s32 $0xC0;
	[tilespmem:v9+s17+$0x0] =	vst.idx.add.f32.msk vm3, v2  }
0xba: {  	s0 =	smov.u32 s28;
	s1 =	smov.u32 s29;
	s13 =	simm.s32 $0x0  }
.LBB2_9:
0xbb: {  	s4 =	sand.u32 $0x3FFFFF80, s1  }
0xbc: {  	s4 =	sadd.s32 s4, s31  }
0xbd: {  	v1 =	vld [tilespmem:s4+$0x0];
	_ =	sdelay $0x4  }
0xbe: {  	v2 =	vand.u32 $0x7, v1  }
0xbf: {  	v3 =	vshll.u32 v1, $0x3;
	v2 =	vadd.s32 v0, v2  }
0xc0: {  	v3 =	vand.u32 $0x7FFC0, v3;
	vm0 =	vlt.u32 v2, $0x40  }
0xc1: {  	v2 =	vadd.s32 v2, v3;
	_ =	sdelay $0x3  }
0xc2: {  	v1 =	vand.u32 $0xFFFF0000, v1  }
0xc3: {  	[tilespmem:v2+s17+$0x0] =	vst.idx.add.f32.msk vm0, v1  }
0xc4: {  	v1 =	vld [tilespmem:s0+$0xFFFFFFF0];
	_ =	sdelay $0x4  }
0xc5: {  	v2 =	vand.u32 $0x7, v1  }
0xc6: {  	v3 =	vshll.u32 v1, $0x3;
	v2 =	vadd.s32 v0, v2  }
0xc7: {  	v3 =	vand.u32 $0x7FFC0, v3;
	vm14 =	vlt.u32 v2, $0x40  }
0xc8: {  	v2 =	vadd.s32 v2, v3;
	_ =	sdelay $0x3  }
0xc9: {  	v1 =	vand.u32 $0xFFFF0000, v1  }
0xca: {  	[tilespmem:v2+s17+$0x0] =	vst.idx.add.f32.msk vm14, v1  }
0xcb: {  	v1 =	vld [tilespmem:s0+$0x0];
	_ =	sdelay $0x4  }
0xcc: {  	v2 =	vand.u32 $0x7, v1  }
0xcd: {  	v3 =	vshll.u32 v1, $0x3;
	v2 =	vadd.s32 v0, v2  }
0xce: {  	v3 =	vand.u32 $0x7FFC0, v3;
	vm15 =	vlt.u32 v2, $0x40  }
0xcf: {  	p2 =	sne.s32 s13, $0x60;
	v2 =	vadd.s32 v2, v3  }
.Ltmp5:
0xd0: {  	_ = 	snop;
	(pc) =	sbr.rel @p2 .LBB2_9-.Ltmp5, $3  }
0xd1: {  	_ =	sdelay $0x1  }
0xd2: {  	s1 =	sadd.s32 $0x30, s1;
	v1 =	vand.u32 $0xFFFF0000, v1  }
0xd3: {  	s13 =	sadd.s32 $0x30, s13;
	s31 =	sadd.s32 $0x30, s31;
	s0 =	sadd.s32 $0x30, s0;
	[tilespmem:v2+s17+$0x0] =	vst.idx.add.f32.msk vm15, v1  }
0xd4: {  	p2 =	slt.u32 s30, $0x42  }
.Ltmp6:
0xd5: {  	_ = 	snop;
	(pc) =	sbr.rel @p2 .LBB2_2-.Ltmp6, $3  }
0xd6: {  	_ =	sdelay $0x1  }
0xd7: {  	s0 =	sadd.s32 $0x2, s30;
	s25 =	sadd.s32 $0x500, s25;
	s26 =	sadd.s32 $0x500, s26  }
0xd8: {  	s29 =	sadd.s32 $0x500, s29;
	s28 =	sadd.s32 $0x500, s28;
	s30 =	smov.u32 s0  }
0xd9: {  	s25 =	simm.s32 $0x400  }
0xda: {  	[hbm4b:s7+s21] =	stream.strided.scatter [tilespmem:s17], [sflag:$0x3], $0x8080, s25, s21, $0x38;
	[tilespmem:$0x1D480] =	vst v63  }
0xdb: {  	_ =	swait.ge [sflag:s18], $0x8080  }
0xdc: {  	[sflag:s18] =	ssyncset.done $0x0  }
0xdd: {  	s26 =	simm.s32 $0x0;
	[sflag:s18] =	ssyncadd.s32 $0xFFFF7F80  }
0xde: {  	[tilespmem:s17], [sflag:$0x3] =	stream.linear.gather [hbm4b:s2+s26], $0x8080, $0x38;
	[tilespmem:$0x1D480] =	vst v63  }
0xdf: {  	_ =	swait.ge [sflag:s18], $0x8080  }
0xe0: {  	[sflag:s18] =	ssyncset.done $0x0  }
0xe1: {  	[sflag:s18] =	ssyncadd.s32 $0xFFFF7F80  }
0xe2: {  	[tilespmem:s26], [sflag:$0x1] =	stream.linear.gather [hbm4b:s8+s26], $0xAA00, $0x38;
	[tilespmem:$0x1D480] =	vst v63  }
0xe3: {  	_ =	swait.ge [sflag:s22], $0xAA00  }
0xe4: {  	s28 =	simm.s32 $0x180;
	[sflag:s22] =	ssyncset.done $0x0  }
0xe5: {  	s29 =	simm.s32 $0xABA0;
	s30 =	simm.s32 $0xAE20;
	[sflag:s22] =	ssyncadd.s32 $0xFFFF5600  }
.LBB2_12:
0xe6: {  	s31 =	smul.u32 $0x280, s26  }
0xe7: {  	s1 =	sadd.s32 $0xFFFFFFFB, s26  }
0xe8: {  	p2 =	por $0x1, $0x1;
	s15 =	simm.s32 $0x0;
	v0 =	vmov s1;
	s0 =	sadd.s32 $0xAA00, s31;
	v1 =	vmov s31  }
.LBB2_13:
0xe9: {  	s1 =	sand.u32 $0x80, s15  }
0xea: {  	s4 =	sand.u32 $0x40, s15;
	s1 =	sadd.s32 s1, s0  }
0xeb: {  	s14 =	sadd.s32 s4, s1;
	s4 =	sor.u32 $0x30, s15  }
0xec: {  	s13 =	sand.u32 $0x1FF80, s31;
	s1 =	sadd.s32 $0x60, s15;
	v2 =	vld [tilespmem:s14+$0x0];
	s19 =	sand.u32 $0x1FFF0, s4  }
0xed: {  	s23 =	sadd.s32 s31, s1;
	s13 =	sor.u32 s13, s19  }
0xee: {  	s15 =	sadd.s32 $0x90, s15;
	s19 =	sand.u32 $0x3FF80, s23;
	s23 =	sand.u32 $0x60, s1;
	v3 =	vld [tilespmem:s13+$0xAA00]  }
0xef: {  	s19 =	sor.u32 s23, s19;
	s23 =	sadd.s32 s31, s15  }
0xf0: {  	v4 =	vld [tilespmem:s19+$0xAA00];
	s13 =	sand.u32 $0x3FF80, s23;
	s23 =	sand.u32 $0x50, s15  }
0xf1: {  	s13 =	sor.u32 s23, s13;
	v5 =	vand.u32 $0x7, v2  }
0xf2: {  	v6 =	vand.u32 $0xFFFF0000, v2;
	v2 =	vshll.u32 v2, $0x3;
	v7 =	vld [tilespmem:s13+$0xAA00];
	v5 =	vadd.s32 v0, v5  }
0xf3: {  	v2 =	vand.u32 $0x7FFC0, v2;
	vm0 =	vlt.u32 v5, $0x40;
	v8 =	vand.u32 $0x7, v3  }
0xf4: {  	v2 =	vadd.s32 v5, v2;
	v36 =	vshll.u32 v3, $0x3;
	v35 =	vadd.s32 v0, v8  }
0xf5: {  	v8 =	vand.u32 $0x7FFC0, v36;
	v9 =	vand.u32 $0x7, v4;
	vm1 =	vlt.u32 v35, $0x40  }
0xf6: {  	v38 =	vshll.u32 v4, $0x3;
	v5 =	vadd.s32 v35, v8;
	v37 =	vadd.s32 v0, v9  }
0xf7: {  	v9 =	vand.u32 $0x7FFC0, v38;
	vm2 =	vlt.u32 v37, $0x40;
	v10 =	vand.u32 $0x7, v7  }
0xf8: {  	v8 =	vadd.s32 v37, v9;
	v40 =	vshll.u32 v7, $0x3;
	v39 =	vadd.s32 v0, v10  }
0xf9: {  	vm8 =	vlt.u32 v39, $0x40;
	[tilespmem:v2+s17+$0x0] =	vst.idx.add.f32.msk vm0, v6;
	v2 =	vand.u32 $0x7FFC0, v40  }
0xfa: {  	v3 =	vand.u32 $0xFFFF0000, v3;
	v6 =	vld [tilespmem:s14+$0x10];
	v2 =	vadd.s32 v39, v2  }
0xfb: {  	s4 =	sor.u32 s31, s4;
	[tilespmem:v5+s17+$0x0] =	vst.idx.add.f32.msk vm1, v3  }
0xfc: {  	v4 =	vand.u32 $0xFFFF0000, v4;
	v3 =	vld [tilespmem:s4+$0xAA10]  }
0xfd: {  	[tilespmem:v8+s17+$0x0] =	vst.idx.add.f32.msk vm2, v4  }
0xfe: {  	v41 =	vand.u32 $0xFFFF0000, v7;
	v4 =	vld [tilespmem:s19+$0xAA10]  }
0xff: {  	v42 =	vand.u32 $0x7, v6;
	[tilespmem:v2+s17+$0x0] =	vst.idx.add.f32.msk vm8, v41  }
0x100: {  	v43 =	vand.u32 $0xFFFF0000, v6;
	v6 =	vshll.u32 v6, $0x3;
	v2 =	vld.idx.msk [tilespmem:v1+s15+$0xAA10 ss:$0x1], $0xffff;
	v7 =	vadd.s32 v0, v42  }
0x101: {  	v6 =	vand.u32 $0x7FFC0, v6;
	vm9 =	vlt.u32 v7, $0x40;
	v44 =	vand.u32 $0x7, v3  }
0x102: {  	v6 =	vadd.s32 v7, v6;
	v46 =	vshll.u32 v3, $0x3;
	v45 =	vadd.s32 v0, v44  }
0x103: {  	v8 =	vand.u32 $0x7FFC0, v46;
	v47 =	vand.u32 $0x7, v4;
	vm10 =	vlt.u32 v45, $0x40  }
0x104: {  	v49 =	vshll.u32 v4, $0x3;
	v7 =	vadd.s32 v45, v8;
	v48 =	vadd.s32 v0, v47  }
0x105: {  	v9 =	vand.u32 $0x7FFC0, v49;
	vm11 =	vlt.u32 v48, $0x40;
	v50 =	vand.u32 $0x7, v2  }
0x106: {  	v8 =	vadd.s32 v48, v9;
	v52 =	vshll.u32 v2, $0x3;
	v51 =	vadd.s32 v0, v50  }
0x107: {  	v53 =	vand.u32 $0x7FFC0, v52;
	[tilespmem:v6+s17+$0x0] =	vst.idx.add.f32.msk vm9, v43;
	vm12 =	vlt.u32 v51, $0x40  }
0x108: {  	v3 =	vand.u32 $0xFFFF0000, v3;
	v5 =	vadd.s32 v51, v53;
	v6 =	vld [tilespmem:s14+$0x20]  }
0x109: {  	[tilespmem:v7+s17+$0x0] =	vst.idx.add.f32.msk vm10, v3  }
0x10a: {  	v4 =	vand.u32 $0xFFFF0000, v4;
	v3 =	vld [tilespmem:s4+$0xAA20]  }
0x10b: {  	[tilespmem:v8+s17+$0x0] =	vst.idx.add.f32.msk vm11, v4  }
0x10c: {  	v2 =	vand.u32 $0xFFFF0000, v2;
	v4 =	vld.idx.msk [tilespmem:v1+s1+$0xAA20 ss:$0x1], $0xffff  }
0x10d: {  	v54 =	vand.u32 $0x7, v6;
	[tilespmem:v5+s17+$0x0] =	vst.idx.add.f32.msk vm12, v2  }
0x10e: {  	v55 =	vshll.u32 v6, $0x3;
	v2 =	vadd.s32 v0, v54;
	v56 =	vld [tilespmem:s13+$0xAA20]  }
0x10f: {  	v5 =	vand.u32 $0x7FFC0, v55;
	vm13 =	vlt.u32 v2, $0x40  }
0x110: {  	v2 =	vadd.s32 v2, v5;
	v57 =	vand.u32 $0x7, v3;
	v58 =	vshll.u32 v3, $0x3  }
0x111: {  	v5 =	vadd.s32 v0, v57;
	v8 =	vand.u32 $0x7FFC0, v58;
	v59 =	vand.u32 $0x7, v4  }
0x112: {  	v61 =	vshll.u32 v4, $0x3;
	vm14 =	vlt.u32 v5, $0x40;
	v5 =	vadd.s32 v5, v8  }
0x113: {  	v60 =	vadd.s32 v0, v59;
	v9 =	vand.u32 $0x7FFC0, v61;
	v62 =	vand.u32 $0x7, v56  }
0x114: {  	vm15 =	vlt.u32 v60, $0x40;
	v11 =	vshll.u32 v56, $0x3;
	v10 =	vadd.s32 v0, v62  }
0x115: {  	v8 =	vadd.s32 v60, v9;
	v63 =	vand.u32 $0x7FFC0, v11;
	vm3 =	vlt.u32 v10, $0x40  }
0x116: {  	p3 =	por p2, p2;
	v9 =	vadd.s32 v10, v63  }
.Ltmp7:
0x117: {  	v6 =	vand.u32 $0xFFFF0000, v6;
	(pc) =	sbr.rel @p3 .LBB2_13-.Ltmp7, $4  }
0x118: {  	[tilespmem:v2+s17+$0x0] =	vst.idx.add.f32.msk vm13, v6;
	v2 =	vand.u32 $0xFFFF0000, v3  }
0x119: {  	[tilespmem:v5+s17+$0x0] =	vst.idx.add.f32.msk vm14, v2;
	v2 =	vand.u32 $0xFFFF0000, v4  }
0x11a: {  	p2 =	por $0x0, $0x0;
	[tilespmem:v8+s17+$0x0] =	vst.idx.add.f32.msk vm15, v2;
	v2 =	vand.u32 $0xFFFF0000, v56  }
0x11b: {  	s15 =	simm.s32 $0xC0;
	s1 =	simm.s32 $0x0;
	s13 =	simm.s32 $0xAA00;
	[tilespmem:v9+s17+$0x0] =	vst.idx.add.f32.msk vm3, v2  }
0x11c: {  	s0 =	smov.u32 s29;
	s14 =	smov.u32 s28  }
.LBB2_15:
0x11d: {  	s4 =	sand.u32 $0x3FFFFF80, s14  }
0x11e: {  	s4 =	sadd.s32 s4, s13  }
0x11f: {  	v1 =	vld [tilespmem:s4+$0x0];
	_ =	sdelay $0x4  }
0x120: {  	v2 =	vand.u32 $0x7, v1  }
0x121: {  	v3 =	vshll.u32 v1, $0x3;
	v2 =	vadd.s32 v0, v2  }
0x122: {  	v3 =	vand.u32 $0x7FFC0, v3;
	vm0 =	vlt.u32 v2, $0x40  }
0x123: {  	v2 =	vadd.s32 v2, v3;
	_ =	sdelay $0x3  }
0x124: {  	v1 =	vand.u32 $0xFFFF0000, v1  }
0x125: {  	[tilespmem:v2+s17+$0x0] =	vst.idx.add.f32.msk vm0, v1  }
0x126: {  	v1 =	vld [tilespmem:s0+$0xFFFFFFF0];
	_ =	sdelay $0x4  }
0x127: {  	v2 =	vand.u32 $0x7, v1  }
0x128: {  	v3 =	vshll.u32 v1, $0x3;
	v2 =	vadd.s32 v0, v2  }
0x129: {  	v3 =	vand.u32 $0x7FFC0, v3;
	vm14 =	vlt.u32 v2, $0x40  }
0x12a: {  	v2 =	vadd.s32 v2, v3;
	_ =	sdelay $0x3  }
0x12b: {  	v1 =	vand.u32 $0xFFFF0000, v1  }
0x12c: {  	[tilespmem:v2+s17+$0x0] =	vst.idx.add.f32.msk vm14, v1  }
0x12d: {  	v1 =	vld [tilespmem:s0+$0x0];
	_ =	sdelay $0x4  }
0x12e: {  	v2 =	vand.u32 $0x7, v1  }
0x12f: {  	v3 =	vshll.u32 v1, $0x3;
	v2 =	vadd.s32 v0, v2  }
0x130: {  	v3 =	vand.u32 $0x7FFC0, v3;
	vm15 =	vlt.u32 v2, $0x40  }
0x131: {  	p2 =	sne.s32 s1, $0x60;
	v2 =	vadd.s32 v2, v3  }
.Ltmp8:
0x132: {  	_ = 	snop;
	(pc) =	sbr.rel @p2 .LBB2_15-.Ltmp8, $3  }
0x133: {  	_ =	sdelay $0x1  }
0x134: {  	s14 =	sadd.s32 $0x30, s14;
	v1 =	vand.u32 $0xFFFF0000, v1  }
0x135: {  	s1 =	sadd.s32 $0x30, s1;
	s13 =	sadd.s32 $0x30, s13;
	s0 =	sadd.s32 $0x30, s0;
	[tilespmem:v2+s17+$0x0] =	vst.idx.add.f32.msk vm15, v1  }
0x136: {  	s0 =	sadd.s32 $0x280, s31;
	s1 =	sadd.s32 $0xFFFFFFFC, s26  }
0x137: {  	s31 =	simm.s32 $0x0;
	p2 =	por $0x1, $0x1;
	s15 =	simm.s32 $0x0;
	v0 =	vmov s1;
	v1 =	vmov s0  }
.LBB2_17:
0x138: {  	s1 =	sadd.s32 s0, s15  }
0x139: {  	s13 =	sand.u32 $0x40, s15;
	s4 =	sand.u32 $0x3FF80, s1;
	s1 =	sor.u32 $0x30, s15  }
0x13a: {  	s13 =	sor.u32 s13, s4;
	s19 =	sadd.s32 s0, s1  }
0x13b: {  	s14 =	sadd.s32 $0x60, s15;
	v2 =	vld [tilespmem:s13+$0xAA00];
	s4 =	sand.u32 $0x3FF80, s19;
	s19 =	sand.u32 $0x70, s1  }
0x13c: {  	s23 =	sadd.s32 s0, s14;
	s4 =	sor.u32 s19, s4  }
0x13d: {  	s19 =	sand.u32 $0x60, s14;
	v3 =	vld [tilespmem:s4+$0xAA00];
	s4 =	sand.u32 $0x3FF80, s23;
	s23 =	sadd.s32 $0x90, s15  }
0x13e: {  	s4 =	sor.u32 s19, s4;
	s15 =	sadd.s32 s0, s23  }
0x13f: {  	s19 =	sand.u32 $0x50, s23;
	v4 =	vld [tilespmem:s4+$0xAA00];
	s15 =	sand.u32 $0x3FF80, s15  }
0x140: {  	s15 =	sor.u32 s19, s15;
	v5 =	vand.u32 $0x7, v2  }
0x141: {  	v6 =	vand.u32 $0xFFFF0000, v2;
	v2 =	vshll.u32 v2, $0x3;
	v5 =	vadd.s32 v0, v5;
	v7 =	vld [tilespmem:s15+$0xAA00]  }
0x142: {  	v2 =	vand.u32 $0x7FFC0, v2;
	vm0 =	vlt.u32 v5, $0x40;
	v8 =	vand.u32 $0x7, v3  }
0x143: {  	v2 =	vadd.s32 v5, v2;
	v36 =	vshll.u32 v3, $0x3;
	v35 =	vadd.s32 v0, v8  }
0x144: {  	v8 =	vand.u32 $0x7FFC0, v36;
	vm1 =	vlt.u32 v35, $0x40;
	v9 =	vand.u32 $0x7, v4  }
0x145: {  	v5 =	vadd.s32 v35, v8;
	v38 =	vshll.u32 v4, $0x3;
	v37 =	vadd.s32 v0, v9  }
0x146: {  	v9 =	vand.u32 $0x7FFC0, v38;
	vm2 =	vlt.u32 v37, $0x40;
	v10 =	vand.u32 $0x7, v7  }
0x147: {  	v8 =	vadd.s32 v37, v9;
	v40 =	vshll.u32 v7, $0x3;
	v39 =	vadd.s32 v0, v10  }
0x148: {  	[tilespmem:v2+s17+$0x0] =	vst.idx.add.f32.msk vm0, v6;
	vm8 =	vlt.u32 v39, $0x40;
	v2 =	vand.u32 $0x7FFC0, v40  }
0x149: {  	v3 =	vand.u32 $0xFFFF0000, v3;
	v6 =	vld [tilespmem:s13+$0xAA10];
	v2 =	vadd.s32 v39, v2  }
0x14a: {  	[tilespmem:v5+s17+$0x0] =	vst.idx.add.f32.msk vm1, v3  }
0x14b: {  	v4 =	vand.u32 $0xFFFF0000, v4;
	v3 =	vld.idx.msk [tilespmem:v1+s1+$0xAA10 ss:$0x1], $0xffff  }
0x14c: {  	[tilespmem:v8+s17+$0x0] =	vst.idx.add.f32.msk vm2, v4  }
0x14d: {  	v41 =	vand.u32 $0xFFFF0000, v7;
	v4 =	vld [tilespmem:s4+$0xAA10]  }
0x14e: {  	v42 =	vand.u32 $0x7, v6;
	[tilespmem:v2+s17+$0x0] =	vst.idx.add.f32.msk vm8, v41  }
0x14f: {  	v43 =	vand.u32 $0xFFFF0000, v6;
	v6 =	vshll.u32 v6, $0x3;
	v2 =	vld.idx.msk [tilespmem:v1+s23+$0xAA10 ss:$0x1], $0xffff;
	v7 =	vadd.s32 v0, v42  }
0x150: {  	v6 =	vand.u32 $0x7FFC0, v6;
	vm9 =	vlt.u32 v7, $0x40;
	v44 =	vand.u32 $0x7, v3  }
0x151: {  	v6 =	vadd.s32 v7, v6;
	v46 =	vshll.u32 v3, $0x3;
	v45 =	vadd.s32 v0, v44  }
0x152: {  	v8 =	vand.u32 $0x7FFC0, v46;
	vm10 =	vlt.u32 v45, $0x40;
	v47 =	vand.u32 $0x7, v4  }
0x153: {  	v7 =	vadd.s32 v45, v8;
	v49 =	vshll.u32 v4, $0x3;
	v48 =	vadd.s32 v0, v47  }
0x154: {  	v9 =	vand.u32 $0x7FFC0, v49;
	vm11 =	vlt.u32 v48, $0x40;
	v50 =	vand.u32 $0x7, v2  }
0x155: {  	v8 =	vadd.s32 v48, v9;
	v52 =	vshll.u32 v2, $0x3;
	v51 =	vadd.s32 v0, v50  }
0x156: {  	v53 =	vand.u32 $0x7FFC0, v52;
	[tilespmem:v6+s17+$0x0] =	vst.idx.add.f32.msk vm9, v43;
	vm12 =	vlt.u32 v51, $0x40  }
0x157: {  	v3 =	vand.u32 $0xFFFF0000, v3;
	v5 =	vadd.s32 v51, v53;
	v6 =	vld [tilespmem:s13+$0xAA20]  }
0x158: {  	[tilespmem:v7+s17+$0x0] =	vst.idx.add.f32.msk vm10, v3  }
0x159: {  	v4 =	vand.u32 $0xFFFF0000, v4;
	v3 =	vld.idx.msk [tilespmem:v1+s1+$0xAA20 ss:$0x1], $0xffff  }
0x15a: {  	[tilespmem:v8+s17+$0x0] =	vst.idx.add.f32.msk vm11, v4  }
0x15b: {  	v2 =	vand.u32 $0xFFFF0000, v2;
	v4 =	vld.idx.msk [tilespmem:v1+s14+$0xAA20 ss:$0x1], $0xffff  }
0x15c: {  	v54 =	vand.u32 $0x7, v6;
	[tilespmem:v5+s17+$0x0] =	vst.idx.add.f32.msk vm12, v2  }
0x15d: {  	v55 =	vshll.u32 v6, $0x3;
	v2 =	vadd.s32 v0, v54;
	v56 =	vld [tilespmem:s15+$0xAA20]  }
0x15e: {  	v5 =	vand.u32 $0x7FFC0, v55;
	vm13 =	vlt.u32 v2, $0x40  }
0x15f: {  	v2 =	vadd.s32 v2, v5;
	v57 =	vand.u32 $0x7, v3;
	v58 =	vshll.u32 v3, $0x3  }
0x160: {  	v5 =	vadd.s32 v0, v57;
	v8 =	vand.u32 $0x7FFC0, v58;
	v59 =	vand.u32 $0x7, v4  }
0x161: {  	vm14 =	vlt.u32 v5, $0x40;
	v5 =	vadd.s32 v5, v8;
	v61 =	vshll.u32 v4, $0x3  }
0x162: {  	v60 =	vadd.s32 v0, v59;
	v9 =	vand.u32 $0x7FFC0, v61;
	v62 =	vand.u32 $0x7, v56  }
0x163: {  	vm15 =	vlt.u32 v60, $0x40;
	v11 =	vshll.u32 v56, $0x3;
	v10 =	vadd.s32 v0, v62  }
0x164: {  	v8 =	vadd.s32 v60, v9;
	v63 =	vand.u32 $0x7FFC0, v11;
	vm3 =	vlt.u32 v10, $0x40  }
0x165: {  	p3 =	por p2, p2;
	v9 =	vadd.s32 v10, v63  }
.Ltmp9:
0x166: {  	v6 =	vand.u32 $0xFFFF0000, v6;
	(pc) =	sbr.rel @p3 .LBB2_17-.Ltmp9, $4  }
0x167: {  	[tilespmem:v2+s17+$0x0] =	vst.idx.add.f32.msk vm13, v6;
	v2 =	vand.u32 $0xFFFF0000, v3  }
0x168: {  	[tilespmem:v5+s17+$0x0] =	vst.idx.add.f32.msk vm14, v2;
	v2 =	vand.u32 $0xFFFF0000, v4  }
0x169: {  	[tilespmem:v8+s17+$0x0] =	vst.idx.add.f32.msk vm15, v2;
	v2 =	vand.u32 $0xFFFF0000, v56  }
0x16a: {  	p2 =	por $0x0, $0x0;
	s1 =	simm.s32 $0xAA00;
	s15 =	simm.s32 $0xC0;
	[tilespmem:v9+s17+$0x0] =	vst.idx.add.f32.msk vm3, v2  }
0x16b: {  	s0 =	smov.u32 s30;
	s13 =	smov.u32 s25  }
.LBB2_19:
0x16c: {  	s4 =	sand.u32 $0x3FFFFF80, s13  }
0x16d: {  	s4 =	sadd.s32 s4, s1  }
0x16e: {  	v1 =	vld [tilespmem:s4+$0x0];
	_ =	sdelay $0x4  }
0x16f: {  	v2 =	vand.u32 $0x7, v1  }
0x170: {  	v3 =	vshll.u32 v1, $0x3;
	v2 =	vadd.s32 v0, v2  }
0x171: {  	v3 =	vand.u32 $0x7FFC0, v3;
	vm0 =	vlt.u32 v2, $0x40  }
0x172: {  	v2 =	vadd.s32 v2, v3;
	_ =	sdelay $0x3  }
0x173: {  	v1 =	vand.u32 $0xFFFF0000, v1  }
0x174: {  	[tilespmem:v2+s17+$0x0] =	vst.idx.add.f32.msk vm0, v1  }
0x175: {  	v1 =	vld [tilespmem:s0+$0xFFFFFFF0];
	_ =	sdelay $0x4  }
0x176: {  	v2 =	vand.u32 $0x7, v1  }
0x177: {  	v3 =	vshll.u32 v1, $0x3;
	v2 =	vadd.s32 v0, v2  }
0x178: {  	v3 =	vand.u32 $0x7FFC0, v3;
	vm14 =	vlt.u32 v2, $0x40  }
0x179: {  	v2 =	vadd.s32 v2, v3;
	_ =	sdelay $0x3  }
0x17a: {  	v1 =	vand.u32 $0xFFFF0000, v1  }
0x17b: {  	[tilespmem:v2+s17+$0x0] =	vst.idx.add.f32.msk vm14, v1  }
0x17c: {  	v1 =	vld [tilespmem:s0+$0x0];
	_ =	sdelay $0x4  }
0x17d: {  	v2 =	vand.u32 $0x7, v1  }
0x17e: {  	v3 =	vshll.u32 v1, $0x3;
	v2 =	vadd.s32 v0, v2  }
0x17f: {  	v3 =	vand.u32 $0x7FFC0, v3;
	vm15 =	vlt.u32 v2, $0x40  }
0x180: {  	p2 =	sne.s32 s31, $0x60;
	v2 =	vadd.s32 v2, v3  }
.Ltmp10:
0x181: {  	_ = 	snop;
	(pc) =	sbr.rel @p2 .LBB2_19-.Ltmp10, $3  }
0x182: {  	_ =	sdelay $0x1  }
0x183: {  	s13 =	sadd.s32 $0x30, s13;
	v1 =	vand.u32 $0xFFFF0000, v1  }
0x184: {  	s31 =	sadd.s32 $0x30, s31;
	s1 =	sadd.s32 $0x30, s1;
	s0 =	sadd.s32 $0x30, s0;
	[tilespmem:v2+s17+$0x0] =	vst.idx.add.f32.msk vm15, v1  }
0x185: {  	p2 =	slt.u32 s26, $0x42  }
.Ltmp11:
0x186: {  	_ = 	snop;
	(pc) =	sbr.rel @p2 .LBB2_12-.Ltmp11, $3  }
0x187: {  	_ =	sdelay $0x1  }
0x188: {  	s0 =	sadd.s32 $0x2, s26;
	s28 =	sadd.s32 $0x500, s28;
	s29 =	sadd.s32 $0x500, s29  }
0x189: {  	s25 =	sadd.s32 $0x500, s25;
	s30 =	sadd.s32 $0x500, s30;
	s26 =	smov.u32 s0  }
0x18a: {  	s25 =	simm.s32 $0x400  }
0x18b: {  	[hbm4b:s9+s21] =	stream.strided.scatter [tilespmem:s17], [sflag:$0x3], $0x8080, s25, s21, $0x38;
	[tilespmem:$0x1D480] =	vst v63  }
0x18c: {  	_ =	swait.ge [sflag:s18], $0x8080  }
0x18d: {  	[sflag:s18] =	ssyncset.done $0x0  }
0x18e: {  	s26 =	simm.s32 $0x0;
	[sflag:s18] =	ssyncadd.s32 $0xFFFF7F80  }
0x18f: {  	[tilespmem:s17], [sflag:$0x3] =	stream.linear.gather [hbm4b:s2+s26], $0x8080, $0x38;
	[tilespmem:$0x1D480] =	vst v63  }
0x190: {  	_ =	swait.ge [sflag:s18], $0x8080  }
0x191: {  	[sflag:s18] =	ssyncset.done $0x0  }
0x192: {  	s0 =	simm.s32 $0xAA00;
	[sflag:s18] =	ssyncadd.s32 $0xFFFF7F80  }
0x193: {  	[tilespmem:s0], [sflag:$0x2] =	stream.linear.gather [hbm4b:s10+s26], $0xAA00, $0x38;
	[tilespmem:$0x1D480] =	vst v63  }
0x194: {  	_ =	swait.ge [sflag:s20], $0xAA00  }
0x195: {  	s28 =	simm.s32 $0x180;
	[sflag:s20] =	ssyncset.done $0x0  }
0x196: {  	s29 =	simm.s32 $0x1A0;
	s30 =	simm.s32 $0x420;
	[sflag:s20] =	ssyncadd.s32 $0xFFFF5600  }
.LBB2_22:
0x197: {  	s31 =	smul.u32 $0x280, s26  }
0x198: {  	s0 =	sadd.s32 $0xFFFFFFFB, s26  }
0x199: {  	p2 =	por $0x1, $0x1;
	s13 =	simm.s32 $0x0;
	v0 =	vmov s0;
	v1 =	vmov s31  }
.LBB2_23:
0x19a: {  	s0 =	sand.u32 $0x80, s13  }
0x19b: {  	s1 =	sand.u32 $0x40, s13;
	s4 =	sor.u32 $0x30, s13;
	s0 =	sadd.s32 s0, s31  }
0x19c: {  	s14 =	sand.u32 $0x1FF80, s31;
	s15 =	sand.u32 $0x1FFF0, s4;
	s1 =	sadd.s32 s1, s0  }
0x19d: {  	s14 =	sor.u32 s14, s15;
	v2 =	vld [tilespmem:s1+$0x0]  }
0x19e: {  	s0 =	sadd.s32 $0x60, s13;
	v3 =	vld [tilespmem:s14+$0x0]  }
0x19f: {  	s23 =	sadd.s32 s31, s0  }
0x1a0: {  	s19 =	sadd.s32 $0x90, s13;
	s15 =	sand.u32 $0x3FF80, s23;
	s23 =	sand.u32 $0x60, s0  }
0x1a1: {  	s13 =	sadd.s32 s31, s19;
	s14 =	sor.u32 s23, s15  }
0x1a2: {  	s13 =	sand.u32 $0x3FF80, s13;
	s23 =	sand.u32 $0x50, s19;
	v4 =	vld [tilespmem:s14+$0x0];
	v5 =	vand.u32 $0x7, v2;
	v6 =	vand.u32 $0xFFFF0000, v2;
	v2 =	vshll.u32 v2, $0x3  }
0x1a3: {  	s13 =	sor.u32 s23, s13;
	v8 =	vand.u32 $0x7, v3;
	v36 =	vshll.u32 v3, $0x3;
	v5 =	vadd.s32 v0, v5  }
0x1a4: {  	v7 =	vld [tilespmem:s13+$0x0];
	v2 =	vand.u32 $0x7FFC0, v2;
	v35 =	vadd.s32 v0, v8;
	vm0 =	vlt.u32 v5, $0x40  }
0x1a5: {  	v8 =	vand.u32 $0x7FFC0, v36;
	v2 =	vadd.s32 v5, v2;
	vm1 =	vlt.u32 v35, $0x40  }
0x1a6: {  	v5 =	vadd.s32 v35, v8  }
0x1a7: {  	v9 =	vand.u32 $0x7, v4  }
0x1a8: {  	v3 =	vand.u32 $0xFFFF0000, v3;
	v38 =	vshll.u32 v4, $0x3;
	v37 =	vadd.s32 v0, v9  }
0x1a9: {  	v9 =	vand.u32 $0x7FFC0, v38;
	v10 =	vand.u32 $0x7, v7;
	vm2 =	vlt.u32 v37, $0x40  }
0x1aa: {  	v40 =	vshll.u32 v7, $0x3;
	v8 =	vadd.s32 v37, v9;
	v39 =	vadd.s32 v0, v10;
	[tilespmem:v2+s17+$0x0] =	vst.idx.add.f32.msk vm0, v6  }
0x1ab: {  	vm8 =	vlt.u32 v39, $0x40;
	v2 =	vand.u32 $0x7FFC0, v40;
	[tilespmem:v5+s17+$0x0] =	vst.idx.add.f32.msk vm1, v3  }
0x1ac: {  	s4 =	sor.u32 s31, s4;
	v6 =	vld [tilespmem:s1+$0x10];
	v2 =	vadd.s32 v39, v2  }
0x1ad: {  	v3 =	vld [tilespmem:s4+$0x10]  }
0x1ae: {  	v4 =	vand.u32 $0xFFFF0000, v4  }
0x1af: {  	[tilespmem:v8+s17+$0x0] =	vst.idx.add.f32.msk vm2, v4  }
0x1b0: {  	v41 =	vand.u32 $0xFFFF0000, v7;
	v4 =	vld [tilespmem:s14+$0x10]  }
0x1b1: {  	v42 =	vand.u32 $0x7, v6;
	[tilespmem:v2+s17+$0x0] =	vst.idx.add.f32.msk vm8, v41;
	v43 =	vand.u32 $0xFFFF0000, v6;
	v6 =	vshll.u32 v6, $0x3  }
0x1b2: {  	v44 =	vand.u32 $0x7, v3;
	v46 =	vshll.u32 v3, $0x3;
	v2 =	vld.idx.msk [tilespmem:v1+s19+$0x10 ss:$0x1], $0xffff;
	v7 =	vadd.s32 v0, v42  }
0x1b3: {  	v6 =	vand.u32 $0x7FFC0, v6;
	v45 =	vadd.s32 v0, v44;
	vm9 =	vlt.u32 v7, $0x40  }
0x1b4: {  	v8 =	vand.u32 $0x7FFC0, v46;
	v6 =	vadd.s32 v7, v6;
	vm10 =	vlt.u32 v45, $0x40  }
0x1b5: {  	v7 =	vadd.s32 v45, v8;
	v47 =	vand.u32 $0x7, v4  }
0x1b6: {  	v49 =	vshll.u32 v4, $0x3;
	v48 =	vadd.s32 v0, v47  }
0x1b7: {  	v9 =	vand.u32 $0x7FFC0, v49;
	vm11 =	vlt.u32 v48, $0x40;
	v50 =	vand.u32 $0x7, v2  }
0x1b8: {  	v8 =	vadd.s32 v48, v9;
	v52 =	vshll.u32 v2, $0x3;
	v51 =	vadd.s32 v0, v50  }
0x1b9: {  	v3 =	vand.u32 $0xFFFF0000, v3;
	v53 =	vand.u32 $0x7FFC0, v52;
	[tilespmem:v6+s17+$0x0] =	vst.idx.add.f32.msk vm9, v43;
	vm12 =	vlt.u32 v51, $0x40  }
0x1ba: {  	v5 =	vadd.s32 v51, v53;
	[tilespmem:v7+s17+$0x0] =	vst.idx.add.f32.msk vm10, v3  }
0x1bb: {  	v6 =	vld [tilespmem:s1+$0x20]  }
0x1bc: {  	v4 =	vand.u32 $0xFFFF0000, v4;
	v3 =	vld [tilespmem:s4+$0x20]  }
0x1bd: {  	[tilespmem:v8+s17+$0x0] =	vst.idx.add.f32.msk vm11, v4  }
0x1be: {  	v2 =	vand.u32 $0xFFFF0000, v2;
	v4 =	vld.idx.msk [tilespmem:v1+s0+$0x20 ss:$0x1], $0xffff  }
0x1bf: {  	[tilespmem:v5+s17+$0x0] =	vst.idx.add.f32.msk vm12, v2  }
0x1c0: {  	v54 =	vand.u32 $0x7, v6;
	v55 =	vshll.u32 v6, $0x3;
	v56 =	vld [tilespmem:s13+$0x20]  }
0x1c1: {  	v57 =	vand.u32 $0x7, v3;
	v58 =	vshll.u32 v3, $0x3;
	v2 =	vadd.s32 v0, v54  }
0x1c2: {  	v5 =	vand.u32 $0x7FFC0, v55;
	v8 =	vand.u32 $0x7FFC0, v58;
	vm13 =	vlt.u32 v2, $0x40  }
0x1c3: {  	v2 =	vadd.s32 v2, v5;
	v5 =	vadd.s32 v0, v57;
	v59 =	vand.u32 $0x7, v4  }
0x1c4: {  	vm14 =	vlt.u32 v5, $0x40;
	v5 =	vadd.s32 v5, v8;
	v61 =	vshll.u32 v4, $0x3  }
0x1c5: {  	v60 =	vadd.s32 v0, v59;
	v9 =	vand.u32 $0x7FFC0, v61;
	v62 =	vand.u32 $0x7, v56  }
0x1c6: {  	vm15 =	vlt.u32 v60, $0x40;
	v11 =	vshll.u32 v56, $0x3;
	v10 =	vadd.s32 v0, v62  }
0x1c7: {  	v8 =	vadd.s32 v60, v9;
	v63 =	vand.u32 $0x7FFC0, v11;
	vm3 =	vlt.u32 v10, $0x40  }
0x1c8: {  	p3 =	por p2, p2;
	v9 =	vadd.s32 v10, v63  }
.Ltmp12:
0x1c9: {  	v6 =	vand.u32 $0xFFFF0000, v6;
	(pc) =	sbr.rel @p3 .LBB2_23-.Ltmp12, $4  }
0x1ca: {  	[tilespmem:v2+s17+$0x0] =	vst.idx.add.f32.msk vm13, v6;
	v2 =	vand.u32 $0xFFFF0000, v3  }
0x1cb: {  	[tilespmem:v5+s17+$0x0] =	vst.idx.add.f32.msk vm14, v2;
	v2 =	vand.u32 $0xFFFF0000, v4  }
0x1cc: {  	[tilespmem:v8+s17+$0x0] =	vst.idx.add.f32.msk vm15, v2;
	v2 =	vand.u32 $0xFFFF0000, v56  }
0x1cd: {  	p2 =	por $0x0, $0x0;
	s0 =	simm.s32 $0x0;
	s13 =	simm.s32 $0xC0;
	[tilespmem:v9+s17+$0x0] =	vst.idx.add.f32.msk vm3, v2  }
0x1ce: {  	s1 =	smov.u32 s29;
	s13 =	smov.u32 s28;
	s14 =	simm.s32 $0x0  }
.LBB2_25:
0x1cf: {  	s4 =	sand.u32 $0x3FFFFF80, s13  }
0x1d0: {  	s4 =	sadd.s32 s4, s0  }
0x1d1: {  	v1 =	vld [tilespmem:s4+$0x0];
	_ =	sdelay $0x4  }
0x1d2: {  	v2 =	vand.u32 $0x7, v1  }
0x1d3: {  	v3 =	vshll.u32 v1, $0x3;
	v2 =	vadd.s32 v0, v2  }
0x1d4: {  	v3 =	vand.u32 $0x7FFC0, v3;
	vm0 =	vlt.u32 v2, $0x40  }
0x1d5: {  	v2 =	vadd.s32 v2, v3;
	_ =	sdelay $0x3  }
0x1d6: {  	v1 =	vand.u32 $0xFFFF0000, v1  }
0x1d7: {  	[tilespmem:v2+s17+$0x0] =	vst.idx.add.f32.msk vm0, v1  }
0x1d8: {  	v1 =	vld [tilespmem:s1+$0xFFFFFFF0];
	_ =	sdelay $0x4  }
0x1d9: {  	v2 =	vand.u32 $0x7, v1  }
0x1da: {  	v3 =	vshll.u32 v1, $0x3;
	v2 =	vadd.s32 v0, v2  }
0x1db: {  	v3 =	vand.u32 $0x7FFC0, v3;
	vm14 =	vlt.u32 v2, $0x40  }
0x1dc: {  	v2 =	vadd.s32 v2, v3;
	_ =	sdelay $0x3  }
0x1dd: {  	v1 =	vand.u32 $0xFFFF0000, v1  }
0x1de: {  	[tilespmem:v2+s17+$0x0] =	vst.idx.add.f32.msk vm14, v1  }
0x1df: {  	v1 =	vld [tilespmem:s1+$0x0];
	_ =	sdelay $0x4  }
0x1e0: {  	v2 =	vand.u32 $0x7, v1  }
0x1e1: {  	v3 =	vshll.u32 v1, $0x3;
	v2 =	vadd.s32 v0, v2  }
0x1e2: {  	v3 =	vand.u32 $0x7FFC0, v3;
	vm15 =	vlt.u32 v2, $0x40  }
0x1e3: {  	p2 =	sne.s32 s14, $0x60;
	v2 =	vadd.s32 v2, v3  }
.Ltmp13:
0x1e4: {  	_ = 	snop;
	(pc) =	sbr.rel @p2 .LBB2_25-.Ltmp13, $3  }
0x1e5: {  	_ =	sdelay $0x1  }
0x1e6: {  	s13 =	sadd.s32 $0x30, s13;
	v1 =	vand.u32 $0xFFFF0000, v1  }
0x1e7: {  	s14 =	sadd.s32 $0x30, s14;
	s0 =	sadd.s32 $0x30, s0;
	s1 =	sadd.s32 $0x30, s1;
	[tilespmem:v2+s17+$0x0] =	vst.idx.add.f32.msk vm15, v1  }
0x1e8: {  	s0 =	sadd.s32 $0x280, s31;
	s1 =	sadd.s32 $0xFFFFFFFC, s26  }
0x1e9: {  	s31 =	simm.s32 $0x0;
	p2 =	por $0x1, $0x1;
	s15 =	simm.s32 $0x0;
	v0 =	vmov s1;
	v1 =	vmov s0  }
.LBB2_27:
0x1ea: {  	s1 =	sadd.s32 s0, s15  }
0x1eb: {  	s13 =	sand.u32 $0x40, s15;
	s4 =	sand.u32 $0x3FF80, s1;
	s1 =	sor.u32 $0x30, s15  }
0x1ec: {  	s13 =	sor.u32 s13, s4;
	s19 =	sadd.s32 s0, s1  }
0x1ed: {  	s14 =	sadd.s32 $0x60, s15;
	v2 =	vld [tilespmem:s13+$0x0];
	s4 =	sand.u32 $0x3FF80, s19;
	s19 =	sand.u32 $0x70, s1  }
0x1ee: {  	s23 =	sadd.s32 s0, s14;
	s4 =	sor.u32 s19, s4  }
0x1ef: {  	s19 =	sand.u32 $0x60, s14;
	v3 =	vld [tilespmem:s4+$0x0];
	s4 =	sand.u32 $0x3FF80, s23;
	s23 =	sadd.s32 $0x90, s15  }
0x1f0: {  	s4 =	sor.u32 s19, s4;
	s15 =	sadd.s32 s0, s23  }
0x1f1: {  	s19 =	sand.u32 $0x50, s23;
	v4 =	vld [tilespmem:s4+$0x0];
	s15 =	sand.u32 $0x3FF80, s15  }
0x1f2: {  	s15 =	sor.u32 s19, s15;
	v5 =	vand.u32 $0x7, v2  }
0x1f3: {  	v6 =	vand.u32 $0xFFFF0000, v2;
	v2 =	vshll.u32 v2, $0x3;
	v5 =	vadd.s32 v0, v5;
	v7 =	vld [tilespmem:s15+$0x0]  }
0x1f4: {  	v2 =	vand.u32 $0x7FFC0, v2;
	vm0 =	vlt.u32 v5, $0x40;
	v8 =	vand.u32 $0x7, v3  }
0x1f5: {  	v2 =	vadd.s32 v5, v2;
	v36 =	vshll.u32 v3, $0x3;
	v35 =	vadd.s32 v0, v8  }
0x1f6: {  	v8 =	vand.u32 $0x7FFC0, v36;
	vm1 =	vlt.u32 v35, $0x40;
	v9 =	vand.u32 $0x7, v4  }
0x1f7: {  	v5 =	vadd.s32 v35, v8;
	v38 =	vshll.u32 v4, $0x3;
	v37 =	vadd.s32 v0, v9  }
0x1f8: {  	v9 =	vand.u32 $0x7FFC0, v38;
	vm2 =	vlt.u32 v37, $0x40;
	v10 =	vand.u32 $0x7, v7  }
0x1f9: {  	v8 =	vadd.s32 v37, v9;
	v40 =	vshll.u32 v7, $0x3;
	v39 =	vadd.s32 v0, v10  }
0x1fa: {  	[tilespmem:v2+s17+$0x0] =	vst.idx.add.f32.msk vm0, v6;
	vm8 =	vlt.u32 v39, $0x40;
	v2 =	vand.u32 $0x7FFC0, v40  }
0x1fb: {  	v3 =	vand.u32 $0xFFFF0000, v3;
	v6 =	vld [tilespmem:s13+$0x10];
	v2 =	vadd.s32 v39, v2  }
0x1fc: {  	[tilespmem:v5+s17+$0x0] =	vst.idx.add.f32.msk vm1, v3  }
0x1fd: {  	v4 =	vand.u32 $0xFFFF0000, v4;
	v3 =	vld.idx.msk [tilespmem:v1+s1+$0x10 ss:$0x1], $0xffff  }
0x1fe: {  	[tilespmem:v8+s17+$0x0] =	vst.idx.add.f32.msk vm2, v4  }
0x1ff: {  	v41 =	vand.u32 $0xFFFF0000, v7;
	v4 =	vld [tilespmem:s4+$0x10]  }
0x200: {  	v42 =	vand.u32 $0x7, v6;
	[tilespmem:v2+s17+$0x0] =	vst.idx.add.f32.msk vm8, v41  }
0x201: {  	v43 =	vand.u32 $0xFFFF0000, v6;
	v6 =	vshll.u32 v6, $0x3;
	v2 =	vld.idx.msk [tilespmem:v1+s23+$0x10 ss:$0x1], $0xffff;
	v7 =	vadd.s32 v0, v42  }
0x202: {  	v6 =	vand.u32 $0x7FFC0, v6;
	vm9 =	vlt.u32 v7, $0x40;
	v44 =	vand.u32 $0x7, v3  }
0x203: {  	v6 =	vadd.s32 v7, v6;
	v46 =	vshll.u32 v3, $0x3;
	v45 =	vadd.s32 v0, v44  }
0x204: {  	v8 =	vand.u32 $0x7FFC0, v46;
	vm10 =	vlt.u32 v45, $0x40;
	v47 =	vand.u32 $0x7, v4  }
0x205: {  	v7 =	vadd.s32 v45, v8;
	v49 =	vshll.u32 v4, $0x3;
	v48 =	vadd.s32 v0, v47  }
0x206: {  	v9 =	vand.u32 $0x7FFC0, v49;
	vm11 =	vlt.u32 v48, $0x40;
	v50 =	vand.u32 $0x7, v2  }
0x207: {  	v8 =	vadd.s32 v48, v9;
	v52 =	vshll.u32 v2, $0x3;
	v51 =	vadd.s32 v0, v50  }
0x208: {  	v53 =	vand.u32 $0x7FFC0, v52;
	[tilespmem:v6+s17+$0x0] =	vst.idx.add.f32.msk vm9, v43;
	vm12 =	vlt.u32 v51, $0x40  }
0x209: {  	v3 =	vand.u32 $0xFFFF0000, v3;
	v5 =	vadd.s32 v51, v53;
	v6 =	vld [tilespmem:s13+$0x20]  }
0x20a: {  	[tilespmem:v7+s17+$0x0] =	vst.idx.add.f32.msk vm10, v3  }
0x20b: {  	v4 =	vand.u32 $0xFFFF0000, v4;
	v3 =	vld.idx.msk [tilespmem:v1+s1+$0x20 ss:$0x1], $0xffff  }
0x20c: {  	[tilespmem:v8+s17+$0x0] =	vst.idx.add.f32.msk vm11, v4  }
0x20d: {  	v2 =	vand.u32 $0xFFFF0000, v2;
	v4 =	vld.idx.msk [tilespmem:v1+s14+$0x20 ss:$0x1], $0xffff  }
0x20e: {  	v54 =	vand.u32 $0x7, v6;
	[tilespmem:v5+s17+$0x0] =	vst.idx.add.f32.msk vm12, v2  }
0x20f: {  	v55 =	vshll.u32 v6, $0x3;
	v2 =	vadd.s32 v0, v54;
	v56 =	vld [tilespmem:s15+$0x20]  }
0x210: {  	v5 =	vand.u32 $0x7FFC0, v55;
	vm13 =	vlt.u32 v2, $0x40  }
0x211: {  	v2 =	vadd.s32 v2, v5;
	v57 =	vand.u32 $0x7, v3;
	v58 =	vshll.u32 v3, $0x3  }
0x212: {  	v5 =	vadd.s32 v0, v57;
	v8 =	vand.u32 $0x7FFC0, v58;
	v59 =	vand.u32 $0x7, v4  }
0x213: {  	vm14 =	vlt.u32 v5, $0x40;
	v5 =	vadd.s32 v5, v8;
	v61 =	vshll.u32 v4, $0x3  }
0x214: {  	v60 =	vadd.s32 v0, v59;
	v9 =	vand.u32 $0x7FFC0, v61;
	v62 =	vand.u32 $0x7, v56  }
0x215: {  	vm15 =	vlt.u32 v60, $0x40;
	v11 =	vshll.u32 v56, $0x3;
	v10 =	vadd.s32 v0, v62  }
0x216: {  	v8 =	vadd.s32 v60, v9;
	v63 =	vand.u32 $0x7FFC0, v11;
	vm3 =	vlt.u32 v10, $0x40  }
0x217: {  	p3 =	por p2, p2;
	v9 =	vadd.s32 v10, v63  }
.Ltmp14:
0x218: {  	v6 =	vand.u32 $0xFFFF0000, v6;
	(pc) =	sbr.rel @p3 .LBB2_27-.Ltmp14, $4  }
0x219: {  	[tilespmem:v2+s17+$0x0] =	vst.idx.add.f32.msk vm13, v6;
	v2 =	vand.u32 $0xFFFF0000, v3  }
0x21a: {  	[tilespmem:v5+s17+$0x0] =	vst.idx.add.f32.msk vm14, v2;
	v2 =	vand.u32 $0xFFFF0000, v4  }
0x21b: {  	[tilespmem:v8+s17+$0x0] =	vst.idx.add.f32.msk vm15, v2;
	v2 =	vand.u32 $0xFFFF0000, v56  }
0x21c: {  	p2 =	por $0x0, $0x0;
	s15 =	simm.s32 $0xC0;
	[tilespmem:v9+s17+$0x0] =	vst.idx.add.f32.msk vm3, v2  }
0x21d: {  	s0 =	smov.u32 s30;
	s1 =	smov.u32 s25;
	s13 =	simm.s32 $0x0  }
.LBB2_29:
0x21e: {  	s4 =	sand.u32 $0x3FFFFF80, s1  }
0x21f: {  	s4 =	sadd.s32 s4, s31  }
0x220: {  	v1 =	vld [tilespmem:s4+$0x0];
	_ =	sdelay $0x4  }
0x221: {  	v2 =	vand.u32 $0x7, v1  }
0x222: {  	v3 =	vshll.u32 v1, $0x3;
	v2 =	vadd.s32 v0, v2  }
0x223: {  	v3 =	vand.u32 $0x7FFC0, v3;
	vm0 =	vlt.u32 v2, $0x40  }
0x224: {  	v2 =	vadd.s32 v2, v3;
	_ =	sdelay $0x3  }
0x225: {  	v1 =	vand.u32 $0xFFFF0000, v1  }
0x226: {  	[tilespmem:v2+s17+$0x0] =	vst.idx.add.f32.msk vm0, v1  }
0x227: {  	v1 =	vld [tilespmem:s0+$0xFFFFFFF0];
	_ =	sdelay $0x4  }
0x228: {  	v2 =	vand.u32 $0x7, v1  }
0x229: {  	v3 =	vshll.u32 v1, $0x3;
	v2 =	vadd.s32 v0, v2  }
0x22a: {  	v3 =	vand.u32 $0x7FFC0, v3;
	vm14 =	vlt.u32 v2, $0x40  }
0x22b: {  	v2 =	vadd.s32 v2, v3;
	_ =	sdelay $0x3  }
0x22c: {  	v1 =	vand.u32 $0xFFFF0000, v1  }
0x22d: {  	[tilespmem:v2+s17+$0x0] =	vst.idx.add.f32.msk vm14, v1  }
0x22e: {  	v1 =	vld [tilespmem:s0+$0x0];
	_ =	sdelay $0x4  }
0x22f: {  	v2 =	vand.u32 $0x7, v1  }
0x230: {  	v3 =	vshll.u32 v1, $0x3;
	v2 =	vadd.s32 v0, v2  }
0x231: {  	v3 =	vand.u32 $0x7FFC0, v3;
	vm15 =	vlt.u32 v2, $0x40  }
0x232: {  	p2 =	sne.s32 s13, $0x60;
	v2 =	vadd.s32 v2, v3  }
.Ltmp15:
0x233: {  	_ = 	snop;
	(pc) =	sbr.rel @p2 .LBB2_29-.Ltmp15, $3  }
0x234: {  	_ =	sdelay $0x1  }
0x235: {  	s1 =	sadd.s32 $0x30, s1;
	v1 =	vand.u32 $0xFFFF0000, v1  }
0x236: {  	s13 =	sadd.s32 $0x30, s13;
	s31 =	sadd.s32 $0x30, s31;
	s0 =	sadd.s32 $0x30, s0;
	[tilespmem:v2+s17+$0x0] =	vst.idx.add.f32.msk vm15, v1  }
0x237: {  	p2 =	slt.u32 s26, $0x42  }
.Ltmp16:
0x238: {  	_ = 	snop;
	(pc) =	sbr.rel @p2 .LBB2_22-.Ltmp16, $3  }
0x239: {  	_ =	sdelay $0x1  }
0x23a: {  	s0 =	sadd.s32 $0x2, s26;
	s28 =	sadd.s32 $0x500, s28;
	s29 =	sadd.s32 $0x500, s29  }
0x23b: {  	s25 =	sadd.s32 $0x500, s25;
	s30 =	sadd.s32 $0x500, s30;
	s26 =	smov.u32 s0  }
0x23c: {  	s25 =	simm.s32 $0x400  }
0x23d: {  	[hbm4b:s11+s21] =	stream.strided.scatter [tilespmem:s17], [sflag:$0x3], $0x8080, s25, s21, $0x38;
	[tilespmem:$0x1D480] =	vst v63  }
0x23e: {  	_ =	swait.ge [sflag:s18], $0x8080  }
0x23f: {  	[sflag:s18] =	ssyncset.done $0x0  }
0x240: {  	s26 =	simm.s32 $0x0;
	[sflag:s18] =	ssyncadd.s32 $0xFFFF7F80  }
0x241: {  	[tilespmem:s17], [sflag:$0x3] =	stream.linear.gather [hbm4b:s2+s26], $0x8080, $0x38;
	[tilespmem:$0x1D480] =	vst v63  }
0x242: {  	_ =	swait.ge [sflag:s18], $0x8080  }
0x243: {  	[sflag:s18] =	ssyncset.done $0x0  }
0x244: {  	[sflag:s18] =	ssyncadd.s32 $0xFFFF7F80  }
0x245: {  	_ =	swait.ge [sflag:s22], $0xAA00  }
0x246: {  	s28 =	simm.s32 $0x180;
	[sflag:s22] =	ssyncset.done $0x0  }
0x247: {  	s29 =	simm.s32 $0xABA0;
	s30 =	simm.s32 $0xAE20;
	[sflag:s22] =	ssyncadd.s32 $0xFFFF5600  }
.LBB2_32:
0x248: {  	s31 =	smul.u32 $0x280, s26  }
0x249: {  	s1 =	sadd.s32 $0xFFFFFFFB, s26  }
0x24a: {  	p2 =	por $0x1, $0x1;
	s15 =	simm.s32 $0x0;
	v0 =	vmov s1;
	s0 =	sadd.s32 $0xAA00, s31;
	v1 =	vmov s31  }
.LBB2_33:
0x24b: {  	s1 =	sand.u32 $0x80, s15  }
0x24c: {  	s4 =	sand.u32 $0x40, s15;
	s1 =	sadd.s32 s1, s0  }
0x24d: {  	s14 =	sadd.s32 s4, s1;
	s4 =	sor.u32 $0x30, s15  }
0x24e: {  	s13 =	sand.u32 $0x1FF80, s31;
	s1 =	sadd.s32 $0x60, s15;
	v2 =	vld [tilespmem:s14+$0x0];
	s19 =	sand.u32 $0x1FFF0, s4  }
0x24f: {  	s23 =	sadd.s32 s31, s1;
	s13 =	sor.u32 s13, s19  }
0x250: {  	s15 =	sadd.s32 $0x90, s15;
	s19 =	sand.u32 $0x3FF80, s23;
	s23 =	sand.u32 $0x60, s1;
	v3 =	vld [tilespmem:s13+$0xAA00]  }
0x251: {  	s19 =	sor.u32 s23, s19;
	s23 =	sadd.s32 s31, s15  }
0x252: {  	v4 =	vld [tilespmem:s19+$0xAA00];
	s13 =	sand.u32 $0x3FF80, s23;
	s23 =	sand.u32 $0x50, s15  }
0x253: {  	s13 =	sor.u32 s23, s13;
	v5 =	vand.u32 $0x7, v2  }
0x254: {  	v6 =	vand.u32 $0xFFFF0000, v2;
	v2 =	vshll.u32 v2, $0x3;
	v7 =	vld [tilespmem:s13+$0xAA00];
	v5 =	vadd.s32 v0, v5  }
0x255: {  	v2 =	vand.u32 $0x7FFC0, v2;
	vm0 =	vlt.u32 v5, $0x40;
	v8 =	vand.u32 $0x7, v3  }
0x256: {  	v2 =	vadd.s32 v5, v2;
	v36 =	vshll.u32 v3, $0x3;
	v35 =	vadd.s32 v0, v8  }
0x257: {  	v8 =	vand.u32 $0x7FFC0, v36;
	v9 =	vand.u32 $0x7, v4;
	vm1 =	vlt.u32 v35, $0x40  }
0x258: {  	v38 =	vshll.u32 v4, $0x3;
	v5 =	vadd.s32 v35, v8;
	v37 =	vadd.s32 v0, v9  }
0x259: {  	v9 =	vand.u32 $0x7FFC0, v38;
	vm2 =	vlt.u32 v37, $0x40;
	v10 =	vand.u32 $0x7, v7  }
0x25a: {  	v8 =	vadd.s32 v37, v9;
	v40 =	vshll.u32 v7, $0x3;
	v39 =	vadd.s32 v0, v10  }
0x25b: {  	vm8 =	vlt.u32 v39, $0x40;
	[tilespmem:v2+s17+$0x0] =	vst.idx.add.f32.msk vm0, v6;
	v2 =	vand.u32 $0x7FFC0, v40  }
0x25c: {  	v3 =	vand.u32 $0xFFFF0000, v3;
	v6 =	vld [tilespmem:s14+$0x10];
	v2 =	vadd.s32 v39, v2  }
0x25d: {  	s4 =	sor.u32 s31, s4;
	[tilespmem:v5+s17+$0x0] =	vst.idx.add.f32.msk vm1, v3  }
0x25e: {  	v4 =	vand.u32 $0xFFFF0000, v4;
	v3 =	vld [tilespmem:s4+$0xAA10]  }
0x25f: {  	[tilespmem:v8+s17+$0x0] =	vst.idx.add.f32.msk vm2, v4  }
0x260: {  	v41 =	vand.u32 $0xFFFF0000, v7;
	v4 =	vld [tilespmem:s19+$0xAA10]  }
0x261: {  	v42 =	vand.u32 $0x7, v6;
	[tilespmem:v2+s17+$0x0] =	vst.idx.add.f32.msk vm8, v41  }
0x262: {  	v43 =	vand.u32 $0xFFFF0000, v6;
	v6 =	vshll.u32 v6, $0x3;
	v2 =	vld.idx.msk [tilespmem:v1+s15+$0xAA10 ss:$0x1], $0xffff;
	v7 =	vadd.s32 v0, v42  }
0x263: {  	v6 =	vand.u32 $0x7FFC0, v6;
	vm9 =	vlt.u32 v7, $0x40;
	v44 =	vand.u32 $0x7, v3  }
0x264: {  	v6 =	vadd.s32 v7, v6;
	v46 =	vshll.u32 v3, $0x3;
	v45 =	vadd.s32 v0, v44  }
0x265: {  	v8 =	vand.u32 $0x7FFC0, v46;
	v47 =	vand.u32 $0x7, v4;
	vm10 =	vlt.u32 v45, $0x40  }
0x266: {  	v49 =	vshll.u32 v4, $0x3;
	v7 =	vadd.s32 v45, v8;
	v48 =	vadd.s32 v0, v47  }
0x267: {  	v9 =	vand.u32 $0x7FFC0, v49;
	vm11 =	vlt.u32 v48, $0x40;
	v50 =	vand.u32 $0x7, v2  }
0x268: {  	v8 =	vadd.s32 v48, v9;
	v52 =	vshll.u32 v2, $0x3;
	v51 =	vadd.s32 v0, v50  }
0x269: {  	v53 =	vand.u32 $0x7FFC0, v52;
	[tilespmem:v6+s17+$0x0] =	vst.idx.add.f32.msk vm9, v43;
	vm12 =	vlt.u32 v51, $0x40  }
0x26a: {  	v3 =	vand.u32 $0xFFFF0000, v3;
	v5 =	vadd.s32 v51, v53;
	v6 =	vld [tilespmem:s14+$0x20]  }
0x26b: {  	[tilespmem:v7+s17+$0x0] =	vst.idx.add.f32.msk vm10, v3  }
0x26c: {  	v4 =	vand.u32 $0xFFFF0000, v4;
	v3 =	vld [tilespmem:s4+$0xAA20]  }
0x26d: {  	[tilespmem:v8+s17+$0x0] =	vst.idx.add.f32.msk vm11, v4  }
0x26e: {  	v2 =	vand.u32 $0xFFFF0000, v2;
	v4 =	vld.idx.msk [tilespmem:v1+s1+$0xAA20 ss:$0x1], $0xffff  }
0x26f: {  	v54 =	vand.u32 $0x7, v6;
	[tilespmem:v5+s17+$0x0] =	vst.idx.add.f32.msk vm12, v2  }
0x270: {  	v55 =	vshll.u32 v6, $0x3;
	v2 =	vadd.s32 v0, v54;
	v56 =	vld [tilespmem:s13+$0xAA20]  }
0x271: {  	v5 =	vand.u32 $0x7FFC0, v55;
	vm13 =	vlt.u32 v2, $0x40  }
0x272: {  	v2 =	vadd.s32 v2, v5;
	v57 =	vand.u32 $0x7, v3;
	v58 =	vshll.u32 v3, $0x3  }
0x273: {  	v5 =	vadd.s32 v0, v57;
	v8 =	vand.u32 $0x7FFC0, v58;
	v59 =	vand.u32 $0x7, v4  }
0x274: {  	v61 =	vshll.u32 v4, $0x3;
	vm14 =	vlt.u32 v5, $0x40;
	v5 =	vadd.s32 v5, v8  }
0x275: {  	v60 =	vadd.s32 v0, v59;
	v9 =	vand.u32 $0x7FFC0, v61;
	v62 =	vand.u32 $0x7, v56  }
0x276: {  	vm15 =	vlt.u32 v60, $0x40;
	v11 =	vshll.u32 v56, $0x3;
	v10 =	vadd.s32 v0, v62  }
0x277: {  	v8 =	vadd.s32 v60, v9;
	v63 =	vand.u32 $0x7FFC0, v11;
	vm3 =	vlt.u32 v10, $0x40  }
0x278: {  	p3 =	por p2, p2;
	v9 =	vadd.s32 v10, v63  }
.Ltmp17:
0x279: {  	v6 =	vand.u32 $0xFFFF0000, v6;
	(pc) =	sbr.rel @p3 .LBB2_33-.Ltmp17, $4  }
0x27a: {  	[tilespmem:v2+s17+$0x0] =	vst.idx.add.f32.msk vm13, v6;
	v2 =	vand.u32 $0xFFFF0000, v3  }
0x27b: {  	[tilespmem:v5+s17+$0x0] =	vst.idx.add.f32.msk vm14, v2;
	v2 =	vand.u32 $0xFFFF0000, v4  }
0x27c: {  	p2 =	por $0x0, $0x0;
	[tilespmem:v8+s17+$0x0] =	vst.idx.add.f32.msk vm15, v2;
	v2 =	vand.u32 $0xFFFF0000, v56  }
0x27d: {  	s15 =	simm.s32 $0xC0;
	s1 =	simm.s32 $0x0;
	s13 =	simm.s32 $0xAA00;
	[tilespmem:v9+s17+$0x0] =	vst.idx.add.f32.msk vm3, v2  }
0x27e: {  	s0 =	smov.u32 s29;
	s14 =	smov.u32 s28  }
.LBB2_35:
0x27f: {  	s4 =	sand.u32 $0x3FFFFF80, s14  }
0x280: {  	s4 =	sadd.s32 s4, s13  }
0x281: {  	v1 =	vld [tilespmem:s4+$0x0];
	_ =	sdelay $0x4  }
0x282: {  	v2 =	vand.u32 $0x7, v1  }
0x283: {  	v3 =	vshll.u32 v1, $0x3;
	v2 =	vadd.s32 v0, v2  }
0x284: {  	v3 =	vand.u32 $0x7FFC0, v3;
	vm0 =	vlt.u32 v2, $0x40  }
0x285: {  	v2 =	vadd.s32 v2, v3;
	_ =	sdelay $0x3  }
0x286: {  	v1 =	vand.u32 $0xFFFF0000, v1  }
0x287: {  	[tilespmem:v2+s17+$0x0] =	vst.idx.add.f32.msk vm0, v1  }
0x288: {  	v1 =	vld [tilespmem:s0+$0xFFFFFFF0];
	_ =	sdelay $0x4  }
0x289: {  	v2 =	vand.u32 $0x7, v1  }
0x28a: {  	v3 =	vshll.u32 v1, $0x3;
	v2 =	vadd.s32 v0, v2  }
0x28b: {  	v3 =	vand.u32 $0x7FFC0, v3;
	vm14 =	vlt.u32 v2, $0x40  }
0x28c: {  	v2 =	vadd.s32 v2, v3;
	_ =	sdelay $0x3  }
0x28d: {  	v1 =	vand.u32 $0xFFFF0000, v1  }
0x28e: {  	[tilespmem:v2+s17+$0x0] =	vst.idx.add.f32.msk vm14, v1  }
0x28f: {  	v1 =	vld [tilespmem:s0+$0x0];
	_ =	sdelay $0x4  }
0x290: {  	v2 =	vand.u32 $0x7, v1  }
0x291: {  	v3 =	vshll.u32 v1, $0x3;
	v2 =	vadd.s32 v0, v2  }
0x292: {  	v3 =	vand.u32 $0x7FFC0, v3;
	vm15 =	vlt.u32 v2, $0x40  }
0x293: {  	p2 =	sne.s32 s1, $0x60;
	v2 =	vadd.s32 v2, v3  }
.Ltmp18:
0x294: {  	_ = 	snop;
	(pc) =	sbr.rel @p2 .LBB2_35-.Ltmp18, $3  }
0x295: {  	_ =	sdelay $0x1  }
0x296: {  	s14 =	sadd.s32 $0x30, s14;
	v1 =	vand.u32 $0xFFFF0000, v1  }
0x297: {  	s1 =	sadd.s32 $0x30, s1;
	s13 =	sadd.s32 $0x30, s13;
	s0 =	sadd.s32 $0x30, s0;
	[tilespmem:v2+s17+$0x0] =	vst.idx.add.f32.msk vm15, v1  }
0x298: {  	s0 =	sadd.s32 $0x280, s31;
	s1 =	sadd.s32 $0xFFFFFFFC, s26  }
0x299: {  	s31 =	simm.s32 $0x0;
	p2 =	por $0x1, $0x1;
	s15 =	simm.s32 $0x0;
	v0 =	vmov s1;
	v1 =	vmov s0  }
.LBB2_37:
0x29a: {  	s1 =	sadd.s32 s0, s15  }
0x29b: {  	s13 =	sand.u32 $0x40, s15;
	s4 =	sand.u32 $0x3FF80, s1;
	s1 =	sor.u32 $0x30, s15  }
0x29c: {  	s13 =	sor.u32 s13, s4;
	s19 =	sadd.s32 s0, s1  }
0x29d: {  	s14 =	sadd.s32 $0x60, s15;
	v2 =	vld [tilespmem:s13+$0xAA00];
	s4 =	sand.u32 $0x3FF80, s19;
	s19 =	sand.u32 $0x70, s1  }
0x29e: {  	s23 =	sadd.s32 s0, s14;
	s4 =	sor.u32 s19, s4  }
0x29f: {  	s19 =	sand.u32 $0x60, s14;
	v3 =	vld [tilespmem:s4+$0xAA00];
	s4 =	sand.u32 $0x3FF80, s23;
	s23 =	sadd.s32 $0x90, s15  }
0x2a0: {  	s4 =	sor.u32 s19, s4;
	s15 =	sadd.s32 s0, s23  }
0x2a1: {  	s19 =	sand.u32 $0x50, s23;
	v4 =	vld [tilespmem:s4+$0xAA00];
	s15 =	sand.u32 $0x3FF80, s15  }
0x2a2: {  	s15 =	sor.u32 s19, s15;
	v5 =	vand.u32 $0x7, v2  }
0x2a3: {  	v6 =	vand.u32 $0xFFFF0000, v2;
	v2 =	vshll.u32 v2, $0x3;
	v5 =	vadd.s32 v0, v5;
	v7 =	vld [tilespmem:s15+$0xAA00]  }
0x2a4: {  	v2 =	vand.u32 $0x7FFC0, v2;
	vm0 =	vlt.u32 v5, $0x40;
	v8 =	vand.u32 $0x7, v3  }
0x2a5: {  	v2 =	vadd.s32 v5, v2;
	v36 =	vshll.u32 v3, $0x3;
	v35 =	vadd.s32 v0, v8  }
0x2a6: {  	v8 =	vand.u32 $0x7FFC0, v36;
	vm1 =	vlt.u32 v35, $0x40;
	v9 =	vand.u32 $0x7, v4  }
0x2a7: {  	v5 =	vadd.s32 v35, v8;
	v38 =	vshll.u32 v4, $0x3;
	v37 =	vadd.s32 v0, v9  }
0x2a8: {  	v9 =	vand.u32 $0x7FFC0, v38;
	vm2 =	vlt.u32 v37, $0x40;
	v10 =	vand.u32 $0x7, v7  }
0x2a9: {  	v8 =	vadd.s32 v37, v9;
	v40 =	vshll.u32 v7, $0x3;
	v39 =	vadd.s32 v0, v10  }
0x2aa: {  	[tilespmem:v2+s17+$0x0] =	vst.idx.add.f32.msk vm0, v6;
	vm8 =	vlt.u32 v39, $0x40;
	v2 =	vand.u32 $0x7FFC0, v40  }
0x2ab: {  	v3 =	vand.u32 $0xFFFF0000, v3;
	v6 =	vld [tilespmem:s13+$0xAA10];
	v2 =	vadd.s32 v39, v2  }
0x2ac: {  	[tilespmem:v5+s17+$0x0] =	vst.idx.add.f32.msk vm1, v3  }
0x2ad: {  	v4 =	vand.u32 $0xFFFF0000, v4;
	v3 =	vld.idx.msk [tilespmem:v1+s1+$0xAA10 ss:$0x1], $0xffff  }
0x2ae: {  	[tilespmem:v8+s17+$0x0] =	vst.idx.add.f32.msk vm2, v4  }
0x2af: {  	v41 =	vand.u32 $0xFFFF0000, v7;
	v4 =	vld [tilespmem:s4+$0xAA10]  }
0x2b0: {  	v42 =	vand.u32 $0x7, v6;
	[tilespmem:v2+s17+$0x0] =	vst.idx.add.f32.msk vm8, v41  }
0x2b1: {  	v43 =	vand.u32 $0xFFFF0000, v6;
	v6 =	vshll.u32 v6, $0x3;
	v2 =	vld.idx.msk [tilespmem:v1+s23+$0xAA10 ss:$0x1], $0xffff;
	v7 =	vadd.s32 v0, v42  }
0x2b2: {  	v6 =	vand.u32 $0x7FFC0, v6;
	vm9 =	vlt.u32 v7, $0x40;
	v44 =	vand.u32 $0x7, v3  }
0x2b3: {  	v6 =	vadd.s32 v7, v6;
	v46 =	vshll.u32 v3, $0x3;
	v45 =	vadd.s32 v0, v44  }
0x2b4: {  	v8 =	vand.u32 $0x7FFC0, v46;
	vm10 =	vlt.u32 v45, $0x40;
	v47 =	vand.u32 $0x7, v4  }
0x2b5: {  	v7 =	vadd.s32 v45, v8;
	v49 =	vshll.u32 v4, $0x3;
	v48 =	vadd.s32 v0, v47  }
0x2b6: {  	v9 =	vand.u32 $0x7FFC0, v49;
	vm11 =	vlt.u32 v48, $0x40;
	v50 =	vand.u32 $0x7, v2  }
0x2b7: {  	v8 =	vadd.s32 v48, v9;
	v52 =	vshll.u32 v2, $0x3;
	v51 =	vadd.s32 v0, v50  }
0x2b8: {  	v53 =	vand.u32 $0x7FFC0, v52;
	[tilespmem:v6+s17+$0x0] =	vst.idx.add.f32.msk vm9, v43;
	vm12 =	vlt.u32 v51, $0x40  }
0x2b9: {  	v3 =	vand.u32 $0xFFFF0000, v3;
	v5 =	vadd.s32 v51, v53;
	v6 =	vld [tilespmem:s13+$0xAA20]  }
0x2ba: {  	[tilespmem:v7+s17+$0x0] =	vst.idx.add.f32.msk vm10, v3  }
0x2bb: {  	v4 =	vand.u32 $0xFFFF0000, v4;
	v3 =	vld.idx.msk [tilespmem:v1+s1+$0xAA20 ss:$0x1], $0xffff  }
0x2bc: {  	[tilespmem:v8+s17+$0x0] =	vst.idx.add.f32.msk vm11, v4  }
0x2bd: {  	v2 =	vand.u32 $0xFFFF0000, v2;
	v4 =	vld.idx.msk [tilespmem:v1+s14+$0xAA20 ss:$0x1], $0xffff  }
0x2be: {  	v54 =	vand.u32 $0x7, v6;
	[tilespmem:v5+s17+$0x0] =	vst.idx.add.f32.msk vm12, v2  }
0x2bf: {  	v55 =	vshll.u32 v6, $0x3;
	v2 =	vadd.s32 v0, v54;
	v56 =	vld [tilespmem:s15+$0xAA20]  }
0x2c0: {  	v5 =	vand.u32 $0x7FFC0, v55;
	vm13 =	vlt.u32 v2, $0x40  }
0x2c1: {  	v2 =	vadd.s32 v2, v5;
	v57 =	vand.u32 $0x7, v3;
	v58 =	vshll.u32 v3, $0x3  }
0x2c2: {  	v5 =	vadd.s32 v0, v57;
	v8 =	vand.u32 $0x7FFC0, v58;
	v59 =	vand.u32 $0x7, v4  }
0x2c3: {  	vm14 =	vlt.u32 v5, $0x40;
	v5 =	vadd.s32 v5, v8;
	v61 =	vshll.u32 v4, $0x3  }
0x2c4: {  	v60 =	vadd.s32 v0, v59;
	v9 =	vand.u32 $0x7FFC0, v61;
	v62 =	vand.u32 $0x7, v56  }
0x2c5: {  	vm15 =	vlt.u32 v60, $0x40;
	v11 =	vshll.u32 v56, $0x3;
	v10 =	vadd.s32 v0, v62  }
0x2c6: {  	v8 =	vadd.s32 v60, v9;
	v63 =	vand.u32 $0x7FFC0, v11;
	vm3 =	vlt.u32 v10, $0x40  }
0x2c7: {  	p3 =	por p2, p2;
	v9 =	vadd.s32 v10, v63  }
.Ltmp19:
0x2c8: {  	v6 =	vand.u32 $0xFFFF0000, v6;
	(pc) =	sbr.rel @p3 .LBB2_37-.Ltmp19, $4  }
0x2c9: {  	[tilespmem:v2+s17+$0x0] =	vst.idx.add.f32.msk vm13, v6;
	v2 =	vand.u32 $0xFFFF0000, v3  }
0x2ca: {  	[tilespmem:v5+s17+$0x0] =	vst.idx.add.f32.msk vm14, v2;
	v2 =	vand.u32 $0xFFFF0000, v4  }
0x2cb: {  	[tilespmem:v8+s17+$0x0] =	vst.idx.add.f32.msk vm15, v2;
	v2 =	vand.u32 $0xFFFF0000, v56  }
0x2cc: {  	p2 =	por $0x0, $0x0;
	s1 =	simm.s32 $0xAA00;
	s15 =	simm.s32 $0xC0;
	[tilespmem:v9+s17+$0x0] =	vst.idx.add.f32.msk vm3, v2  }
0x2cd: {  	s0 =	smov.u32 s30;
	s13 =	smov.u32 s25  }
.LBB2_39:
0x2ce: {  	s4 =	sand.u32 $0x3FFFFF80, s13  }
0x2cf: {  	s4 =	sadd.s32 s4, s1  }
0x2d0: {  	v1 =	vld [tilespmem:s4+$0x0];
	_ =	sdelay $0x4  }
0x2d1: {  	v2 =	vand.u32 $0x7, v1  }
0x2d2: {  	v3 =	vshll.u32 v1, $0x3;
	v2 =	vadd.s32 v0, v2  }
0x2d3: {  	v3 =	vand.u32 $0x7FFC0, v3;
	vm0 =	vlt.u32 v2, $0x40  }
0x2d4: {  	v2 =	vadd.s32 v2, v3;
	_ =	sdelay $0x3  }
0x2d5: {  	v1 =	vand.u32 $0xFFFF0000, v1  }
0x2d6: {  	[tilespmem:v2+s17+$0x0] =	vst.idx.add.f32.msk vm0, v1  }
0x2d7: {  	v1 =	vld [tilespmem:s0+$0xFFFFFFF0];
	_ =	sdelay $0x4  }
0x2d8: {  	v2 =	vand.u32 $0x7, v1  }
0x2d9: {  	v3 =	vshll.u32 v1, $0x3;
	v2 =	vadd.s32 v0, v2  }
0x2da: {  	v3 =	vand.u32 $0x7FFC0, v3;
	vm14 =	vlt.u32 v2, $0x40  }
0x2db: {  	v2 =	vadd.s32 v2, v3;
	_ =	sdelay $0x3  }
0x2dc: {  	v1 =	vand.u32 $0xFFFF0000, v1  }
0x2dd: {  	[tilespmem:v2+s17+$0x0] =	vst.idx.add.f32.msk vm14, v1  }
0x2de: {  	v1 =	vld [tilespmem:s0+$0x0];
	_ =	sdelay $0x4  }
0x2df: {  	v2 =	vand.u32 $0x7, v1  }
0x2e0: {  	v3 =	vshll.u32 v1, $0x3;
	v2 =	vadd.s32 v0, v2  }
0x2e1: {  	v3 =	vand.u32 $0x7FFC0, v3;
	vm15 =	vlt.u32 v2, $0x40  }
0x2e2: {  	p2 =	sne.s32 s31, $0x60;
	v2 =	vadd.s32 v2, v3  }
.Ltmp20:
0x2e3: {  	_ = 	snop;
	(pc) =	sbr.rel @p2 .LBB2_39-.Ltmp20, $3  }
0x2e4: {  	_ =	sdelay $0x1  }
0x2e5: {  	s13 =	sadd.s32 $0x30, s13;
	v1 =	vand.u32 $0xFFFF0000, v1  }
0x2e6: {  	s31 =	sadd.s32 $0x30, s31;
	s1 =	sadd.s32 $0x30, s1;
	s0 =	sadd.s32 $0x30, s0;
	[tilespmem:v2+s17+$0x0] =	vst.idx.add.f32.msk vm15, v1  }
0x2e7: {  	p2 =	slt.u32 s26, $0x42  }
.Ltmp21:
0x2e8: {  	_ = 	snop;
	(pc) =	sbr.rel @p2 .LBB2_32-.Ltmp21, $3  }
0x2e9: {  	_ =	sdelay $0x1  }
0x2ea: {  	s0 =	sadd.s32 $0x2, s26;
	s28 =	sadd.s32 $0x500, s28;
	s29 =	sadd.s32 $0x500, s29  }
0x2eb: {  	s25 =	sadd.s32 $0x500, s25;
	s30 =	sadd.s32 $0x500, s30;
	s26 =	smov.u32 s0  }
.Ltmp22:
0x2ec: {  	s0 =	simm.s32 $0x400;
	(pc) =	sbr.rel @p0 .LBB2_56-.Ltmp22, $4  }
0x2ed: {  	[hbm4b:s12+s21] =	stream.strided.scatter [tilespmem:s17], [sflag:$0x3], $0x8080, s0, s21, $0x38;
	[tilespmem:$0x1D480] =	vst v63  }
0x2ee: {  	_ =	swait.ge [sflag:s18], $0x8080  }
0x2ef: {  	[sflag:s18] =	ssyncset.done $0x0  }
0x2f0: {  	[sflag:s18] =	ssyncadd.s32 $0xFFFF7F80  }
.Ltmp23:
0x2f1: {  	(pc) =	sbr.rel @p1 .LBB2_58-.Ltmp23, $1  }
0x2f2: {  	_ =	sdelay $0x3  }
0x2f3: {  	s26 =	simm.s32 $0x0  }
0x2f4: {  	[tilespmem:s17], [sflag:$0x3] =	stream.linear.gather [hbm4b:s2+s26], $0x8080, $0x38;
	[tilespmem:$0x1D480] =	vst v63  }
0x2f5: {  	_ =	swait.ge [sflag:s18], $0x8080  }
0x2f6: {  	[sflag:s18] =	ssyncset.done $0x0  }
0x2f7: {  	s0 =	rddreg [dreg:$0x5];
	[sflag:s18] =	ssyncadd.s32 $0xFFFF7F80  }
0x2f8: {  	[tilespmem:s26], [sflag:$0x3] =	stream.linear.gather [hbm4b:s0+s26], $0xC80, $0x38;
	[tilespmem:$0x1D480] =	vst v63  }
0x2f9: {  	_ =	swait.ge [sflag:s18], $0xC80  }
0x2fa: {  	[sflag:s18] =	ssyncset.done $0x0  }
0x2fb: {  	p4 =	por $0x1, $0x1;
	[sflag:s18] =	ssyncadd.s32 $0xFFFFF380  }
.LBB2_44:
0x2fc: {  	s25 =	smul.u32 $0x280, s26  }
0x2fd: {  	s0 =	sadd.s32 $0xFFFFFFFB, s26  }
0x2fe: {  	p2 =	por p4, p4;
	p3 =	por $0x1, $0x1;
	s13 =	simm.s32 $0x0;
	v0 =	vmov s0;
	v1 =	vmov s25  }
.LBB2_45:
0x2ff: {  	s0 =	sand.u32 $0x80, s13  }
0x300: {  	s1 =	sand.u32 $0x40, s13;
	s4 =	sor.u32 $0x30, s13;
	s0 =	sadd.s32 s0, s25  }
0x301: {  	s14 =	sand.u32 $0x780, s25;
	s15 =	sand.u32 $0x7F0, s4;
	s1 =	sadd.s32 s1, s0  }
0x302: {  	s14 =	sor.u32 s14, s15;
	v2 =	vld [tilespmem:s1+$0x0]  }
0x303: {  	s23 =	sadd.s32 $0x60, s13;
	v3 =	vld [tilespmem:s14+$0x0]  }
0x304: {  	s28 =	sadd.s32 s25, s23  }
0x305: {  	s30 =	sand.u32 $0x60, s23;
	s29 =	sand.u32 $0xF80, s28  }
0x306: {  	s19 =	sadd.s32 $0x90, s13;
	s14 =	sor.u32 s30, s29  }
0x307: {  	s13 =	sadd.s32 s25, s19;
	v4 =	vld [tilespmem:s14+$0x0];
	v5 =	vand.u32 $0x7, v2;
	v6 =	vand.u32 $0xFFFF0000, v2;
	v2 =	vshll.u32 v2, $0x3  }
0x308: {  	s31 =	sand.u32 $0x50, s19;
	s13 =	sand.u32 $0xF80, s13;
	v8 =	vand.u32 $0x7, v3;
	v36 =	vshll.u32 v3, $0x3;
	v5 =	vadd.s32 v0, v5  }
0x309: {  	s13 =	sor.u32 s31, s13;
	v2 =	vand.u32 $0x7FFC0, v2;
	v35 =	vadd.s32 v0, v8;
	vm0 =	vlt.u32 v5, $0x40  }
0x30a: {  	v7 =	vld [tilespmem:s13+$0x0];
	v8 =	vand.u32 $0x7FFC0, v36;
	v2 =	vadd.s32 v5, v2;
	vm1 =	vlt.u32 v35, $0x40  }
0x30b: {  	v5 =	vadd.s32 v35, v8  }
0x30c: {  	v9 =	vand.u32 $0x7, v4  }
0x30d: {  	v38 =	vshll.u32 v4, $0x3;
	v37 =	vadd.s32 v0, v9  }
0x30e: {  	v9 =	vand.u32 $0x7FFC0, v38;
	vm2 =	vlt.u32 v37, $0x40  }
0x30f: {  	v3 =	vand.u32 $0xFFFF0000, v3;
	v10 =	vand.u32 $0x7, v7;
	v8 =	vadd.s32 v37, v9;
	[tilespmem:v2+s17+$0x0] =	vst.idx.add.f32.msk vm0, v6  }
0x310: {  	v40 =	vshll.u32 v7, $0x3;
	v39 =	vadd.s32 v0, v10;
	[tilespmem:v5+s17+$0x0] =	vst.idx.add.f32.msk vm1, v3  }
0x311: {  	s4 =	sor.u32 s25, s4;
	vm8 =	vlt.u32 v39, $0x40;
	v2 =	vand.u32 $0x7FFC0, v40;
	v6 =	vld [tilespmem:s1+$0x10]  }
0x312: {  	v2 =	vadd.s32 v39, v2;
	v3 =	vld [tilespmem:s4+$0x10]  }
0x313: {  	v4 =	vand.u32 $0xFFFF0000, v4  }
0x314: {  	[tilespmem:v8+s17+$0x0] =	vst.idx.add.f32.msk vm2, v4  }
0x315: {  	v41 =	vand.u32 $0xFFFF0000, v7;
	v4 =	vld [tilespmem:s14+$0x10]  }
0x316: {  	v42 =	vand.u32 $0x7, v6;
	v43 =	vand.u32 $0xFFFF0000, v6;
	v6 =	vshll.u32 v6, $0x3  }
0x317: {  	[tilespmem:v2+s17+$0x0] =	vst.idx.add.f32.msk vm8, v41;
	v44 =	vand.u32 $0x7, v3;
	v46 =	vshll.u32 v3, $0x3;
	v7 =	vadd.s32 v0, v42  }
0x318: {  	v2 =	vld.idx.msk [tilespmem:v1+s19+$0x10 ss:$0x1], $0xffff;
	v6 =	vand.u32 $0x7FFC0, v6;
	v45 =	vadd.s32 v0, v44;
	vm9 =	vlt.u32 v7, $0x40  }
0x319: {  	v8 =	vand.u32 $0x7FFC0, v46;
	v6 =	vadd.s32 v7, v6;
	vm10 =	vlt.u32 v45, $0x40  }
0x31a: {  	v47 =	vand.u32 $0x7, v4;
	v7 =	vadd.s32 v45, v8  }
0x31b: {  	v49 =	vshll.u32 v4, $0x3;
	v48 =	vadd.s32 v0, v47  }
0x31c: {  	v9 =	vand.u32 $0x7FFC0, v49;
	vm11 =	vlt.u32 v48, $0x40  }
0x31d: {  	v8 =	vadd.s32 v48, v9;
	v50 =	vand.u32 $0x7, v2  }
0x31e: {  	v3 =	vand.u32 $0xFFFF0000, v3;
	v52 =	vshll.u32 v2, $0x3;
	v51 =	vadd.s32 v0, v50;
	[tilespmem:v6+s17+$0x0] =	vst.idx.add.f32.msk vm9, v43  }
0x31f: {  	v53 =	vand.u32 $0x7FFC0, v52;
	vm12 =	vlt.u32 v51, $0x40;
	[tilespmem:v7+s17+$0x0] =	vst.idx.add.f32.msk vm10, v3  }
0x320: {  	v5 =	vadd.s32 v51, v53;
	v6 =	vld [tilespmem:s1+$0x20]  }
0x321: {  	v4 =	vand.u32 $0xFFFF0000, v4;
	v3 =	vld [tilespmem:s4+$0x20]  }
0x322: {  	[tilespmem:v8+s17+$0x0] =	vst.idx.add.f32.msk vm11, v4  }
0x323: {  	v4 =	vld.idx.msk [tilespmem:v1+s23+$0x20 ss:$0x1], $0xffff  }
0x324: {  	v2 =	vand.u32 $0xFFFF0000, v2  }
0x325: {  	[tilespmem:v5+s17+$0x0] =	vst.idx.add.f32.msk vm12, v2  }
0x326: {  	v54 =	vand.u32 $0x7, v6;
	v55 =	vshll.u32 v6, $0x3;
	v56 =	vld [tilespmem:s13+$0x20]  }
0x327: {  	v57 =	vand.u32 $0x7, v3;
	v58 =	vshll.u32 v3, $0x3;
	v2 =	vadd.s32 v0, v54  }
0x328: {  	v5 =	vand.u32 $0x7FFC0, v55;
	v8 =	vand.u32 $0x7FFC0, v58;
	v59 =	vand.u32 $0x7, v4  }
0x329: {  	v61 =	vshll.u32 v4, $0x3;
	vm13 =	vlt.u32 v2, $0x40;
	v2 =	vadd.s32 v2, v5  }
0x32a: {  	v5 =	vadd.s32 v0, v57;
	v60 =	vadd.s32 v0, v59;
	v9 =	vand.u32 $0x7FFC0, v61  }
0x32b: {  	vm14 =	vlt.u32 v5, $0x40;
	v5 =	vadd.s32 v5, v8;
	v62 =	vand.u32 $0x7, v56  }
0x32c: {  	vm15 =	vlt.u32 v60, $0x40;
	v11 =	vshll.u32 v56, $0x3;
	v10 =	vadd.s32 v0, v62  }
0x32d: {  	v8 =	vadd.s32 v60, v9;
	v63 =	vand.u32 $0x7FFC0, v11;
	vm3 =	vlt.u32 v10, $0x40  }
0x32e: {  	p4 =	por p3, p3;
	v9 =	vadd.s32 v10, v63  }
.Ltmp24:
0x32f: {  	v6 =	vand.u32 $0xFFFF0000, v6;
	(pc) =	sbr.rel @p4 .LBB2_45-.Ltmp24, $4  }
0x330: {  	[tilespmem:v2+s17+$0x0] =	vst.idx.add.f32.msk vm13, v6;
	v2 =	vand.u32 $0xFFFF0000, v3  }
0x331: {  	[tilespmem:v5+s17+$0x0] =	vst.idx.add.f32.msk vm14, v2;
	v2 =	vand.u32 $0xFFFF0000, v4  }
0x332: {  	[tilespmem:v8+s17+$0x0] =	vst.idx.add.f32.msk vm15, v2;
	v2 =	vand.u32 $0xFFFF0000, v56  }
0x333: {  	p3 =	por $0x0, $0x0;
	s13 =	simm.s32 $0xC0;
	[tilespmem:v9+s17+$0x0] =	vst.idx.add.f32.msk vm3, v2  }
0x334: {  	s1 =	smul.u32 $0xA00, s26;
	_ =	sdelay $0x1  }
0x335: {  	s0 =	sadd.s32 $0x180, s25;
	s28 =	sshra.s32 s1, $0x2  }
0x336: {  	s13 =	simm.s32 $0x0;
	s14 =	simm.s32 $0x0;
	s1 =	sadd.s32 $0x1A0, s28  }
.LBB2_47:
0x337: {  	s4 =	sand.u32 $0x3FFFFF80, s0  }
0x338: {  	s4 =	sadd.s32 s4, s13  }
0x339: {  	v1 =	vld [tilespmem:s4+$0x0];
	_ =	sdelay $0x4  }
0x33a: {  	v2 =	vand.u32 $0x7, v1  }
0x33b: {  	v3 =	vshll.u32 v1, $0x3;
	v2 =	vadd.s32 v0, v2  }
0x33c: {  	v3 =	vand.u32 $0x7FFC0, v3;
	vm0 =	vlt.u32 v2, $0x40  }
0x33d: {  	v2 =	vadd.s32 v2, v3;
	_ =	sdelay $0x3  }
0x33e: {  	v1 =	vand.u32 $0xFFFF0000, v1  }
0x33f: {  	[tilespmem:v2+s17+$0x0] =	vst.idx.add.f32.msk vm0, v1  }
0x340: {  	v1 =	vld [tilespmem:s1+$0xFFFFFFF0];
	_ =	sdelay $0x4  }
0x341: {  	v2 =	vand.u32 $0x7, v1  }
0x342: {  	v3 =	vshll.u32 v1, $0x3;
	v2 =	vadd.s32 v0, v2  }
0x343: {  	v3 =	vand.u32 $0x7FFC0, v3;
	vm14 =	vlt.u32 v2, $0x40  }
0x344: {  	v2 =	vadd.s32 v2, v3;
	_ =	sdelay $0x3  }
0x345: {  	v1 =	vand.u32 $0xFFFF0000, v1  }
0x346: {  	[tilespmem:v2+s17+$0x0] =	vst.idx.add.f32.msk vm14, v1  }
0x347: {  	v1 =	vld [tilespmem:s1+$0x0];
	_ =	sdelay $0x4  }
0x348: {  	v2 =	vand.u32 $0x7, v1  }
0x349: {  	v3 =	vshll.u32 v1, $0x3;
	v2 =	vadd.s32 v0, v2  }
0x34a: {  	v3 =	vand.u32 $0x7FFC0, v3;
	vm15 =	vlt.u32 v2, $0x40  }
0x34b: {  	p3 =	sne.s32 s14, $0x60;
	v2 =	vadd.s32 v2, v3  }
.Ltmp25:
0x34c: {  	_ = 	snop;
	(pc) =	sbr.rel @p3 .LBB2_47-.Ltmp25, $3  }
0x34d: {  	_ =	sdelay $0x1  }
0x34e: {  	s0 =	sadd.s32 $0x30, s0;
	v1 =	vand.u32 $0xFFFF0000, v1  }
0x34f: {  	s14 =	sadd.s32 $0x30, s14;
	s13 =	sadd.s32 $0x30, s13;
	s1 =	sadd.s32 $0x30, s1;
	[tilespmem:v2+s17+$0x0] =	vst.idx.add.f32.msk vm15, v1  }
0x350: {  	s0 =	sadd.s32 $0x280, s25;
	s1 =	sor.u32 $0xFFFFFFFC, s26  }
0x351: {  	s15 =	simm.s32 $0x0;
	p3 =	por $0x1, $0x1;
	v0 =	vmov s1;
	v1 =	vmov s0  }
.LBB2_49:
0x352: {  	s1 =	sadd.s32 s0, s15  }
0x353: {  	s13 =	sand.u32 $0x40, s15;
	s4 =	sand.u32 $0x1F80, s1;
	s1 =	sor.u32 $0x30, s15  }
0x354: {  	s13 =	sor.u32 s13, s4;
	s23 =	sadd.s32 s0, s1  }
0x355: {  	s14 =	sadd.s32 $0x60, s15;
	s19 =	sand.u32 $0x70, s1;
	v2 =	vld [tilespmem:s13+$0x0];
	s4 =	sand.u32 $0x1F80, s23  }
0x356: {  	s26 =	sadd.s32 s0, s14;
	s4 =	sor.u32 s19, s4  }
0x357: {  	s30 =	sand.u32 $0x60, s14;
	s29 =	sand.u32 $0x1F80, s26;
	s23 =	sadd.s32 $0x90, s15;
	v3 =	vld [tilespmem:s4+$0x0]  }
0x358: {  	s15 =	sadd.s32 s0, s23;
	s4 =	sor.u32 s30, s29  }
0x359: {  	s31 =	sand.u32 $0x50, s23;
	s15 =	sand.u32 $0x1F80, s15;
	v4 =	vld [tilespmem:s4+$0x0]  }
0x35a: {  	s15 =	sor.u32 s31, s15;
	v5 =	vand.u32 $0x7, v2  }
0x35b: {  	v7 =	vld [tilespmem:s15+$0x0];
	v6 =	vand.u32 $0xFFFF0000, v2;
	v2 =	vshll.u32 v2, $0x3;
	v5 =	vadd.s32 v0, v5  }
0x35c: {  	v2 =	vand.u32 $0x7FFC0, v2;
	vm0 =	vlt.u32 v5, $0x40;
	v8 =	vand.u32 $0x7, v3  }
0x35d: {  	v2 =	vadd.s32 v5, v2;
	v36 =	vshll.u32 v3, $0x3;
	v35 =	vadd.s32 v0, v8  }
0x35e: {  	v8 =	vand.u32 $0x7FFC0, v36;
	v9 =	vand.u32 $0x7, v4;
	vm1 =	vlt.u32 v35, $0x40  }
0x35f: {  	v38 =	vshll.u32 v4, $0x3;
	v5 =	vadd.s32 v35, v8;
	v37 =	vadd.s32 v0, v9  }
0x360: {  	v9 =	vand.u32 $0x7FFC0, v38;
	v10 =	vand.u32 $0x7, v7;
	vm2 =	vlt.u32 v37, $0x40  }
0x361: {  	v40 =	vshll.u32 v7, $0x3;
	v8 =	vadd.s32 v37, v9;
	v39 =	vadd.s32 v0, v10  }
0x362: {  	vm8 =	vlt.u32 v39, $0x40;
	[tilespmem:v2+s17+$0x0] =	vst.idx.add.f32.msk vm0, v6;
	v2 =	vand.u32 $0x7FFC0, v40  }
0x363: {  	v3 =	vand.u32 $0xFFFF0000, v3;
	v6 =	vld [tilespmem:s13+$0x10];
	v2 =	vadd.s32 v39, v2  }
0x364: {  	[tilespmem:v5+s17+$0x0] =	vst.idx.add.f32.msk vm1, v3  }
0x365: {  	v4 =	vand.u32 $0xFFFF0000, v4;
	v3 =	vld.idx.msk [tilespmem:v1+s1+$0x10 ss:$0x1], $0xffff  }
0x366: {  	[tilespmem:v8+s17+$0x0] =	vst.idx.add.f32.msk vm2, v4  }
0x367: {  	v41 =	vand.u32 $0xFFFF0000, v7;
	v4 =	vld [tilespmem:s4+$0x10]  }
0x368: {  	v42 =	vand.u32 $0x7, v6;
	[tilespmem:v2+s17+$0x0] =	vst.idx.add.f32.msk vm8, v41  }
0x369: {  	v43 =	vand.u32 $0xFFFF0000, v6;
	v6 =	vshll.u32 v6, $0x3;
	v2 =	vld.idx.msk [tilespmem:v1+s23+$0x10 ss:$0x1], $0xffff;
	v7 =	vadd.s32 v0, v42  }
0x36a: {  	v6 =	vand.u32 $0x7FFC0, v6;
	vm9 =	vlt.u32 v7, $0x40;
	v44 =	vand.u32 $0x7, v3  }
0x36b: {  	v6 =	vadd.s32 v7, v6;
	v46 =	vshll.u32 v3, $0x3;
	v45 =	vadd.s32 v0, v44  }
0x36c: {  	v8 =	vand.u32 $0x7FFC0, v46;
	v47 =	vand.u32 $0x7, v4;
	vm10 =	vlt.u32 v45, $0x40  }
0x36d: {  	v49 =	vshll.u32 v4, $0x3;
	v7 =	vadd.s32 v45, v8;
	v48 =	vadd.s32 v0, v47  }
0x36e: {  	v9 =	vand.u32 $0x7FFC0, v49;
	vm11 =	vlt.u32 v48, $0x40;
	v50 =	vand.u32 $0x7, v2  }
0x36f: {  	v8 =	vadd.s32 v48, v9;
	v52 =	vshll.u32 v2, $0x3;
	v51 =	vadd.s32 v0, v50  }
0x370: {  	v53 =	vand.u32 $0x7FFC0, v52;
	[tilespmem:v6+s17+$0x0] =	vst.idx.add.f32.msk vm9, v43;
	vm12 =	vlt.u32 v51, $0x40  }
0x371: {  	v3 =	vand.u32 $0xFFFF0000, v3;
	v5 =	vadd.s32 v51, v53;
	v6 =	vld [tilespmem:s13+$0x20]  }
0x372: {  	[tilespmem:v7+s17+$0x0] =	vst.idx.add.f32.msk vm10, v3  }
0x373: {  	v4 =	vand.u32 $0xFFFF0000, v4;
	v3 =	vld.idx.msk [tilespmem:v1+s1+$0x20 ss:$0x1], $0xffff  }
0x374: {  	[tilespmem:v8+s17+$0x0] =	vst.idx.add.f32.msk vm11, v4  }
0x375: {  	v2 =	vand.u32 $0xFFFF0000, v2;
	v4 =	vld.idx.msk [tilespmem:v1+s14+$0x20 ss:$0x1], $0xffff  }
0x376: {  	v54 =	vand.u32 $0x7, v6;
	[tilespmem:v5+s17+$0x0] =	vst.idx.add.f32.msk vm12, v2  }
0x377: {  	v55 =	vshll.u32 v6, $0x3;
	v2 =	vadd.s32 v0, v54;
	v56 =	vld [tilespmem:s15+$0x20]  }
0x378: {  	v5 =	vand.u32 $0x7FFC0, v55;
	vm13 =	vlt.u32 v2, $0x40  }
0x379: {  	v2 =	vadd.s32 v2, v5;
	v57 =	vand.u32 $0x7, v3;
	v58 =	vshll.u32 v3, $0x3  }
0x37a: {  	v5 =	vadd.s32 v0, v57;
	v8 =	vand.u32 $0x7FFC0, v58;
	v59 =	vand.u32 $0x7, v4  }
0x37b: {  	v61 =	vshll.u32 v4, $0x3;
	vm14 =	vlt.u32 v5, $0x40;
	v5 =	vadd.s32 v5, v8  }
0x37c: {  	v60 =	vadd.s32 v0, v59;
	v9 =	vand.u32 $0x7FFC0, v61;
	v62 =	vand.u32 $0x7, v56  }
0x37d: {  	vm15 =	vlt.u32 v60, $0x40;
	v11 =	vshll.u32 v56, $0x3;
	v10 =	vadd.s32 v0, v62  }
0x37e: {  	v8 =	vadd.s32 v60, v9;
	v63 =	vand.u32 $0x7FFC0, v11;
	vm3 =	vlt.u32 v10, $0x40  }
0x37f: {  	p4 =	por p3, p3;
	v9 =	vadd.s32 v10, v63  }
.Ltmp26:
0x380: {  	v6 =	vand.u32 $0xFFFF0000, v6;
	(pc) =	sbr.rel @p4 .LBB2_49-.Ltmp26, $4  }
0x381: {  	[tilespmem:v2+s17+$0x0] =	vst.idx.add.f32.msk vm13, v6;
	v2 =	vand.u32 $0xFFFF0000, v3  }
0x382: {  	[tilespmem:v5+s17+$0x0] =	vst.idx.add.f32.msk vm14, v2;
	v2 =	vand.u32 $0xFFFF0000, v4  }
0x383: {  	[tilespmem:v8+s17+$0x0] =	vst.idx.add.f32.msk vm15, v2;
	v2 =	vand.u32 $0xFFFF0000, v56  }
0x384: {  	p3 =	por $0x0, $0x0;
	s15 =	simm.s32 $0xC0;
	[tilespmem:v9+s17+$0x0] =	vst.idx.add.f32.msk vm3, v2  }
0x385: {  	s0 =	sadd.s32 $0x400, s25  }
0x386: {  	s1 =	sadd.s32 $0x420, s28;
	s13 =	simm.s32 $0x0;
	s14 =	simm.s32 $0x0  }
.LBB2_51:
0x387: {  	s4 =	sand.u32 $0x3FFFFF80, s0  }
0x388: {  	s4 =	sadd.s32 s4, s13  }
0x389: {  	v1 =	vld [tilespmem:s4+$0x0];
	_ =	sdelay $0x4  }
0x38a: {  	v2 =	vand.u32 $0x7, v1  }
0x38b: {  	v3 =	vshll.u32 v1, $0x3;
	v2 =	vadd.s32 v0, v2  }
0x38c: {  	v3 =	vand.u32 $0x7FFC0, v3;
	vm0 =	vlt.u32 v2, $0x40  }
0x38d: {  	v2 =	vadd.s32 v2, v3;
	_ =	sdelay $0x3  }
0x38e: {  	v1 =	vand.u32 $0xFFFF0000, v1  }
0x38f: {  	[tilespmem:v2+s17+$0x0] =	vst.idx.add.f32.msk vm0, v1  }
0x390: {  	v1 =	vld [tilespmem:s1+$0xFFFFFFF0];
	_ =	sdelay $0x4  }
0x391: {  	v2 =	vand.u32 $0x7, v1  }
0x392: {  	v3 =	vshll.u32 v1, $0x3;
	v2 =	vadd.s32 v0, v2  }
0x393: {  	v3 =	vand.u32 $0x7FFC0, v3;
	vm14 =	vlt.u32 v2, $0x40  }
0x394: {  	v2 =	vadd.s32 v2, v3;
	_ =	sdelay $0x3  }
0x395: {  	v1 =	vand.u32 $0xFFFF0000, v1  }
0x396: {  	[tilespmem:v2+s17+$0x0] =	vst.idx.add.f32.msk vm14, v1  }
0x397: {  	v1 =	vld [tilespmem:s1+$0x0];
	_ =	sdelay $0x4  }
0x398: {  	v2 =	vand.u32 $0x7, v1  }
0x399: {  	v3 =	vshll.u32 v1, $0x3;
	v2 =	vadd.s32 v0, v2  }
0x39a: {  	v3 =	vand.u32 $0x7FFC0, v3;
	vm15 =	vlt.u32 v2, $0x40  }
0x39b: {  	p3 =	sne.s32 s14, $0x60;
	v2 =	vadd.s32 v2, v3  }
.Ltmp27:
0x39c: {  	_ = 	snop;
	(pc) =	sbr.rel @p3 .LBB2_51-.Ltmp27, $3  }
0x39d: {  	_ =	sdelay $0x1  }
0x39e: {  	s0 =	sadd.s32 $0x30, s0;
	v1 =	vand.u32 $0xFFFF0000, v1  }
0x39f: {  	s14 =	sadd.s32 $0x30, s14;
	s13 =	sadd.s32 $0x30, s13;
	s1 =	sadd.s32 $0x30, s1;
	[tilespmem:v2+s17+$0x0] =	vst.idx.add.f32.msk vm15, v1  }
.Ltmp28:
0x3a0: {  	(pc) =	sbr.rel @p2 .LBB2_44-.Ltmp28, $3  }
0x3a1: {  	_ =	sdelay $0x1  }
0x3a2: {  	s0 =	simm.s32 $0x0  }
0x3a3: {  	p3 =	por $0x1, $0x1;
	s26 =	simm.s32 $0x2;
	p4 =	por $0x0, $0x0  }
.LBB2_53:
0x3a4: {  	s1 =	sand.u32 $0xC0, s0  }
0x3a5: {  	v0 =	vld [tilespmem:s1+$0xA00];
	_ =	sdelay $0x1  }
0x3a6: {  	v1 =	vld [tilespmem:s0+$0xA30];
	_ =	sdelay $0x1  }
0x3a7: {  	v2 =	vld [tilespmem:s0+$0xA60]  }
0x3a8: {  	v3 =	vshll.u32 v0, $0x3  }
0x3a9: {  	v5 =	vld [tilespmem:s0+$0xA90];
	v4 =	vand.u32 $0xFFFF0000, v0;
	v0 =	vand.u32 $0x7, v0;
	v3 =	vand.u32 $0x7FFC0, v3  }
0x3aa: {  	v31 =	vshll.u32 v1, $0x3;
	vm0 =	vne.s32 v0, $0x0;
	v3 =	vor.u32 v3, v0  }
0x3ab: {  	v6 =	vand.u32 $0x7, v1;
	v0 =	vand.u32 $0x7FFC0, v31;
	v3 =	vadd.s32 $0xFFFFFFFF, v3  }
0x3ac: {  	v32 =	vshll.u32 v2, $0x3;
	vm1 =	vne.s32 v6, $0x0;
	v0 =	vor.u32 v0, v6  }
0x3ad: {  	v7 =	vand.u32 $0x7, v2;
	v6 =	vand.u32 $0x7FFC0, v32;
	v0 =	vadd.s32 $0xFFFFFFFF, v0  }
0x3ae: {  	v33 =	vshll.u32 v5, $0x3;
	vm2 =	vne.s32 v7, $0x0;
	v6 =	vor.u32 v6, v7  }
0x3af: {  	v8 =	vand.u32 $0x7, v5;
	v7 =	vand.u32 $0x7FFC0, v33;
	v6 =	vadd.s32 $0xFFFFFFFF, v6  }
0x3b0: {  	vm8 =	vne.s32 v8, $0x0;
	v34 =	vor.u32 v7, v8;
	[tilespmem:v3+s17+$0x0] =	vst.idx.add.f32.msk vm0, v4  }
0x3b1: {  	v1 =	vand.u32 $0xFFFF0000, v1;
	v3 =	vadd.s32 $0xFFFFFFFF, v34;
	v4 =	vld [tilespmem:s0+$0xA10]  }
0x3b2: {  	[tilespmem:v0+s17+$0x0] =	vst.idx.add.f32.msk vm1, v1  }
0x3b3: {  	v35 =	vand.u32 $0xFFFF0000, v2;
	v0 =	vld [tilespmem:s0+$0xA40]  }
0x3b4: {  	[tilespmem:v6+s17+$0x0] =	vst.idx.add.f32.msk vm2, v35  }
0x3b5: {  	v36 =	vand.u32 $0xFFFF0000, v5;
	v1 =	vld [tilespmem:s0+$0xA70]  }
0x3b6: {  	[tilespmem:v3+s17+$0x0] =	vst.idx.add.f32.msk vm8, v36;
	v37 =	vshll.u32 v4, $0x3  }
0x3b7: {  	v38 =	vand.u32 $0xFFFF0000, v4;
	v39 =	vand.u32 $0x7, v4;
	v41 =	vld [tilespmem:s0+$0xAA0];
	v40 =	vand.u32 $0x7FFC0, v37  }
0x3b8: {  	vm9 =	vne.s32 v39, $0x0;
	v42 =	vshll.u32 v0, $0x3;
	v4 =	vor.u32 v40, v39  }
0x3b9: {  	v43 =	vand.u32 $0x7, v0;
	v3 =	vand.u32 $0x7FFC0, v42;
	v4 =	vadd.s32 $0xFFFFFFFF, v4  }
0x3ba: {  	vm10 =	vne.s32 v43, $0x0;
	v44 =	vshll.u32 v1, $0x3;
	v3 =	vor.u32 v3, v43  }
0x3bb: {  	v45 =	vand.u32 $0x7, v1;
	v6 =	vand.u32 $0x7FFC0, v44;
	v3 =	vadd.s32 $0xFFFFFFFF, v3  }
0x3bc: {  	vm11 =	vne.s32 v45, $0x0;
	v6 =	vor.u32 v6, v45;
	v46 =	vshll.u32 v41, $0x3  }
0x3bd: {  	v6 =	vadd.s32 $0xFFFFFFFF, v6;
	v47 =	vand.u32 $0x7, v41;
	v7 =	vand.u32 $0x7FFC0, v46  }
0x3be: {  	vm12 =	vne.s32 v47, $0x0;
	v48 =	vor.u32 v7, v47;
	[tilespmem:v4+s17+$0x0] =	vst.idx.add.f32.msk vm9, v38  }
0x3bf: {  	v0 =	vand.u32 $0xFFFF0000, v0;
	v2 =	vadd.s32 $0xFFFFFFFF, v48;
	v4 =	vld [tilespmem:s0+$0xA20]  }
0x3c0: {  	[tilespmem:v3+s17+$0x0] =	vst.idx.add.f32.msk vm10, v0  }
0x3c1: {  	v1 =	vand.u32 $0xFFFF0000, v1;
	v0 =	vld [tilespmem:s0+$0xA50]  }
0x3c2: {  	[tilespmem:v6+s17+$0x0] =	vst.idx.add.f32.msk vm11, v1  }
0x3c3: {  	v49 =	vand.u32 $0xFFFF0000, v41;
	v1 =	vld [tilespmem:s1+$0xA80]  }
0x3c4: {  	[tilespmem:v2+s17+$0x0] =	vst.idx.add.f32.msk vm12, v49  }
0x3c5: {  	v50 =	vshll.u32 v4, $0x3;
	v51 =	vand.u32 $0x7, v4;
	v53 =	vld [tilespmem:s0+$0xAB0]  }
0x3c6: {  	v52 =	vand.u32 $0x7FFC0, v50;
	v54 =	vshll.u32 v0, $0x3;
	vm13 =	vne.s32 v51, $0x0  }
0x3c7: {  	v55 =	vand.u32 $0x7, v0;
	v3 =	vor.u32 v52, v51;
	v6 =	vand.u32 $0x7FFC0, v54  }
0x3c8: {  	v56 =	vshll.u32 v1, $0x3;
	vm14 =	vne.s32 v55, $0x0;
	v57 =	vand.u32 $0x7, v1  }
0x3c9: {  	v3 =	vadd.s32 $0xFFFFFFFF, v3;
	v6 =	vor.u32 v6, v55;
	v7 =	vand.u32 $0x7FFC0, v56  }
0x3ca: {  	vm15 =	vne.s32 v57, $0x0;
	v6 =	vadd.s32 $0xFFFFFFFF, v6;
	v58 =	vshll.u32 v53, $0x3  }
0x3cb: {  	v7 =	vor.u32 v7, v57;
	v59 =	vand.u32 $0x7, v53;
	v8 =	vand.u32 $0x7FFC0, v58  }
0x3cc: {  	v60 =	vadd.s32 $0xFFFFFFFF, v7;
	vm3 =	vne.s32 v59, $0x0;
	v8 =	vor.u32 v8, v59  }
0x3cd: {  	p2 =	por p3, p3;
	v61 =	vadd.s32 $0xFFFFFFFF, v8  }
.Ltmp29:
0x3ce: {  	v4 =	vand.u32 $0xFFFF0000, v4;
	(pc) =	sbr.rel @p2 .LBB2_53-.Ltmp29, $4  }
0x3cf: {  	v0 =	vand.u32 $0xFFFF0000, v0;
	[tilespmem:v3+s17+$0x0] =	vst.idx.add.f32.msk vm13, v4  }
0x3d0: {  	v62 =	vand.u32 $0xFFFF0000, v1;
	[tilespmem:v6+s17+$0x0] =	vst.idx.add.f32.msk vm14, v0  }
0x3d1: {  	s13 =	simm.s32 $0xBA0;
	s14 =	simm.s32 $0xA00;
	v63 =	vand.u32 $0xFFFF0000, v53;
	[tilespmem:v60+s17+$0x0] =	vst.idx.add.f32.msk vm15, v62  }
0x3d2: {  	p3 =	por $0x0, $0x0;
	s1 =	simm.s32 $0x180;
	s0 =	simm.s32 $0xC0;
	[tilespmem:v61+s17+$0x0] =	vst.idx.add.f32.msk vm3, v63  }
.LBB2_54:
0x3d3: {  	s0 =	sand.u32 $0x3FFFFF80, s1  }
0x3d4: {  	s0 =	sadd.s32 s0, s14  }
0x3d5: {  	v0 =	vld [tilespmem:s0+$0x0];
	_ =	sdelay $0x4  }
0x3d6: {  	v1 =	vshll.u32 v0, $0x3  }
0x3d7: {  	v2 =	vand.u32 $0x7, v0;
	v1 =	vand.u32 $0x7FFC0, v1  }
0x3d8: {  	vm0 =	vne.s32 v2, $0x0;
	v1 =	vor.u32 v1, v2  }
0x3d9: {  	v1 =	vadd.s32 $0xFFFFFFFF, v1;
	_ =	sdelay $0x3  }
0x3da: {  	v0 =	vand.u32 $0xFFFF0000, v0  }
0x3db: {  	[tilespmem:v1+s17+$0x0] =	vst.idx.add.f32.msk vm0, v0  }
0x3dc: {  	v0 =	vld [tilespmem:s13+$0xFFFFFFF0];
	_ =	sdelay $0x4  }
0x3dd: {  	v60 =	vshll.u32 v0, $0x3  }
0x3de: {  	v61 =	vand.u32 $0x7, v0;
	v1 =	vand.u32 $0x7FFC0, v60  }
0x3df: {  	vm14 =	vne.s32 v61, $0x0;
	v1 =	vor.u32 v1, v61  }
0x3e0: {  	v1 =	vadd.s32 $0xFFFFFFFF, v1;
	_ =	sdelay $0x3  }
0x3e1: {  	v0 =	vand.u32 $0xFFFF0000, v0  }
0x3e2: {  	[tilespmem:v1+s17+$0x0] =	vst.idx.add.f32.msk vm14, v0  }
0x3e3: {  	v0 =	vld [tilespmem:s13+$0x0];
	_ =	sdelay $0x4  }
0x3e4: {  	v62 =	vshll.u32 v0, $0x3  }
0x3e5: {  	v63 =	vand.u32 $0x7, v0;
	v1 =	vand.u32 $0x7FFC0, v62  }
0x3e6: {  	vm15 =	vne.s32 v63, $0x0;
	v1 =	vor.u32 v1, v63  }
0x3e7: {  	p2 =	seq.s32 s1, $0x1E0;
	v1 =	vadd.s32 $0xFFFFFFFF, v1  }
.Ltmp30:
0x3e8: {  	_ = 	snop;
	(pc) =	sbr.rel @!p2 .LBB2_54-.Ltmp30, $3  }
0x3e9: {  	_ =	sdelay $0x1  }
0x3ea: {  	v0 =	vand.u32 $0xFFFF0000, v0  }
0x3eb: {  	s1 =	sadd.s32 $0x30, s1;
	s14 =	sadd.s32 $0x30, s14;
	s13 =	sadd.s32 $0x30, s13;
	[tilespmem:v1+s17+$0x0] =	vst.idx.add.f32.msk vm15, v0  }
.Ltmp31:
0x3ec: {  	(pc) =	sbr.rel .LBB2_57-.Ltmp31, $2  }
0x3ed: {  	_ =	sdelay $0x2  }
0x3ee: {  	s0 =	rddreg [dreg:$0x6]  }
.LBB2_59:
0x3ef: {  	_ =	sfence.sel $0x180000  }
0x3f0: {  	[bflag:$0x0] =	sbarrier.arrive $0xFFFF  }
0x3f1: {  	_ =	strace $0x90000047  }
0x3f2: {  	s0 =	stileid.u32;
	[bflag:$0x2] =	sbarrier.arrive $0xFFFF  }
0x3f3: {  	p0 =	sne.s32 s0, $0x0;
	s0 =	rddreg [dreg:$0x2]  }
0x3f4: {  	s0 =	sadd.s32 @!p0 $0x100000, s0  }
0x3f5: {  	[sflag:s0] =	ssyncadd.tile.s32 @!p0 $0x1;
	_ =	shalt  }
.Lfunc_end2:
_tile_overlayer_lowered:
.L_overlay_start_2:
0x3f6: {  	(tag) =	ssettag $0x2  }
0x3f7: {  	s0 =	rddreg [dreg:$0x0];
	s2 =	stileid.u32  }
0x3f8: {  	s1 =	rddreg [dreg:$0x1];
	p0 =	sne.s32 s2, $0x0  }
0x3f9: {  	s3 =	rddreg [dreg:$0x2];
	[bflag:$0x3] =	sbarrier.arrive $0xFFFF;
	s2 =	simm.s32 @!p0 $0x1C03  }
0x3fa: {  	[timem:s3], [sflag:s2] =	dma.local @!p0 [hbm:s0], s1  }
0x3fb: {  	s0 =	simm.s32 @!p0 $0x3  }
0x3fc: {  	_ =	swait.ge @!p0 [sflag:s0], s1  }
0x3fd: {  	s1 =	ssub.s32 @!p0 $0x0, s1;
	[sflag:s0] =	ssyncset.done @!p0 $0x0  }
0x3fe: {  	[sflag:s0] =	ssyncadd.s32 @!p0 s1  }
0x3ff: {  	[bflag:$0x3] =	sbarrier.arrive $0xFFFF  }
0x400: {  	_ =	shalt  }

</sc_bundles>
